<compile_context>
chip_gen: v7x
topology: tpu7x:2x2x1
jax: 0.10.2.dev20260603
libtpu: 0.0.44.dev20260713+nightly
codegen_flags: <defaults>
</compile_context>

<pallas_src>
import functools

import jax
import jax.numpy as jnp
from jax import lax
from jax.experimental import pallas as pl
from jax.experimental.pallas import tpu as pltpu
from jax.experimental.pallas import tpu_sc as plsc

EPS = 1e-5

NC = 2
NS = 16
NW = NC * NS

CH = 80


def _gn(x, g, b):
    m = jnp.mean(x, axis=1, keepdims=True)
    d = x - m
    v = jnp.mean(d * d, axis=1, keepdims=True)
    return d * lax.rsqrt(v + EPS) * g + b


def _pack(lo, hi):
    lo_b = lax.bitcast_convert_type(lo.astype(jnp.bfloat16), jnp.int16)
    hi_b = lax.bitcast_convert_type(hi.astype(jnp.bfloat16), jnp.int16)
    lo_i = lo_b.astype(jnp.int32) & jnp.int32(0xFFFF)
    hi_i = hi_b.astype(jnp.int32)
    return (hi_i << 16) | lo_i


def _unpack(w):
    lo = lax.bitcast_convert_type(w << 16, jnp.float32)
    hi = lax.bitcast_convert_type(w & jnp.int32(-65536), jnp.float32)
    return lo, hi


def _pre_body(agts, ctx, actrs, cctrs, w1t, b1, qwT, qg, qb, w1qT, w1xT, awT,
              ta_out, tc_out, a0_out):
    pa = (actrs[:, 0:1] * w1t[0:1, :] + actrs[:, 1:2] * w1t[1:2, :]) + b1[...]
    q = jax.nn.relu(_gn(jnp.dot(agts[...], qwT[...],
                                preferred_element_type=jnp.float32),
                        qg[...], qb[...]))
    qc = jnp.dot(q, w1qT[...], preferred_element_type=jnp.float32)
    ta_out[...] = _pack(pa, qc)

    pcn = -(cctrs[:, 0:1] * w1t[0:1, :] + cctrs[:, 1:2] * w1t[1:2, :])
    xc = jnp.dot(ctx[...], w1xT[...], preferred_element_type=jnp.float32)
    tc_out[...] = _pack(pcn, xc)

    a0_out[...] = jnp.dot(agts[...], awT[...],
                          preferred_element_type=jnp.float32)


def _run_pre(agts, ctx, actrs, cctrs, w1t, b1, qwT, qg, qb, w1qT, w1xT, awT,
             n_blk, interpret=False):
    n = agts.shape[0]
    d = agts.shape[1]
    grid = (n // n_blk,)
    full = lambda r, c: pl.BlockSpec((r, c), lambda i: (0, 0))
    row = lambda c: pl.BlockSpec((n_blk, c), lambda i: (i, 0))
    return pl.pallas_call(
        _pre_body,
        grid=grid,
        in_specs=[row(d), row(d), row(2), row(2), full(2, d), full(1, d),
                  full(d, d), full(1, d), full(1, d), full(d, d), full(d, d),
                  full(d, d)],
        out_specs=[row(d), row(d), row(d)],
        out_shape=[jax.ShapeDtypeStruct((n, d), jnp.int32),
                   jax.ShapeDtypeStruct((n, d), jnp.int32),
                   jax.ShapeDtypeStruct((n, d), jnp.float32)],
        interpret=interpret,
    )(agts, ctx, actrs, cctrs, w1t, b1, qwT, qg, qb, w1qT, w1xT, awT)


def _gather_body(nchunk, epw, ch, base0, ta_hbm, tc_hbm, hi_hbm, wi_hbm,
                 g1_hbm, g2_hbm, hi_v, wi_v, a0, a1, b0, b1,
                 sga0, sga1, sgb0, sgb1, sta0, sta1, stb0, stb1):
    c = lax.axis_index("c")
    s = lax.axis_index("s")
    w = s * NC + c
    base = base0 + w * epw
    A = (a0, a1)
    B = (b0, b1)
    SGA = (sga0, sga1)
    SGB = (sgb0, sgb1)
    STA = (sta0, sta1)
    STB = (stb0, stb1)
    pltpu.sync_copy(hi_hbm.at[w], hi_v)
    pltpu.sync_copy(wi_hbm.at[w], wi_v)

    def g_slice(g_hbm, j):
        off = pl.multiple_of(base + j * ch, 8)
        return g_hbm.at[pl.ds(off, ch)]

    def issue(j, p):
        pltpu.async_copy(ta_hbm.at[hi_v.at[j]], A[p], SGA[p])
        pltpu.async_copy(tc_hbm.at[wi_v.at[j]], B[p], SGB[p])

    def half(j, p):
        @pl.when(j + 1 < nchunk)
        def _():
            @pl.when(j >= 1)
            def _():
                pltpu.make_async_copy(A[1 - p], g_slice(g1_hbm, j - 1),
                                      STA[1 - p]).wait()
                pltpu.make_async_copy(B[1 - p], g_slice(g2_hbm, j - 1),
                                      STB[1 - p]).wait()
            issue(j + 1, 1 - p)

        pltpu.make_async_copy(ta_hbm.at[hi_v.at[j]], A[p], SGA[p]).wait()
        pltpu.make_async_copy(tc_hbm.at[wi_v.at[j]], B[p], SGB[p]).wait()
        pltpu.async_copy(A[p], g_slice(g1_hbm, j), STA[p])
        pltpu.async_copy(B[p], g_slice(g2_hbm, j), STB[p])

    issue(0, 0)

    def body(i, carry):
        half(2 * i, 0)
        half(2 * i + 1, 1)
        return carry

    lax.fori_loop(0, nchunk // 2, body, 0)
    if nchunk % 2:
        half(jnp.int32(nchunk - 1), 0)
    pq = (nchunk - 1) % 2
    pltpu.make_async_copy(A[pq], g_slice(g1_hbm, nchunk - 1), STA[pq]).wait()
    pltpu.make_async_copy(B[pq], g_slice(g2_hbm, nchunk - 1), STB[pq]).wait()
    pltpu.make_async_copy(A[1 - pq], g_slice(g1_hbm, nchunk - 2),
                          STA[1 - pq]).wait()
    pltpu.make_async_copy(B[1 - pq], g_slice(g2_hbm, nchunk - 2),
                          STB[1 - pq]).wait()


def _run_gather(ta, tc, hi3, wi3, g_shape, ch, base0):
    d2 = ta.shape[1]
    nchunk = hi3.shape[1]
    epw = nchunk * ch
    mesh = plsc.VectorSubcoreMesh(core_axis_name="c", subcore_axis_name="s")
    kern = pl.kernel(
        functools.partial(_gather_body, nchunk, epw, ch, base0),
        out_type=(g_shape, g_shape),
        mesh=mesh,
        scratch_types=[
            pltpu.VMEM((nchunk, ch), jnp.int32),
            pltpu.VMEM((nchunk, ch), jnp.int32),
            pltpu.VMEM((ch, d2), jnp.int32),
            pltpu.VMEM((ch, d2), jnp.int32),
            pltpu.VMEM((ch, d2), jnp.int32),
            pltpu.VMEM((ch, d2), jnp.int32),
        ] + [pltpu.SemaphoreType.DMA] * 8,
    )
    return kern(ta, tc, hi3, wi3)


def _mlp_body(g1_ref, g2_ref, w2T, dg, db, w1dT, cg, cb, cw2T, out_ref):
    lo1, hi1 = _unpack(g1_ref[...])
    lo2, hi2 = _unpack(g2_ref[...])
    lo = lo1 + lo2
    hi = hi1 + hi2
    d1 = jax.nn.relu(lo)
    t = jnp.dot(d1, w2T[...], preferred_element_type=jnp.float32)
    d2 = jax.nn.relu(_gn(t, dg[...], db[...]))
    pre = jnp.dot(d2, w1dT[...], preferred_element_type=jnp.float32) + hi
    cc = jax.nn.relu(_gn(pre, cg[...], cb[...]))
    out_ref[...] = jnp.dot(cc, cw2T[...], preferred_element_type=jnp.float32)


def _run_mlp(g1, g2, w2T, dg, db, w1dT, cg, cb, cw2T, e_blk,
             interpret=False):
    e, d = g1.shape
    grid = (e // e_blk,)
    full = lambda r, c: pl.BlockSpec((r, c), lambda i: (0, 0))
    row = pl.BlockSpec((e_blk, d), lambda i: (i, 0))
    return pl.pallas_call(
        _mlp_body,
        grid=grid,
        in_specs=[row, row,
                  full(d, d), full(1, d), full(1, d), full(d, d),
                  full(1, d), full(1, d), full(d, d)],
        out_specs=pl.BlockSpec((e_blk, d), lambda i: (i, 0)),
        out_shape=jax.ShapeDtypeStruct((e, d), jnp.float32),
        interpret=interpret,
    )(g1, g2, w2T, dg, db, w1dT, cg, cb, cw2T)


def _scatter_body(n, d, nchunk, epw, ch, base0, msg_hbm, hi_hbm, parts_hbm,
                  accum, hi_v, rows_v, rows_b, srd0, srd1, ssc0, ssc1):
    c = lax.axis_index("c")
    s = lax.axis_index("s")
    w = s * NC + c
    base = base0 + w * epw
    n_node_chunks = n // ch
    my_chunks = (n_node_chunks - s + NS - 1) // NS

    def zb(i, carry):
        r = i // (d // 16)
        k = i % (d // 16)
        rows_v[r, pl.ds(k * 16, 16)] = jnp.zeros((16,), jnp.float32)
        return carry

    lax.fori_loop(0, ch * (d // 16), zb, 0)

    def zc(t, carry):
        zoff = pl.multiple_of((s + t * NS) * ch, 8)
        pltpu.sync_copy(rows_v, accum.at[pl.ds(zoff, ch)])
        return carry

    lax.fori_loop(0, my_chunks, zc, 0)
    plsc.subcore_barrier()

    pltpu.sync_copy(hi_hbm.at[w], hi_v)

    R = (rows_v, rows_b)
    SRD = (srd0, srd1)
    SSC = (ssc0, ssc1)

    def m_slice(j):
        off = pl.multiple_of(base + j * ch, 8)
        return msg_hbm.at[pl.ds(off, ch)]

    def half(j, p):
        @pl.when(j + 1 < nchunk)
        def _():
            @pl.when(j >= 1)
            def _():
                pltpu.make_async_copy(R[1 - p], accum.at[hi_v.at[j]],
                                      SSC[1 - p]).wait()
            pltpu.async_copy(m_slice(j + 1), R[1 - p], SRD[1 - p])

        pltpu.make_async_copy(m_slice(j), R[p], SRD[p]).wait()
        pltpu.async_copy(R[p], accum.at[hi_v.at[j]], SSC[p], add=True)

    pltpu.async_copy(m_slice(0), R[0], SRD[0])

    def body(i, carry):
        half(2 * i, 0)
        half(2 * i + 1, 1)
        return carry

    lax.fori_loop(0, nchunk // 2, body, 0)
    if nchunk % 2:
        half(jnp.int32(nchunk - 1), 0)
    pltpu.make_async_copy(R[(nchunk - 1) % 2], accum.at[hi_v.at[0]],
                          SSC[(nchunk - 1) % 2]).wait()
    pltpu.make_async_copy(R[nchunk % 2], accum.at[hi_v.at[0]],
                          SSC[nchunk % 2]).wait()
    plsc.subcore_barrier()

    def dump(t, carry):
        off = pl.multiple_of((s + t * NS) * ch, 8)
        pltpu.sync_copy(accum.at[pl.ds(off, ch)], rows_v)
        pltpu.sync_copy(rows_v, parts_hbm.at[c].at[pl.ds(off, ch)])
        return carry

    lax.fori_loop(0, my_chunks, dump, 0)


def _run_scatter(msg, hi3, n, ch, base0):
    d = msg.shape[1]
    nchunk = hi3.shape[1]
    epw = nchunk * ch
    mesh = plsc.VectorSubcoreMesh(core_axis_name="c", subcore_axis_name="s")
    kern = pl.kernel(
        functools.partial(_scatter_body, n, d, nchunk, epw, ch, base0),
        out_type=jax.ShapeDtypeStruct((NC, n, d), jnp.float32),
        mesh=mesh,
        scratch_types=[
            pltpu.VMEM_SHARED((n, d), jnp.float32),
            pltpu.VMEM((nchunk, ch), jnp.int32),
            pltpu.VMEM((ch, d), jnp.float32),
            pltpu.VMEM((ch, d), jnp.float32),
            pltpu.SemaphoreType.DMA,
            pltpu.SemaphoreType.DMA,
            pltpu.SemaphoreType.DMA,
            pltpu.SemaphoreType.DMA,
        ],
    )
    return kern(msg, hi3)


def _post_body(a0, parts, agts, ng, nb, lwT, lg, lb, out_ref):
    a = a0[...]
    for i in range(parts.shape[0]):
        a = a + parts[i]
    a = jax.nn.relu(_gn(a, ng[...], nb[...]))
    b2 = jnp.dot(a, lwT[...], preferred_element_type=jnp.float32)
    b2 = _gn(b2, lg[...], lb[...])
    out_ref[...] = jax.nn.relu(b2 + agts[...])


def _run_post(a0, parts, agts, ng, nb, lwT, lg, lb, n_blk, interpret=False):
    n, d = a0.shape
    np_ = parts.shape[0]
    grid = (n // n_blk,)
    full = lambda r, c: pl.BlockSpec((r, c), lambda i: (0, 0))
    row = lambda c: pl.BlockSpec((n_blk, c), lambda i: (i, 0))
    return pl.pallas_call(
        _post_body,
        grid=grid,
        in_specs=[row(d), pl.BlockSpec((np_, n_blk, d), lambda i: (0, i, 0)),
                  row(d), full(1, d), full(1, d), full(d, d), full(1, d),
                  full(1, d)],
        out_specs=row(d),
        out_shape=jax.ShapeDtypeStruct((n, d), jnp.float32),
        interpret=interpret,
    )(a0, parts, agts, ng, nb, lwT, lg, lb)


def kernel(agts, ctx, agt_ctrs, ctx_ctrs, hi, wi, dist_w1, dist_b1, dist_w2,
           dist_gn_g, dist_gn_b, query_w, query_gn_g, query_gn_b, ctx_w1,
           ctx_gn_g, ctx_gn_b, ctx_w2, agt_w, norm_g, norm_b, lin_w,
           lin_gn_g, lin_gn_b):
    n, d = agts.shape
    e = hi.shape[0]
    K = 2
    ek = e // K
    ch = 40
    nchunk = ek // NW // ch

    r1 = lambda x: x.reshape(1, d)
    ta, tc, a0 = _run_pre(
        agts, ctx, agt_ctrs, ctx_ctrs,
        dist_w1.T, dist_b1.reshape(1, d), query_w.T,
        r1(query_gn_g), r1(query_gn_b),
        ctx_w1[:, d:2 * d].T, ctx_w1[:, 2 * d:3 * d].T, agt_w.T,
        n_blk=1000)

    parts_list = []
    for k in range(K):
        hi_k = lax.slice(hi, (k * ek,), ((k + 1) * ek,))
        wi_k = lax.slice(wi, (k * ek,), ((k + 1) * ek,))
        hi3 = hi_k.reshape(NW, nchunk, ch)
        wi3 = wi_k.reshape(NW, nchunk, ch)
        g1, g2 = _run_gather(ta, tc, hi3, wi3,
                             jax.ShapeDtypeStruct((ek, d), jnp.int32),
                             ch, 0)
        msg = _run_mlp(g1, g2, dist_w2.T, r1(dist_gn_g), r1(dist_gn_b),
                       ctx_w1[:, :d].T, r1(ctx_gn_g), r1(ctx_gn_b),
                       ctx_w2.T, e_blk=1280)
        parts_list.append(_run_scatter(msg, hi3, n, ch, 0))

    parts = jnp.concatenate(parts_list, axis=0)
    return _run_post(a0, parts, agts, r1(norm_g), r1(norm_b), lin_w.T,
                     r1(lin_gn_g), r1(lin_gn_b), n_blk=1000)

# --- scband reference (transcript-rebuilt; emitter-appended) ---
"""Pipeline reference for scband-lanegcn-vanilla-gan-60155311948394 (READ-ONLY COPY).

The authoritative reference and input builder live on the scoring server;
editing this copy changes nothing except your own understanding.
"""

import jax, jax.numpy as jnp
import numpy as np

N_AGT = 10000
N_CTX = 10000
E = 320000
D = 128
EPS = 1e-5


def group_norm(x, g, b):
    m = x.mean(axis=1, keepdims=True)
    v = x.var(axis=1, keepdims=True)
    return (x - m) / jnp.sqrt(v + EPS) * g + b


def setup_inputs(seed: int = 0):
    key = jax.random.key(seed)
    ks = jax.random.split(key, 24)
    s = 0.05
    inp = {}
    inp['agts'] = jax.random.normal(ks[0], (N_AGT, D), dtype=jnp.float32)
    inp['ctx'] = jax.random.normal(ks[1], (N_CTX, D), dtype=jnp.float32)
    inp['agt_ctrs'] = jax.random.normal(ks[2], (N_AGT, 2), dtype=jnp.float32) * 50.0
    inp['ctx_ctrs'] = jax.random.normal(ks[3], (N_CTX, 2), dtype=jnp.float32) * 50.0
    inp['hi'] = jax.random.randint(ks[4], (E,), 0, N_AGT, dtype=jnp.int32)
    inp['wi'] = jax.random.randint(ks[5], (E,), 0, N_CTX, dtype=jnp.int32)
    inp['dist_w1'] = jax.random.normal(ks[6], (D, 2), dtype=jnp.float32) * s
    inp['dist_b1'] = jnp.zeros((D,), dtype=jnp.float32)
    inp['dist_w2'] = jax.random.normal(ks[7], (D, D), dtype=jnp.float32) * s
    inp['dist_gn_g'] = jnp.ones((D,), dtype=jnp.float32)
    inp['dist_gn_b'] = jnp.zeros((D,), dtype=jnp.float32)
    inp['query_w'] = jax.random.normal(ks[8], (D, D), dtype=jnp.float32) * s
    inp['query_gn_g'] = jnp.ones((D,), dtype=jnp.float32)
    inp['query_gn_b'] = jnp.zeros((D,), dtype=jnp.float32)
    inp['ctx_w1'] = jax.random.normal(ks[9], (D, 3 * D), dtype=jnp.float32) * s
    inp['ctx_gn_g'] = jnp.ones((D,), dtype=jnp.float32)
    inp['ctx_gn_b'] = jnp.zeros((D,), dtype=jnp.float32)
    inp['ctx_w2'] = jax.random.normal(ks[10], (D, D), dtype=jnp.float32) * s
    inp['agt_w'] = jax.random.normal(ks[11], (D, D), dtype=jnp.float32) * s
    inp['norm_g'] = jnp.ones((D,), dtype=jnp.float32)
    inp['norm_b'] = jnp.zeros((D,), dtype=jnp.float32)
    inp['lin_w'] = jax.random.normal(ks[12], (D, D), dtype=jnp.float32) * s
    inp['lin_gn_g'] = jnp.ones((D,), dtype=jnp.float32)
    inp['lin_gn_b'] = jnp.zeros((D,), dtype=jnp.float32)
    return inp


def reference(agts, ctx, agt_ctrs, ctx_ctrs, hi, wi, dist_w1, dist_b1, dist_w2, dist_gn_g, dist_gn_b, query_w, query_gn_g, query_gn_b, ctx_w1, ctx_gn_g, ctx_gn_b, ctx_w2, agt_w, norm_g, norm_b, lin_w, lin_gn_g, lin_gn_b):
    res = agts
    # per-edge relative displacement (gather by edge endpoints)
    dist = agt_ctrs[hi] - ctx_ctrs[wi]
    # self.dist: Linear(2, n_ctx) + ReLU + Linear(n_ctx, n_ctx, GN) (no-bias linear + GroupNorm(1) + ReLU)
    d = jax.nn.relu(dist @ dist_w1.T + dist_b1)
    d = jax.nn.relu(group_norm(d @ dist_w2.T, dist_gn_g, dist_gn_b))
    # self.query: Linear(n_agt, n_ctx, GN) applied to gathered agent feats
    q = jax.nn.relu(group_norm(agts[hi] @ query_w.T, query_gn_g, query_gn_b))
    # concat (dist, query, ctx) per edge, then self.ctx MLP
    c = jnp.concatenate([d, q, ctx[wi]], axis=1)
    c = jax.nn.relu(group_norm(c @ ctx_w1.T, ctx_gn_g, ctx_gn_b))
    c = c @ ctx_w2.T
    # self.agt projection then index_add_ scatter of edge messages onto agents
    a = agts @ agt_w.T
    a = a.at[hi].add(c)
    # GroupNorm + ReLU + Linear(GN, act=False) + residual + ReLU
    a = jax.nn.relu(group_norm(a, norm_g, norm_b))
    a = group_norm(a @ lin_w.T, lin_gn_g, lin_gn_b)
    a = a + res
    return jax.nn.relu(a)

if __name__ == "__main__":
    import jax
    _d = setup_inputs()
    print(jax.jit(kernel)(*tuple(_d.values())))

</pallas_src>

<mosaic_0001>
#map = affine_map<(d0, d1) -> (0, 0)>
#map1 = affine_map<(d0, d1) -> (0, 0, 0)>
module attributes {stable_mosaic.version = 14 : i64} {
  func.func @_gather_body(%arg0: i32, %arg1: i32, %arg2: memref<10000x128xi32, #tpu.memory_space<hbm>>, %arg3: memref<10000x128xi32, #tpu.memory_space<hbm>>, %arg4: memref<32x125x40xi32, #tpu.memory_space<hbm>>, %arg5: memref<32x125x40xi32, #tpu.memory_space<hbm>>, %arg6: memref<160000x128xi32, #tpu.memory_space<hbm>>, %arg7: memref<160000x128xi32, #tpu.memory_space<hbm>>, %arg8: memref<125x40xi32, #tpu.memory_space<vmem>>, %arg9: memref<125x40xi32, #tpu.memory_space<vmem>>, %arg10: memref<40x128xi32, #tpu.memory_space<vmem>>, %arg11: memref<40x128xi32, #tpu.memory_space<vmem>>, %arg12: memref<40x128xi32, #tpu.memory_space<vmem>>, %arg13: memref<40x128xi32, #tpu.memory_space<vmem>>, %arg14: memref<!tpu.dma_semaphore, #tpu.memory_space<semaphore_mem>>, %arg15: memref<!tpu.dma_semaphore, #tpu.memory_space<semaphore_mem>>, %arg16: memref<!tpu.dma_semaphore, #tpu.memory_space<semaphore_mem>>, %arg17: memref<!tpu.dma_semaphore, #tpu.memory_space<semaphore_mem>>, %arg18: memref<!tpu.dma_semaphore, #tpu.memory_space<semaphore_mem>>, %arg19: memref<!tpu.dma_semaphore, #tpu.memory_space<semaphore_mem>>, %arg20: memref<!tpu.dma_semaphore, #tpu.memory_space<semaphore_mem>>, %arg21: memref<!tpu.dma_semaphore, #tpu.memory_space<semaphore_mem>>) attributes {dimension_semantics = [#tpu.dimension_semantics<core_parallel>, #tpu.dimension_semantics<subcore_parallel>], iteration_bounds = array<i64: 2, 16>, scalar_prefetch = 0 : i64, scratch_operands = 14 : i64, tpu.core_type = #tpu.core_type<sc_vector_subcore>, window_params = [{transform_indices = #map}, {transform_indices = #map}, {transform_indices = #map1}, {transform_indices = #map1}, {transform_indices = #map}, {transform_indices = #map}]} {
    %mul3A = arith.constant 2 : i32
    %mul3A_0 = arith.muli %arg1, %mul3A : i32
    %add3A = arith.addi %mul3A_0, %arg0 : i32
    %mul3A_1 = arith.constant 5000 : i32
    %mul3A_2 = arith.muli %add3A, %mul3A_1 : i32
    %add3A_3 = arith.constant 0 : i32
    %add3A_4 = arith.addi %add3A_3, %mul3A_2 : i32
    "tpu.region"() ({
      %run_scoped3A = tpu.sem_alloc : memref<!tpu.dma_semaphore, #tpu.memory_space<semaphore_mem>>
      %dma_start3A_87 = arith.constant 0 : i32
      %dma_start3A_88 = arith.constant 0 : i32
      %dma_start3A_89 = tpu.memref_slice %arg4[%add3A, %dma_start3A_87, %dma_start3A_88] : memref<32x125x40xi32, #tpu.memory_space<hbm>> -> memref<1x125x40xi32, #tpu.memory_space<hbm>>
      %dma_start3A_90 = tpu.memref_squeeze %dma_start3A_89 : memref<1x125x40xi32, #tpu.memory_space<hbm>> -> memref<125x40xi32, #tpu.memory_space<hbm>>
      %dma_start3A_91 = arith.constant 0 : i32
      %dma_start3A_92 = arith.constant 0 : i32
      %dma_start3A_93 = tpu.memref_slice %arg4[%add3A, %dma_start3A_91, %dma_start3A_92] : memref<32x125x40xi32, #tpu.memory_space<hbm>> -> memref<1x125x40xi32, #tpu.memory_space<hbm>>
      %dma_start3A_94 = tpu.memref_squeeze %dma_start3A_93 : memref<1x125x40xi32, #tpu.memory_space<hbm>> -> memref<125x40xi32, #tpu.memory_space<hbm>>
      tpu.enqueue_dma source(%dma_start3A_94 : memref<125x40xi32, #tpu.memory_space<hbm>>) target(%arg8 : memref<125x40xi32, #tpu.memory_space<vmem>>) target_semaphore(%run_scoped3A : memref<!tpu.dma_semaphore, #tpu.memory_space<semaphore_mem>>)
      %dma_wait3A_95 = arith.constant 0 : i32
      %dma_wait3A_96 = arith.constant 0 : i32
      %dma_wait3A_97 = tpu.memref_slice %arg4[%add3A, %dma_wait3A_95, %dma_wait3A_96] : memref<32x125x40xi32, #tpu.memory_space<hbm>> -> memref<1x125x40xi32, #tpu.memory_space<hbm>>
      %dma_wait3A_98 = tpu.memref_squeeze %dma_wait3A_97 : memref<1x125x40xi32, #tpu.memory_space<hbm>> -> memref<125x40xi32, #tpu.memory_space<hbm>>
      %dma_wait3A_99 = arith.constant 0 : i32
      %dma_wait3A_100 = arith.constant 0 : i32
      %dma_wait3A_101 = tpu.memref_slice %arg4[%add3A, %dma_wait3A_99, %dma_wait3A_100] : memref<32x125x40xi32, #tpu.memory_space<hbm>> -> memref<1x125x40xi32, #tpu.memory_space<hbm>>
      %dma_wait3A_102 = tpu.memref_squeeze %dma_wait3A_101 : memref<1x125x40xi32, #tpu.memory_space<hbm>> -> memref<125x40xi32, #tpu.memory_space<hbm>>
      tpu.wait_dma2 semaphore(%run_scoped3A : memref<!tpu.dma_semaphore, #tpu.memory_space<semaphore_mem>>) src(%dma_wait3A_102 : memref<125x40xi32, #tpu.memory_space<hbm>>) dst(%arg8 : memref<125x40xi32, #tpu.memory_space<vmem>>)
      tpu.yield
    }) : () -> ()
    "tpu.region"() ({
      %run_scoped3A = tpu.sem_alloc : memref<!tpu.dma_semaphore, #tpu.memory_space<semaphore_mem>>
      %dma_start3A_87 = arith.constant 0 : i32
      %dma_start3A_88 = arith.constant 0 : i32
      %dma_start3A_89 = tpu.memref_slice %arg5[%add3A, %dma_start3A_87, %dma_start3A_88] : memref<32x125x40xi32, #tpu.memory_space<hbm>> -> memref<1x125x40xi32, #tpu.memory_space<hbm>>
      %dma_start3A_90 = tpu.memref_squeeze %dma_start3A_89 : memref<1x125x40xi32, #tpu.memory_space<hbm>> -> memref<125x40xi32, #tpu.memory_space<hbm>>
      %dma_start3A_91 = arith.constant 0 : i32
      %dma_start3A_92 = arith.constant 0 : i32
      %dma_start3A_93 = tpu.memref_slice %arg5[%add3A, %dma_start3A_91, %dma_start3A_92] : memref<32x125x40xi32, #tpu.memory_space<hbm>> -> memref<1x125x40xi32, #tpu.memory_space<hbm>>
      %dma_start3A_94 = tpu.memref_squeeze %dma_start3A_93 : memref<1x125x40xi32, #tpu.memory_space<hbm>> -> memref<125x40xi32, #tpu.memory_space<hbm>>
      tpu.enqueue_dma source(%dma_start3A_94 : memref<125x40xi32, #tpu.memory_space<hbm>>) target(%arg9 : memref<125x40xi32, #tpu.memory_space<vmem>>) target_semaphore(%run_scoped3A : memref<!tpu.dma_semaphore, #tpu.memory_space<semaphore_mem>>)
      %dma_wait3A_95 = arith.constant 0 : i32
      %dma_wait3A_96 = arith.constant 0 : i32
      %dma_wait3A_97 = tpu.memref_slice %arg5[%add3A, %dma_wait3A_95, %dma_wait3A_96] : memref<32x125x40xi32, #tpu.memory_space<hbm>> -> memref<1x125x40xi32, #tpu.memory_space<hbm>>
      %dma_wait3A_98 = tpu.memref_squeeze %dma_wait3A_97 : memref<1x125x40xi32, #tpu.memory_space<hbm>> -> memref<125x40xi32, #tpu.memory_space<hbm>>
      %dma_wait3A_99 = arith.constant 0 : i32
      %dma_wait3A_100 = arith.constant 0 : i32
      %dma_wait3A_101 = tpu.memref_slice %arg5[%add3A, %dma_wait3A_99, %dma_wait3A_100] : memref<32x125x40xi32, #tpu.memory_space<hbm>> -> memref<1x125x40xi32, #tpu.memory_space<hbm>>
      %dma_wait3A_102 = tpu.memref_squeeze %dma_wait3A_101 : memref<1x125x40xi32, #tpu.memory_space<hbm>> -> memref<125x40xi32, #tpu.memory_space<hbm>>
      tpu.wait_dma2 semaphore(%run_scoped3A : memref<!tpu.dma_semaphore, #tpu.memory_space<semaphore_mem>>) src(%dma_wait3A_102 : memref<125x40xi32, #tpu.memory_space<hbm>>) dst(%arg9 : memref<125x40xi32, #tpu.memory_space<vmem>>)
      tpu.yield
    }) : () -> ()
    %dma_start3A = arith.constant 0 : i32
    %dma_start3A_5 = arith.constant 0 : i32
    %dma_start3A_6 = tpu.memref_slice %arg8[%dma_start3A, %dma_start3A_5] : memref<125x40xi32, #tpu.memory_space<vmem>> -> memref<1x40xi32, #tpu.memory_space<vmem>>
    %dma_start3A_7 = tpu.memref_squeeze %dma_start3A_6 : memref<1x40xi32, #tpu.memory_space<vmem>> -> memref<40xi32, #tpu.memory_space<vmem>>
    %dma_start3A_8 = arith.constant 0 : i32
    %dma_start3A_9 = arith.constant 0 : i32
    %dma_start3A_10 = tpu.memref_slice %arg2[%dma_start3A_8, %dma_start3A_9] : memref<10000x128xi32, #tpu.memory_space<hbm>> -> memref<10000x128xi32, #tpu.memory_space<hbm>>
    tpu.enqueue_indirect_dma source(%dma_start3A_10 : memref<10000x128xi32, #tpu.memory_space<hbm>>) target(%arg10 : memref<40x128xi32, #tpu.memory_space<vmem>>) offsets(%dma_start3A_7 : memref<40xi32, #tpu.memory_space<vmem>>) semaphore(%arg14 : memref<!tpu.dma_semaphore, #tpu.memory_space<semaphore_mem>>)
    %dma_start3A_11 = arith.constant 0 : i32
    %dma_start3A_12 = arith.constant 0 : i32
    %dma_start3A_13 = tpu.memref_slice %arg9[%dma_start3A_11, %dma_start3A_12] : memref<125x40xi32, #tpu.memory_space<vmem>> -> memref<1x40xi32, #tpu.memory_space<vmem>>
    %dma_start3A_14 = tpu.memref_squeeze %dma_start3A_13 : memref<1x40xi32, #tpu.memory_space<vmem>> -> memref<40xi32, #tpu.memory_space<vmem>>
    %dma_start3A_15 = arith.constant 0 : i32
    %dma_start3A_16 = arith.constant 0 : i32
    %dma_start3A_17 = tpu.memref_slice %arg3[%dma_start3A_15, %dma_start3A_16] : memref<10000x128xi32, #tpu.memory_space<hbm>> -> memref<10000x128xi32, #tpu.memory_space<hbm>>
    tpu.enqueue_indirect_dma source(%dma_start3A_17 : memref<10000x128xi32, #tpu.memory_space<hbm>>) target(%arg12 : memref<40x128xi32, #tpu.memory_space<vmem>>) offsets(%dma_start3A_14 : memref<40xi32, #tpu.memory_space<vmem>>) semaphore(%arg16 : memref<!tpu.dma_semaphore, #tpu.memory_space<semaphore_mem>>)
    %scan3A = arith.constant 0 : i32
    %scan3A_18 = arith.constant 0 : i32
    %scan3A_19 = arith.constant 62 : i32
    %scan3A_20 = arith.addi %scan3A_18, %scan3A_19 : i32
    %scan3A_21 = arith.constant 1 : i32
    scf.for %scan3A_87 = %scan3A_18 to %scan3A_20 step %scan3A_21  : i32 {
      %mul3A_88 = arith.constant 2 : i32
      %mul3A_89 = arith.muli %mul3A_88, %scan3A_87 : i32
      %add3A_90 = arith.constant 1 : i32
      %add3A_91 = arith.addi %mul3A_89, %add3A_90 : i32
      %lt3A_92 = arith.constant 125 : i32
      %lt3A_93 = arith.cmpi slt, %add3A_91, %lt3A_92 : i32
      %convert_element_type3A_94 = arith.extui %lt3A_93 : i1 to i32
      %cond3A_95 = arith.constant 0 : i32
      %cond3A_96 = arith.cmpi ne, %convert_element_type3A_94, %cond3A_95 : i32
      scf.if %cond3A_96 {
        %ge3A = arith.constant 1 : i32
        %ge3A_164 = arith.cmpi sge, %mul3A_89, %ge3A : i32
        %convert_element_type3A_165 = arith.extui %ge3A_164 : i1 to i32
        %cond3A_166 = arith.constant 0 : i32
        %cond3A_167 = arith.cmpi ne, %convert_element_type3A_165, %cond3A_166 : i32
        scf.if %cond3A_167 {
          %sub3A = arith.constant 1 : i32
          %sub3A_182 = arith.subi %mul3A_89, %sub3A : i32
          %mul3A_183 = arith.constant 40 : i32
          %mul3A_184 = arith.muli %sub3A_182, %mul3A_183 : i32
          %add3A_185 = arith.addi %add3A_4, %mul3A_184 : i32
          %multiple_of3A_186 = tpu.assume_multiple %add3A_185, 8 : i32
          %dma_wait3A_187 = arith.constant 0 : i32
          %dma_wait3A_188 = tpu.memref_slice %arg6[%multiple_of3A_186, %dma_wait3A_187] : memref<160000x128xi32, #tpu.memory_space<hbm>> -> memref<40x128xi32, #tpu.memory_space<hbm>>
          %dma_wait3A_189 = arith.constant 0 : i32
          %dma_wait3A_190 = tpu.memref_slice %arg6[%multiple_of3A_186, %dma_wait3A_189] : memref<160000x128xi32, #tpu.memory_space<hbm>> -> memref<40x128xi32, #tpu.memory_space<hbm>>
          tpu.wait_dma2 semaphore(%arg19 : memref<!tpu.dma_semaphore, #tpu.memory_space<semaphore_mem>>) src(%arg11 : memref<40x128xi32, #tpu.memory_space<vmem>>) dst(%dma_wait3A_190 : memref<40x128xi32, #tpu.memory_space<hbm>>)
          %sub3A_191 = arith.constant 1 : i32
          %sub3A_192 = arith.subi %mul3A_89, %sub3A_191 : i32
          %mul3A_193 = arith.constant 40 : i32
          %mul3A_194 = arith.muli %sub3A_192, %mul3A_193 : i32
          %add3A_195 = arith.addi %add3A_4, %mul3A_194 : i32
          %multiple_of3A_196 = tpu.assume_multiple %add3A_195, 8 : i32
          %dma_wait3A_197 = arith.constant 0 : i32
          %dma_wait3A_198 = tpu.memref_slice %arg7[%multiple_of3A_196, %dma_wait3A_197] : memref<160000x128xi32, #tpu.memory_space<hbm>> -> memref<40x128xi32, #tpu.memory_space<hbm>>
          %dma_wait3A_199 = arith.constant 0 : i32
          %dma_wait3A_200 = tpu.memref_slice %arg7[%multiple_of3A_196, %dma_wait3A_199] : memref<160000x128xi32, #tpu.memory_space<hbm>> -> memref<40x128xi32, #tpu.memory_space<hbm>>
          tpu.wait_dma2 semaphore(%arg21 : memref<!tpu.dma_semaphore, #tpu.memory_space<semaphore_mem>>) src(%arg13 : memref<40x128xi32, #tpu.memory_space<vmem>>) dst(%dma_wait3A_200 : memref<40x128xi32, #tpu.memory_space<hbm>>)
        } else {
        }
        %add3A_168 = arith.constant 1 : i32
        %add3A_169 = arith.addi %mul3A_89, %add3A_168 : i32
        %dma_start3A_170 = arith.constant 0 : i32
        %dma_start3A_171 = tpu.memref_slice %arg8[%add3A_169, %dma_start3A_170] : memref<125x40xi32, #tpu.memory_space<vmem>> -> memref<1x40xi32, #tpu.memory_space<vmem>>
        %dma_start3A_172 = tpu.memref_squeeze %dma_start3A_171 : memref<1x40xi32, #tpu.memory_space<vmem>> -> memref<40xi32, #tpu.memory_space<vmem>>
        %dma_start3A_173 = arith.constant 0 : i32
        %dma_start3A_174 = arith.constant 0 : i32
        %dma_start3A_175 = tpu.memref_slice %arg2[%dma_start3A_173, %dma_start3A_174] : memref<10000x128xi32, #tpu.memory_space<hbm>> -> memref<10000x128xi32, #tpu.memory_space<hbm>>
        tpu.enqueue_indirect_dma source(%dma_start3A_175 : memref<10000x128xi32, #tpu.memory_space<hbm>>) target(%arg11 : memref<40x128xi32, #tpu.memory_space<vmem>>) offsets(%dma_start3A_172 : memref<40xi32, #tpu.memory_space<vmem>>) semaphore(%arg15 : memref<!tpu.dma_semaphore, #tpu.memory_space<semaphore_mem>>)
        %dma_start3A_176 = arith.constant 0 : i32
        %dma_start3A_177 = tpu.memref_slice %arg9[%add3A_169, %dma_start3A_176] : memref<125x40xi32, #tpu.memory_space<vmem>> -> memref<1x40xi32, #tpu.memory_space<vmem>>
        %dma_start3A_178 = tpu.memref_squeeze %dma_start3A_177 : memref<1x40xi32, #tpu.memory_space<vmem>> -> memref<40xi32, #tpu.memory_space<vmem>>
        %dma_start3A_179 = arith.constant 0 : i32
        %dma_start3A_180 = arith.constant 0 : i32
        %dma_start3A_181 = tpu.memref_slice %arg3[%dma_start3A_179, %dma_start3A_180] : memref<10000x128xi32, #tpu.memory_space<hbm>> -> memref<10000x128xi32, #tpu.memory_space<hbm>>
        tpu.enqueue_indirect_dma source(%dma_start3A_181 : memref<10000x128xi32, #tpu.memory_space<hbm>>) target(%arg13 : memref<40x128xi32, #tpu.memory_space<vmem>>) offsets(%dma_start3A_178 : memref<40xi32, #tpu.memory_space<vmem>>) semaphore(%arg17 : memref<!tpu.dma_semaphore, #tpu.memory_space<semaphore_mem>>)
      } else {
      }
      %dma_wait3A_97 = arith.constant 0 : i32
      %dma_wait3A_98 = tpu.memref_slice %arg8[%mul3A_89, %dma_wait3A_97] : memref<125x40xi32, #tpu.memory_space<vmem>> -> memref<1x40xi32, #tpu.memory_space<vmem>>
      %dma_wait3A_99 = tpu.memref_squeeze %dma_wait3A_98 : memref<1x40xi32, #tpu.memory_space<vmem>> -> memref<40xi32, #tpu.memory_space<vmem>>
      %dma_wait3A_100 = arith.constant 0 : i32
      %dma_wait3A_101 = arith.constant 0 : i32
      %dma_wait3A_102 = tpu.memref_slice %arg2[%dma_wait3A_100, %dma_wait3A_101] : memref<10000x128xi32, #tpu.memory_space<hbm>> -> memref<10000x128xi32, #tpu.memory_space<hbm>>
      tpu.wait_indirect_dma semaphore(%arg14 : memref<!tpu.dma_semaphore, #tpu.memory_space<semaphore_mem>>) src(%dma_wait3A_102 : memref<10000x128xi32, #tpu.memory_space<hbm>>) dst(%arg10 : memref<40x128xi32, #tpu.memory_space<vmem>>)
      %dma_wait3A_103 = arith.constant 0 : i32
      %dma_wait3A_104 = tpu.memref_slice %arg9[%mul3A_89, %dma_wait3A_103] : memref<125x40xi32, #tpu.memory_space<vmem>> -> memref<1x40xi32, #tpu.memory_space<vmem>>
      %dma_wait3A_105 = tpu.memref_squeeze %dma_wait3A_104 : memref<1x40xi32, #tpu.memory_space<vmem>> -> memref<40xi32, #tpu.memory_space<vmem>>
      %dma_wait3A_106 = arith.constant 0 : i32
      %dma_wait3A_107 = arith.constant 0 : i32
      %dma_wait3A_108 = tpu.memref_slice %arg3[%dma_wait3A_106, %dma_wait3A_107] : memref<10000x128xi32, #tpu.memory_space<hbm>> -> memref<10000x128xi32, #tpu.memory_space<hbm>>
      tpu.wait_indirect_dma semaphore(%arg16 : memref<!tpu.dma_semaphore, #tpu.memory_space<semaphore_mem>>) src(%dma_wait3A_108 : memref<10000x128xi32, #tpu.memory_space<hbm>>) dst(%arg12 : memref<40x128xi32, #tpu.memory_space<vmem>>)
      %mul3A_109 = arith.constant 40 : i32
      %mul3A_110 = arith.muli %mul3A_89, %mul3A_109 : i32
      %add3A_111 = arith.addi %add3A_4, %mul3A_110 : i32
      %multiple_of3A_112 = tpu.assume_multiple %add3A_111, 8 : i32
      %dma_start3A_113 = arith.constant 0 : i32
      %dma_start3A_114 = tpu.memref_slice %arg6[%multiple_of3A_112, %dma_start3A_113] : memref<160000x128xi32, #tpu.memory_space<hbm>> -> memref<40x128xi32, #tpu.memory_space<hbm>>
      %dma_start3A_115 = arith.constant 0 : i32
      %dma_start3A_116 = tpu.memref_slice %arg6[%multiple_of3A_112, %dma_start3A_115] : memref<160000x128xi32, #tpu.memory_space<hbm>> -> memref<40x128xi32, #tpu.memory_space<hbm>>
      tpu.enqueue_dma source(%arg10 : memref<40x128xi32, #tpu.memory_space<vmem>>) target(%dma_start3A_116 : memref<40x128xi32, #tpu.memory_space<hbm>>) target_semaphore(%arg18 : memref<!tpu.dma_semaphore, #tpu.memory_space<semaphore_mem>>)
      %mul3A_117 = arith.constant 40 : i32
      %mul3A_118 = arith.muli %mul3A_89, %mul3A_117 : i32
      %add3A_119 = arith.addi %add3A_4, %mul3A_118 : i32
      %multiple_of3A_120 = tpu.assume_multiple %add3A_119, 8 : i32
      %dma_start3A_121 = arith.constant 0 : i32
      %dma_start3A_122 = tpu.memref_slice %arg7[%multiple_of3A_120, %dma_start3A_121] : memref<160000x128xi32, #tpu.memory_space<hbm>> -> memref<40x128xi32, #tpu.memory_space<hbm>>
      %dma_start3A_123 = arith.constant 0 : i32
      %dma_start3A_124 = tpu.memref_slice %arg7[%multiple_of3A_120, %dma_start3A_123] : memref<160000x128xi32, #tpu.memory_space<hbm>> -> memref<40x128xi32, #tpu.memory_space<hbm>>
      tpu.enqueue_dma source(%arg12 : memref<40x128xi32, #tpu.memory_space<vmem>>) target(%dma_start3A_124 : memref<40x128xi32, #tpu.memory_space<hbm>>) target_semaphore(%arg20 : memref<!tpu.dma_semaphore, #tpu.memory_space<semaphore_mem>>)
      %mul3A_125 = arith.constant 2 : i32
      %mul3A_126 = arith.muli %mul3A_125, %scan3A_87 : i32
      %add3A_127 = arith.constant 1 : i32
      %add3A_128 = arith.addi %mul3A_126, %add3A_127 : i32
      %add3A_129 = arith.constant 1 : i32
      %add3A_130 = arith.addi %add3A_128, %add3A_129 : i32
      %lt3A_131 = arith.constant 125 : i32
      %lt3A_132 = arith.cmpi slt, %add3A_130, %lt3A_131 : i32
      %convert_element_type3A_133 = arith.extui %lt3A_132 : i1 to i32
      %cond3A_134 = arith.constant 0 : i32
      %cond3A_135 = arith.cmpi ne, %convert_element_type3A_133, %cond3A_134 : i32
      scf.if %cond3A_135 {
        %ge3A = arith.constant 1 : i32
        %ge3A_164 = arith.cmpi sge, %add3A_128, %ge3A : i32
        %convert_element_type3A_165 = arith.extui %ge3A_164 : i1 to i32
        %cond3A_166 = arith.constant 0 : i32
        %cond3A_167 = arith.cmpi ne, %convert_element_type3A_165, %cond3A_166 : i32
        scf.if %cond3A_167 {
          %sub3A = arith.constant 1 : i32
          %sub3A_182 = arith.subi %add3A_128, %sub3A : i32
          %mul3A_183 = arith.constant 40 : i32
          %mul3A_184 = arith.muli %sub3A_182, %mul3A_183 : i32
          %add3A_185 = arith.addi %add3A_4, %mul3A_184 : i32
          %multiple_of3A_186 = tpu.assume_multiple %add3A_185, 8 : i32
          %dma_wait3A_187 = arith.constant 0 : i32
          %dma_wait3A_188 = tpu.memref_slice %arg6[%multiple_of3A_186, %dma_wait3A_187] : memref<160000x128xi32, #tpu.memory_space<hbm>> -> memref<40x128xi32, #tpu.memory_space<hbm>>
          %dma_wait3A_189 = arith.constant 0 : i32
          %dma_wait3A_190 = tpu.memref_slice %arg6[%multiple_of3A_186, %dma_wait3A_189] : memref<160000x128xi32, #tpu.memory_space<hbm>> -> memref<40x128xi32, #tpu.memory_space<hbm>>
          tpu.wait_dma2 semaphore(%arg18 : memref<!tpu.dma_semaphore, #tpu.memory_space<semaphore_mem>>) src(%arg10 : memref<40x128xi32, #tpu.memory_space<vmem>>) dst(%dma_wait3A_190 : memref<40x128xi32, #tpu.memory_space<hbm>>)
          %sub3A_191 = arith.constant 1 : i32
          %sub3A_192 = arith.subi %add3A_128, %sub3A_191 : i32
          %mul3A_193 = arith.constant 40 : i32
          %mul3A_194 = arith.muli %sub3A_192, %mul3A_193 : i32
          %add3A_195 = arith.addi %add3A_4, %mul3A_194 : i32
          %multiple_of3A_196 = tpu.assume_multiple %add3A_195, 8 : i32
          %dma_wait3A_197 = arith.constant 0 : i32
          %dma_wait3A_198 = tpu.memref_slice %arg7[%multiple_of3A_196, %dma_wait3A_197] : memref<160000x128xi32, #tpu.memory_space<hbm>> -> memref<40x128xi32, #tpu.memory_space<hbm>>
          %dma_wait3A_199 = arith.constant 0 : i32
          %dma_wait3A_200 = tpu.memref_slice %arg7[%multiple_of3A_196, %dma_wait3A_199] : memref<160000x128xi32, #tpu.memory_space<hbm>> -> memref<40x128xi32, #tpu.memory_space<hbm>>
          tpu.wait_dma2 semaphore(%arg20 : memref<!tpu.dma_semaphore, #tpu.memory_space<semaphore_mem>>) src(%arg12 : memref<40x128xi32, #tpu.memory_space<vmem>>) dst(%dma_wait3A_200 : memref<40x128xi32, #tpu.memory_space<hbm>>)
        } else {
        }
        %add3A_168 = arith.constant 1 : i32
        %add3A_169 = arith.addi %add3A_128, %add3A_168 : i32
        %dma_start3A_170 = arith.constant 0 : i32
        %dma_start3A_171 = tpu.memref_slice %arg8[%add3A_169, %dma_start3A_170] : memref<125x40xi32, #tpu.memory_space<vmem>> -> memref<1x40xi32, #tpu.memory_space<vmem>>
        %dma_start3A_172 = tpu.memref_squeeze %dma_start3A_171 : memref<1x40xi32, #tpu.memory_space<vmem>> -> memref<40xi32, #tpu.memory_space<vmem>>
        %dma_start3A_173 = arith.constant 0 : i32
        %dma_start3A_174 = arith.constant 0 : i32
        %dma_start3A_175 = tpu.memref_slice %arg2[%dma_start3A_173, %dma_start3A_174] : memref<10000x128xi32, #tpu.memory_space<hbm>> -> memref<10000x128xi32, #tpu.memory_space<hbm>>
        tpu.enqueue_indirect_dma source(%dma_start3A_175 : memref<10000x128xi32, #tpu.memory_space<hbm>>) target(%arg10 : memref<40x128xi32, #tpu.memory_space<vmem>>) offsets(%dma_start3A_172 : memref<40xi32, #tpu.memory_space<vmem>>) semaphore(%arg14 : memref<!tpu.dma_semaphore, #tpu.memory_space<semaphore_mem>>)
        %dma_start3A_176 = arith.constant 0 : i32
        %dma_start3A_177 = tpu.memref_slice %arg9[%add3A_169, %dma_start3A_176] : memref<125x40xi32, #tpu.memory_space<vmem>> -> memref<1x40xi32, #tpu.memory_space<vmem>>
        %dma_start3A_178 = tpu.memref_squeeze %dma_start3A_177 : memref<1x40xi32, #tpu.memory_space<vmem>> -> memref<40xi32, #tpu.memory_space<vmem>>
        %dma_start3A_179 = arith.constant 0 : i32
        %dma_start3A_180 = arith.constant 0 : i32
        %dma_start3A_181 = tpu.memref_slice %arg3[%dma_start3A_179, %dma_start3A_180] : memref<10000x128xi32, #tpu.memory_space<hbm>> -> memref<10000x128xi32, #tpu.memory_space<hbm>>
        tpu.enqueue_indirect_dma source(%dma_start3A_181 : memref<10000x128xi32, #tpu.memory_space<hbm>>) target(%arg12 : memref<40x128xi32, #tpu.memory_space<vmem>>) offsets(%dma_start3A_178 : memref<40xi32, #tpu.memory_space<vmem>>) semaphore(%arg16 : memref<!tpu.dma_semaphore, #tpu.memory_space<semaphore_mem>>)
      } else {
      }
      %dma_wait3A_136 = arith.constant 0 : i32
      %dma_wait3A_137 = tpu.memref_slice %arg8[%add3A_128, %dma_wait3A_136] : memref<125x40xi32, #tpu.memory_space<vmem>> -> memref<1x40xi32, #tpu.memory_space<vmem>>
      %dma_wait3A_138 = tpu.memref_squeeze %dma_wait3A_137 : memref<1x40xi32, #tpu.memory_space<vmem>> -> memref<40xi32, #tpu.memory_space<vmem>>
      %dma_wait3A_139 = arith.constant 0 : i32
      %dma_wait3A_140 = arith.constant 0 : i32
      %dma_wait3A_141 = tpu.memref_slice %arg2[%dma_wait3A_139, %dma_wait3A_140] : memref<10000x128xi32, #tpu.memory_space<hbm>> -> memref<10000x128xi32, #tpu.memory_space<hbm>>
      tpu.wait_indirect_dma semaphore(%arg15 : memref<!tpu.dma_semaphore, #tpu.memory_space<semaphore_mem>>) src(%dma_wait3A_141 : memref<10000x128xi32, #tpu.memory_space<hbm>>) dst(%arg11 : memref<40x128xi32, #tpu.memory_space<vmem>>)
      %dma_wait3A_142 = arith.constant 0 : i32
      %dma_wait3A_143 = tpu.memref_slice %arg9[%add3A_128, %dma_wait3A_142] : memref<125x40xi32, #tpu.memory_space<vmem>> -> memref<1x40xi32, #tpu.memory_space<vmem>>
      %dma_wait3A_144 = tpu.memref_squeeze %dma_wait3A_143 : memref<1x40xi32, #tpu.memory_space<vmem>> -> memref<40xi32, #tpu.memory_space<vmem>>
      %dma_wait3A_145 = arith.constant 0 : i32
      %dma_wait3A_146 = arith.constant 0 : i32
      %dma_wait3A_147 = tpu.memref_slice %arg3[%dma_wait3A_145, %dma_wait3A_146] : memref<10000x128xi32, #tpu.memory_space<hbm>> -> memref<10000x128xi32, #tpu.memory_space<hbm>>
      tpu.wait_indirect_dma semaphore(%arg17 : memref<!tpu.dma_semaphore, #tpu.memory_space<semaphore_mem>>) src(%dma_wait3A_147 : memref<10000x128xi32, #tpu.memory_space<hbm>>) dst(%arg13 : memref<40x128xi32, #tpu.memory_space<vmem>>)
      %mul3A_148 = arith.constant 40 : i32
      %mul3A_149 = arith.muli %add3A_128, %mul3A_148 : i32
      %add3A_150 = arith.addi %add3A_4, %mul3A_149 : i32
      %multiple_of3A_151 = tpu.assume_multiple %add3A_150, 8 : i32
      %dma_start3A_152 = arith.constant 0 : i32
      %dma_start3A_153 = tpu.memref_slice %arg6[%multiple_of3A_151, %dma_start3A_152] : memref<160000x128xi32, #tpu.memory_space<hbm>> -> memref<40x128xi32, #tpu.memory_space<hbm>>
      %dma_start3A_154 = arith.constant 0 : i32
      %dma_start3A_155 = tpu.memref_slice %arg6[%multiple_of3A_151, %dma_start3A_154] : memref<160000x128xi32, #tpu.memory_space<hbm>> -> memref<40x128xi32, #tpu.memory_space<hbm>>
      tpu.enqueue_dma source(%arg11 : memref<40x128xi32, #tpu.memory_space<vmem>>) target(%dma_start3A_155 : memref<40x128xi32, #tpu.memory_space<hbm>>) target_semaphore(%arg19 : memref<!tpu.dma_semaphore, #tpu.memory_space<semaphore_mem>>)
      %mul3A_156 = arith.constant 40 : i32
      %mul3A_157 = arith.muli %add3A_128, %mul3A_156 : i32
      %add3A_158 = arith.addi %add3A_4, %mul3A_157 : i32
      %multiple_of3A_159 = tpu.assume_multiple %add3A_158, 8 : i32
      %dma_start3A_160 = arith.constant 0 : i32
      %dma_start3A_161 = tpu.memref_slice %arg7[%multiple_of3A_159, %dma_start3A_160] : memref<160000x128xi32, #tpu.memory_space<hbm>> -> memref<40x128xi32, #tpu.memory_space<hbm>>
      %dma_start3A_162 = arith.constant 0 : i32
      %dma_start3A_163 = tpu.memref_slice %arg7[%multiple_of3A_159, %dma_start3A_162] : memref<160000x128xi32, #tpu.memory_space<hbm>> -> memref<40x128xi32, #tpu.memory_space<hbm>>
      tpu.enqueue_dma source(%arg13 : memref<40x128xi32, #tpu.memory_space<vmem>>) target(%dma_start3A_163 : memref<40x128xi32, #tpu.memory_space<hbm>>) target_semaphore(%arg21 : memref<!tpu.dma_semaphore, #tpu.memory_space<semaphore_mem>>)
    }
    %scan3A_22 = arith.constant 62 : i32
    %add3A_23 = arith.constant 124 : i32
    %add3A_24 = arith.constant 1 : i32
    %add3A_25 = arith.addi %add3A_23, %add3A_24 : i32
    %lt3A = arith.constant 125 : i32
    %lt3A_26 = arith.cmpi slt, %add3A_25, %lt3A : i32
    %convert_element_type3A = arith.extui %lt3A_26 : i1 to i32
    %cond3A = arith.constant 124 : i32
    %cond3A_27 = arith.constant 0 : i32
    %cond3A_28 = arith.cmpi ne, %convert_element_type3A, %cond3A_27 : i32
    scf.if %cond3A_28 {
      %ge3A = arith.constant 1 : i32
      %ge3A_87 = arith.cmpi sge, %cond3A, %ge3A : i32
      %convert_element_type3A_88 = arith.extui %ge3A_87 : i1 to i32
      %cond3A_89 = arith.constant 0 : i32
      %cond3A_90 = arith.cmpi ne, %convert_element_type3A_88, %cond3A_89 : i32
      scf.if %cond3A_90 {
        %sub3A = arith.constant 1 : i32
        %sub3A_105 = arith.subi %cond3A, %sub3A : i32
        %mul3A_106 = arith.constant 40 : i32
        %mul3A_107 = arith.muli %sub3A_105, %mul3A_106 : i32
        %add3A_108 = arith.addi %add3A_4, %mul3A_107 : i32
        %multiple_of3A_109 = tpu.assume_multiple %add3A_108, 8 : i32
        %dma_wait3A_110 = arith.constant 0 : i32
        %dma_wait3A_111 = tpu.memref_slice %arg6[%multiple_of3A_109, %dma_wait3A_110] : memref<160000x128xi32, #tpu.memory_space<hbm>> -> memref<40x128xi32, #tpu.memory_space<hbm>>
        %dma_wait3A_112 = arith.constant 0 : i32
        %dma_wait3A_113 = tpu.memref_slice %arg6[%multiple_of3A_109, %dma_wait3A_112] : memref<160000x128xi32, #tpu.memory_space<hbm>> -> memref<40x128xi32, #tpu.memory_space<hbm>>
        tpu.wait_dma2 semaphore(%arg19 : memref<!tpu.dma_semaphore, #tpu.memory_space<semaphore_mem>>) src(%arg11 : memref<40x128xi32, #tpu.memory_space<vmem>>) dst(%dma_wait3A_113 : memref<40x128xi32, #tpu.memory_space<hbm>>)
        %sub3A_114 = arith.constant 1 : i32
        %sub3A_115 = arith.subi %cond3A, %sub3A_114 : i32
        %mul3A_116 = arith.constant 40 : i32
        %mul3A_117 = arith.muli %sub3A_115, %mul3A_116 : i32
        %add3A_118 = arith.addi %add3A_4, %mul3A_117 : i32
        %multiple_of3A_119 = tpu.assume_multiple %add3A_118, 8 : i32
        %dma_wait3A_120 = arith.constant 0 : i32
        %dma_wait3A_121 = tpu.memref_slice %arg7[%multiple_of3A_119, %dma_wait3A_120] : memref<160000x128xi32, #tpu.memory_space<hbm>> -> memref<40x128xi32, #tpu.memory_space<hbm>>
        %dma_wait3A_122 = arith.constant 0 : i32
        %dma_wait3A_123 = tpu.memref_slice %arg7[%multiple_of3A_119, %dma_wait3A_122] : memref<160000x128xi32, #tpu.memory_space<hbm>> -> memref<40x128xi32, #tpu.memory_space<hbm>>
        tpu.wait_dma2 semaphore(%arg21 : memref<!tpu.dma_semaphore, #tpu.memory_space<semaphore_mem>>) src(%arg13 : memref<40x128xi32, #tpu.memory_space<vmem>>) dst(%dma_wait3A_123 : memref<40x128xi32, #tpu.memory_space<hbm>>)
      } else {
      }
      %add3A_91 = arith.constant 1 : i32
      %add3A_92 = arith.addi %cond3A, %add3A_91 : i32
      %dma_start3A_93 = arith.constant 0 : i32
      %dma_start3A_94 = tpu.memref_slice %arg8[%add3A_92, %dma_start3A_93] : memref<125x40xi32, #tpu.memory_space<vmem>> -> memref<1x40xi32, #tpu.memory_space<vmem>>
      %dma_start3A_95 = tpu.memref_squeeze %dma_start3A_94 : memref<1x40xi32, #tpu.memory_space<vmem>> -> memref<40xi32, #tpu.memory_space<vmem>>
      %dma_start3A_96 = arith.constant 0 : i32
      %dma_start3A_97 = arith.constant 0 : i32
      %dma_start3A_98 = tpu.memref_slice %arg2[%dma_start3A_96, %dma_start3A_97] : memref<10000x128xi32, #tpu.memory_space<hbm>> -> memref<10000x128xi32, #tpu.memory_space<hbm>>
      tpu.enqueue_indirect_dma source(%dma_start3A_98 : memref<10000x128xi32, #tpu.memory_space<hbm>>) target(%arg11 : memref<40x128xi32, #tpu.memory_space<vmem>>) offsets(%dma_start3A_95 : memref<40xi32, #tpu.memory_space<vmem>>) semaphore(%arg15 : memref<!tpu.dma_semaphore, #tpu.memory_space<semaphore_mem>>)
      %dma_start3A_99 = arith.constant 0 : i32
      %dma_start3A_100 = tpu.memref_slice %arg9[%add3A_92, %dma_start3A_99] : memref<125x40xi32, #tpu.memory_space<vmem>> -> memref<1x40xi32, #tpu.memory_space<vmem>>
      %dma_start3A_101 = tpu.memref_squeeze %dma_start3A_100 : memref<1x40xi32, #tpu.memory_space<vmem>> -> memref<40xi32, #tpu.memory_space<vmem>>
      %dma_start3A_102 = arith.constant 0 : i32
      %dma_start3A_103 = arith.constant 0 : i32
      %dma_start3A_104 = tpu.memref_slice %arg3[%dma_start3A_102, %dma_start3A_103] : memref<10000x128xi32, #tpu.memory_space<hbm>> -> memref<10000x128xi32, #tpu.memory_space<hbm>>
      tpu.enqueue_indirect_dma source(%dma_start3A_104 : memref<10000x128xi32, #tpu.memory_space<hbm>>) target(%arg13 : memref<40x128xi32, #tpu.memory_space<vmem>>) offsets(%dma_start3A_101 : memref<40xi32, #tpu.memory_space<vmem>>) semaphore(%arg17 : memref<!tpu.dma_semaphore, #tpu.memory_space<semaphore_mem>>)
    } else {
    }
    %dma_wait3A = arith.constant 124 : i32
    %dma_wait3A_29 = arith.constant 0 : i32
    %dma_wait3A_30 = tpu.memref_slice %arg8[%dma_wait3A, %dma_wait3A_29] : memref<125x40xi32, #tpu.memory_space<vmem>> -> memref<1x40xi32, #tpu.memory_space<vmem>>
    %dma_wait3A_31 = tpu.memref_squeeze %dma_wait3A_30 : memref<1x40xi32, #tpu.memory_space<vmem>> -> memref<40xi32, #tpu.memory_space<vmem>>
    %dma_wait3A_32 = arith.constant 0 : i32
    %dma_wait3A_33 = arith.constant 0 : i32
    %dma_wait3A_34 = tpu.memref_slice %arg2[%dma_wait3A_32, %dma_wait3A_33] : memref<10000x128xi32, #tpu.memory_space<hbm>> -> memref<10000x128xi32, #tpu.memory_space<hbm>>
    tpu.wait_indirect_dma semaphore(%arg14 : memref<!tpu.dma_semaphore, #tpu.memory_space<semaphore_mem>>) src(%dma_wait3A_34 : memref<10000x128xi32, #tpu.memory_space<hbm>>) dst(%arg10 : memref<40x128xi32, #tpu.memory_space<vmem>>)
    %dma_wait3A_35 = arith.constant 124 : i32
    %dma_wait3A_36 = arith.constant 0 : i32
    %dma_wait3A_37 = tpu.memref_slice %arg9[%dma_wait3A_35, %dma_wait3A_36] : memref<125x40xi32, #tpu.memory_space<vmem>> -> memref<1x40xi32, #tpu.memory_space<vmem>>
    %dma_wait3A_38 = tpu.memref_squeeze %dma_wait3A_37 : memref<1x40xi32, #tpu.memory_space<vmem>> -> memref<40xi32, #tpu.memory_space<vmem>>
    %dma_wait3A_39 = arith.constant 0 : i32
    %dma_wait3A_40 = arith.constant 0 : i32
    %dma_wait3A_41 = tpu.memref_slice %arg3[%dma_wait3A_39, %dma_wait3A_40] : memref<10000x128xi32, #tpu.memory_space<hbm>> -> memref<10000x128xi32, #tpu.memory_space<hbm>>
    tpu.wait_indirect_dma semaphore(%arg16 : memref<!tpu.dma_semaphore, #tpu.memory_space<semaphore_mem>>) src(%dma_wait3A_41 : memref<10000x128xi32, #tpu.memory_space<hbm>>) dst(%arg12 : memref<40x128xi32, #tpu.memory_space<vmem>>)
    %mul3A_42 = arith.constant 124 : i32
    %mul3A_43 = arith.constant 40 : i32
    %mul3A_44 = arith.muli %mul3A_42, %mul3A_43 : i32
    %add3A_45 = arith.addi %add3A_4, %mul3A_44 : i32
    %multiple_of3A = tpu.assume_multiple %add3A_45, 8 : i32
    %dma_start3A_46 = arith.constant 0 : i32
    %dma_start3A_47 = tpu.memref_slice %arg6[%multiple_of3A, %dma_start3A_46] : memref<160000x128xi32, #tpu.memory_space<hbm>> -> memref<40x128xi32, #tpu.memory_space<hbm>>
    %dma_start3A_48 = arith.constant 0 : i32
    %dma_start3A_49 = tpu.memref_slice %arg6[%multiple_of3A, %dma_start3A_48] : memref<160000x128xi32, #tpu.memory_space<hbm>> -> memref<40x128xi32, #tpu.memory_space<hbm>>
    tpu.enqueue_dma source(%arg10 : memref<40x128xi32, #tpu.memory_space<vmem>>) target(%dma_start3A_49 : memref<40x128xi32, #tpu.memory_space<hbm>>) target_semaphore(%arg18 : memref<!tpu.dma_semaphore, #tpu.memory_space<semaphore_mem>>)
    %mul3A_50 = arith.constant 124 : i32
    %mul3A_51 = arith.constant 40 : i32
    %mul3A_52 = arith.muli %mul3A_50, %mul3A_51 : i32
    %add3A_53 = arith.addi %add3A_4, %mul3A_52 : i32
    %multiple_of3A_54 = tpu.assume_multiple %add3A_53, 8 : i32
    %dma_start3A_55 = arith.constant 0 : i32
    %dma_start3A_56 = tpu.memref_slice %arg7[%multiple_of3A_54, %dma_start3A_55] : memref<160000x128xi32, #tpu.memory_space<hbm>> -> memref<40x128xi32, #tpu.memory_space<hbm>>
    %dma_start3A_57 = arith.constant 0 : i32
    %dma_start3A_58 = tpu.memref_slice %arg7[%multiple_of3A_54, %dma_start3A_57] : memref<160000x128xi32, #tpu.memory_space<hbm>> -> memref<40x128xi32, #tpu.memory_space<hbm>>
    tpu.enqueue_dma source(%arg12 : memref<40x128xi32, #tpu.memory_space<vmem>>) target(%dma_start3A_58 : memref<40x128xi32, #tpu.memory_space<hbm>>) target_semaphore(%arg20 : memref<!tpu.dma_semaphore, #tpu.memory_space<semaphore_mem>>)
    %add3A_59 = arith.constant 4960 : i32
    %add3A_60 = arith.addi %add3A_4, %add3A_59 : i32
    %multiple_of3A_61 = tpu.assume_multiple %add3A_60, 8 : i32
    %dma_wait3A_62 = arith.constant 0 : i32
    %dma_wait3A_63 = tpu.memref_slice %arg6[%multiple_of3A_61, %dma_wait3A_62] : memref<160000x128xi32, #tpu.memory_space<hbm>> -> memref<40x128xi32, #tpu.memory_space<hbm>>
    %dma_wait3A_64 = arith.constant 0 : i32
    %dma_wait3A_65 = tpu.memref_slice %arg6[%multiple_of3A_61, %dma_wait3A_64] : memref<160000x128xi32, #tpu.memory_space<hbm>> -> memref<40x128xi32, #tpu.memory_space<hbm>>
    tpu.wait_dma2 semaphore(%arg18 : memref<!tpu.dma_semaphore, #tpu.memory_space<semaphore_mem>>) src(%arg10 : memref<40x128xi32, #tpu.memory_space<vmem>>) dst(%dma_wait3A_65 : memref<40x128xi32, #tpu.memory_space<hbm>>)
    %add3A_66 = arith.constant 4960 : i32
    %add3A_67 = arith.addi %add3A_4, %add3A_66 : i32
    %multiple_of3A_68 = tpu.assume_multiple %add3A_67, 8 : i32
    %dma_wait3A_69 = arith.constant 0 : i32
    %dma_wait3A_70 = tpu.memref_slice %arg7[%multiple_of3A_68, %dma_wait3A_69] : memref<160000x128xi32, #tpu.memory_space<hbm>> -> memref<40x128xi32, #tpu.memory_space<hbm>>
    %dma_wait3A_71 = arith.constant 0 : i32
    %dma_wait3A_72 = tpu.memref_slice %arg7[%multiple_of3A_68, %dma_wait3A_71] : memref<160000x128xi32, #tpu.memory_space<hbm>> -> memref<40x128xi32, #tpu.memory_space<hbm>>
    tpu.wait_dma2 semaphore(%arg20 : memref<!tpu.dma_semaphore, #tpu.memory_space<semaphore_mem>>) src(%arg12 : memref<40x128xi32, #tpu.memory_space<vmem>>) dst(%dma_wait3A_72 : memref<40x128xi32, #tpu.memory_space<hbm>>)
    %add3A_73 = arith.constant 4920 : i32
    %add3A_74 = arith.addi %add3A_4, %add3A_73 : i32
    %multiple_of3A_75 = tpu.assume_multiple %add3A_74, 8 : i32
    %dma_wait3A_76 = arith.constant 0 : i32
    %dma_wait3A_77 = tpu.memref_slice %arg6[%multiple_of3A_75, %dma_wait3A_76] : memref<160000x128xi32, #tpu.memory_space<hbm>> -> memref<40x128xi32, #tpu.memory_space<hbm>>
    %dma_wait3A_78 = arith.constant 0 : i32
    %dma_wait3A_79 = tpu.memref_slice %arg6[%multiple_of3A_75, %dma_wait3A_78] : memref<160000x128xi32, #tpu.memory_space<hbm>> -> memref<40x128xi32, #tpu.memory_space<hbm>>
    tpu.wait_dma2 semaphore(%arg19 : memref<!tpu.dma_semaphore, #tpu.memory_space<semaphore_mem>>) src(%arg11 : memref<40x128xi32, #tpu.memory_space<vmem>>) dst(%dma_wait3A_79 : memref<40x128xi32, #tpu.memory_space<hbm>>)
    %add3A_80 = arith.constant 4920 : i32
    %add3A_81 = arith.addi %add3A_4, %add3A_80 : i32
    %multiple_of3A_82 = tpu.assume_multiple %add3A_81, 8 : i32
    %dma_wait3A_83 = arith.constant 0 : i32
    %dma_wait3A_84 = tpu.memref_slice %arg7[%multiple_of3A_82, %dma_wait3A_83] : memref<160000x128xi32, #tpu.memory_space<hbm>> -> memref<40x128xi32, #tpu.memory_space<hbm>>
    %dma_wait3A_85 = arith.constant 0 : i32
    %dma_wait3A_86 = tpu.memref_slice %arg7[%multiple_of3A_82, %dma_wait3A_85] : memref<160000x128xi32, #tpu.memory_space<hbm>> -> memref<40x128xi32, #tpu.memory_space<hbm>>
    tpu.wait_dma2 semaphore(%arg21 : memref<!tpu.dma_semaphore, #tpu.memory_space<semaphore_mem>>) src(%arg13 : memref<40x128xi32, #tpu.memory_space<vmem>>) dst(%dma_wait3A_86 : memref<40x128xi32, #tpu.memory_space<hbm>>)
    return
  }
}

#map = affine_map<(d0, d1) -> (0, 0)>
#map1 = affine_map<(d0, d1) -> (0, 0, 0)>
module attributes {stable_mosaic.version = 14 : i64} {
  func.func @_scatter_body(%arg0: i32, %arg1: i32, %arg2: memref<160000x128xf32, #tpu.memory_space<hbm>>, %arg3: memref<32x125x40xi32, #tpu.memory_space<hbm>>, %arg4: memref<2x10000x128xf32, #tpu.memory_space<hbm>>, %arg5: memref<10000x128xf32, #tpu.memory_space<vmem_shared>>, %arg6: memref<125x40xi32, #tpu.memory_space<vmem>>, %arg7: memref<40x128xf32, #tpu.memory_space<vmem>>, %arg8: memref<40x128xf32, #tpu.memory_space<vmem>>, %arg9: memref<!tpu.dma_semaphore, #tpu.memory_space<semaphore_mem>>, %arg10: memref<!tpu.dma_semaphore, #tpu.memory_space<semaphore_mem>>, %arg11: memref<!tpu.dma_semaphore, #tpu.memory_space<semaphore_mem>>, %arg12: memref<!tpu.dma_semaphore, #tpu.memory_space<semaphore_mem>>) attributes {dimension_semantics = [#tpu.dimension_semantics<core_parallel>, #tpu.dimension_semantics<subcore_parallel>], iteration_bounds = array<i64: 2, 16>, scalar_prefetch = 0 : i64, scratch_operands = 8 : i64, tpu.core_type = #tpu.core_type<sc_vector_subcore>, window_params = [{transform_indices = #map}, {transform_indices = #map1}, {transform_indices = #map1}]} {
    %mul3A = arith.constant 2 : i32
    %mul3A_0 = arith.muli %arg1, %mul3A : i32
    %add3A = arith.addi %mul3A_0, %arg0 : i32
    %mul3A_1 = arith.constant 5000 : i32
    %mul3A_2 = arith.muli %add3A, %mul3A_1 : i32
    %add3A_3 = arith.constant 0 : i32
    %add3A_4 = arith.addi %add3A_3, %mul3A_2 : i32
    %sub3A = arith.constant 250 : i32
    %sub3A_5 = arith.subi %sub3A, %arg1 : i32
    %add3A_6 = arith.constant 16 : i32
    %add3A_7 = arith.addi %sub3A_5, %add3A_6 : i32
    %sub3A_8 = arith.constant 1 : i32
    %sub3A_9 = arith.subi %add3A_7, %sub3A_8 : i32
    %jit3A = arith.constant 16 : i32
    %div3A = arith.divsi %sub3A_9, %jit3A : i32
    %sign3A = arith.constant 0 : i32
    %sign3A_10 = arith.cmpi sgt, %sub3A_9, %sign3A : i32
    %sign3A_11 = arith.extui %sign3A_10 : i1 to i32
    %sign3A_12 = arith.constant 0 : i32
    %sign3A_13 = arith.cmpi slt, %sub3A_9, %sign3A_12 : i32
    %sign3A_14 = arith.extui %sign3A_13 : i1 to i32
    %sign3A_15 = arith.subi %sign3A_11, %sign3A_14 : i32
    %sign3A_16 = arith.constant 0 : i32
    %sign3A_17 = arith.cmpi sgt, %jit3A, %sign3A_16 : i32
    %sign3A_18 = arith.extui %sign3A_17 : i1 to i32
    %sign3A_19 = arith.constant 0 : i32
    %sign3A_20 = arith.cmpi slt, %jit3A, %sign3A_19 : i32
    %sign3A_21 = arith.extui %sign3A_20 : i1 to i32
    %sign3A_22 = arith.subi %sign3A_18, %sign3A_21 : i32
    %ne3A = arith.cmpi ne, %sign3A_15, %sign3A_22 : i32
    %rem3A = arith.remsi %sub3A_9, %jit3A : i32
    %ne3A_23 = arith.constant 0 : i32
    %ne3A_24 = arith.cmpi ne, %rem3A, %ne3A_23 : i32
    %and3A = arith.andi %ne3A, %ne3A_24 : i1
    %sub3A_25 = arith.constant 1 : i32
    %sub3A_26 = arith.subi %div3A, %sub3A_25 : i32
    %select_n3A = arith.select %and3A, %sub3A_26, %div3A : i32
    %scan3A = arith.constant 0 : i32
    %scan3A_27 = arith.constant 0 : i32
    %scan3A_28 = arith.constant 320 : i32
    %scan3A_29 = arith.addi %scan3A_27, %scan3A_28 : i32
    %scan3A_30 = arith.constant 1 : i32
    scf.for %scan3A_98 = %scan3A_27 to %scan3A_29 step %scan3A_30  : i32 {
      %jit3A_99 = arith.constant 8 : i32
      %div3A_100 = arith.divsi %scan3A_98, %jit3A_99 : i32
      %sign3A_101 = arith.constant 0 : i32
      %sign3A_102 = arith.cmpi sgt, %scan3A_98, %sign3A_101 : i32
      %sign3A_103 = arith.extui %sign3A_102 : i1 to i32
      %sign3A_104 = arith.constant 0 : i32
      %sign3A_105 = arith.cmpi slt, %scan3A_98, %sign3A_104 : i32
      %sign3A_106 = arith.extui %sign3A_105 : i1 to i32
      %sign3A_107 = arith.subi %sign3A_103, %sign3A_106 : i32
      %sign3A_108 = arith.constant 0 : i32
      %sign3A_109 = arith.cmpi sgt, %jit3A_99, %sign3A_108 : i32
      %sign3A_110 = arith.extui %sign3A_109 : i1 to i32
      %sign3A_111 = arith.constant 0 : i32
      %sign3A_112 = arith.cmpi slt, %jit3A_99, %sign3A_111 : i32
      %sign3A_113 = arith.extui %sign3A_112 : i1 to i32
      %sign3A_114 = arith.subi %sign3A_110, %sign3A_113 : i32
      %ne3A_115 = arith.cmpi ne, %sign3A_107, %sign3A_114 : i32
      %rem3A_116 = arith.remsi %scan3A_98, %jit3A_99 : i32
      %ne3A_117 = arith.constant 0 : i32
      %ne3A_118 = arith.cmpi ne, %rem3A_116, %ne3A_117 : i32
      %and3A_119 = arith.andi %ne3A_115, %ne3A_118 : i1
      %sub3A_120 = arith.constant 1 : i32
      %sub3A_121 = arith.subi %div3A_100, %sub3A_120 : i32
      %select_n3A_122 = arith.select %and3A_119, %sub3A_121, %div3A_100 : i32
      %jit3A_123 = arith.constant 8 : i32
      %eq3A = arith.constant 0 : i32
      %eq3A_124 = arith.cmpi eq, %jit3A_123, %eq3A : i32
      %jit3A_125 = arith.constant 1 : i32
      %select_n3A_126 = arith.select %eq3A_124, %jit3A_125, %jit3A_123 : i32
      %rem3A_127 = arith.remsi %scan3A_98, %select_n3A_126 : i32
      %ne3A_128 = arith.constant 0 : i32
      %ne3A_129 = arith.cmpi ne, %rem3A_127, %ne3A_128 : i32
      %lt3A_130 = arith.constant 0 : i32
      %lt3A_131 = arith.cmpi slt, %rem3A_127, %lt3A_130 : i32
      %lt3A_132 = arith.constant 0 : i32
      %lt3A_133 = arith.cmpi slt, %select_n3A_126, %lt3A_132 : i32
      %ne3A_134 = arith.xori %lt3A_131, %lt3A_133 : i1
      %and3A_135 = arith.andi %ne3A_134, %ne3A_129 : i1
      %add3A_136 = arith.addi %rem3A_127, %select_n3A_126 : i32
      %select_n3A_137 = arith.select %and3A_135, %add3A_136, %rem3A_127 : i32
      %broadcast_in_dim3A = arith.constant 0.000000e+00 : f32
      %broadcast_in_dim3A_138 = vector.broadcast %broadcast_in_dim3A : f32 to vector<16xf32>
      %mul3A_139 = arith.constant 16 : i32
      %mul3A_140 = arith.muli %select_n3A_137, %mul3A_139 : i32
      %swap3A = arith.index_cast %select_n3A_122 : i32 to index
      %swap3A_141 = arith.index_cast %mul3A_140 : i32 to index
      %swap3A_142 = tpu.vector_load %arg7[%swap3A, %swap3A_141] {strides = array<i32>} : memref<40x128xf32, #tpu.memory_space<vmem>>, vector<1x16xf32>,
      %swap3A_143 = vector.shape_cast %swap3A_142 : vector<1x16xf32> to vector<16xf32>
      %swap3A_144 = vector.shape_cast %broadcast_in_dim3A_138 : vector<16xf32> to vector<1x16xf32>
      tpu.vector_store %arg7[%swap3A, %swap3A_141], %swap3A_144 {strides = array<i32>} : memref<40x128xf32, #tpu.memory_space<vmem>>, vector<1x16xf32>,
    }
    %scan3A_31 = arith.constant 320 : i32
    %while3A = arith.constant 0 : i32
    %while3A_32 = arith.constant 0 : i32
    %while3A_33 = arith.subi %select_n3A, %while3A_32 : i32
    %while3A_34 = arith.addi %while3A_32, %while3A_33 : i32
    %while3A_35 = arith.constant 1 : i32
    %while3A_36 = arith.divsi %while3A_33, %while3A_35 : i32
    %while3A_37 = arith.muli %while3A_36, %while3A_35 : i32
    %while3A_38 = arith.addi %while3A_32, %while3A_37 : i32
    %while3A_39 = arith.constant 1 : i32
    scf.for %while3A_98 = %while3A_32 to %while3A_38 step %while3A_39  : i32 {
      %mul3A_99 = arith.constant 16 : i32
      %mul3A_100 = arith.muli %while3A_98, %mul3A_99 : i32
      %add3A_101 = arith.addi %arg1, %mul3A_100 : i32
      %mul3A_102 = arith.constant 40 : i32
      %mul3A_103 = arith.muli %add3A_101, %mul3A_102 : i32
      %multiple_of3A_104 = tpu.assume_multiple %mul3A_103, 8 : i32
      "tpu.region"() ({
        %run_scoped3A = tpu.sem_alloc : memref<!tpu.dma_semaphore, #tpu.memory_space<semaphore_mem>>
        %dma_start3A_105 = arith.constant 0 : i32
        %dma_start3A_106 = tpu.memref_slice %arg5[%multiple_of3A_104, %dma_start3A_105] : memref<10000x128xf32, #tpu.memory_space<vmem_shared>> -> memref<40x128xf32, #tpu.memory_space<vmem_shared>>
        %dma_start3A_107 = arith.constant 0 : i32
        %dma_start3A_108 = tpu.memref_slice %arg5[%multiple_of3A_104, %dma_start3A_107] : memref<10000x128xf32, #tpu.memory_space<vmem_shared>> -> memref<40x128xf32, #tpu.memory_space<vmem_shared>>
        tpu.enqueue_dma source(%arg7 : memref<40x128xf32, #tpu.memory_space<vmem>>) target(%dma_start3A_108 : memref<40x128xf32, #tpu.memory_space<vmem_shared>>) target_semaphore(%run_scoped3A : memref<!tpu.dma_semaphore, #tpu.memory_space<semaphore_mem>>)
        %dma_wait3A_109 = arith.constant 0 : i32
        %dma_wait3A_110 = tpu.memref_slice %arg5[%multiple_of3A_104, %dma_wait3A_109] : memref<10000x128xf32, #tpu.memory_space<vmem_shared>> -> memref<40x128xf32, #tpu.memory_space<vmem_shared>>
        %dma_wait3A_111 = arith.constant 0 : i32
        %dma_wait3A_112 = tpu.memref_slice %arg5[%multiple_of3A_104, %dma_wait3A_111] : memref<10000x128xf32, #tpu.memory_space<vmem_shared>> -> memref<40x128xf32, #tpu.memory_space<vmem_shared>>
        tpu.wait_dma2 semaphore(%run_scoped3A : memref<!tpu.dma_semaphore, #tpu.memory_space<semaphore_mem>>) src(%arg7 : memref<40x128xf32, #tpu.memory_space<vmem>>) dst(%dma_wait3A_112 : memref<40x128xf32, #tpu.memory_space<vmem_shared>>)
        tpu.yield
      }) : () -> ()
    }
    %while3A_40 = arith.constant 1 : i32
    scf.for %while3A_98 = %while3A_38 to %while3A_34 step %while3A_40  : i32 {
      %mul3A_99 = arith.constant 16 : i32
      %mul3A_100 = arith.muli %while3A_98, %mul3A_99 : i32
      %add3A_101 = arith.addi %arg1, %mul3A_100 : i32
      %mul3A_102 = arith.constant 40 : i32
      %mul3A_103 = arith.muli %add3A_101, %mul3A_102 : i32
      %multiple_of3A_104 = tpu.assume_multiple %mul3A_103, 8 : i32
      "tpu.region"() ({
        %run_scoped3A = tpu.sem_alloc : memref<!tpu.dma_semaphore, #tpu.memory_space<semaphore_mem>>
        %dma_start3A_105 = arith.constant 0 : i32
        %dma_start3A_106 = tpu.memref_slice %arg5[%multiple_of3A_104, %dma_start3A_105] : memref<10000x128xf32, #tpu.memory_space<vmem_shared>> -> memref<40x128xf32, #tpu.memory_space<vmem_shared>>
        %dma_start3A_107 = arith.constant 0 : i32
        %dma_start3A_108 = tpu.memref_slice %arg5[%multiple_of3A_104, %dma_start3A_107] : memref<10000x128xf32, #tpu.memory_space<vmem_shared>> -> memref<40x128xf32, #tpu.memory_space<vmem_shared>>
        tpu.enqueue_dma source(%arg7 : memref<40x128xf32, #tpu.memory_space<vmem>>) target(%dma_start3A_108 : memref<40x128xf32, #tpu.memory_space<vmem_shared>>) target_semaphore(%run_scoped3A : memref<!tpu.dma_semaphore, #tpu.memory_space<semaphore_mem>>)
        %dma_wait3A_109 = arith.constant 0 : i32
        %dma_wait3A_110 = tpu.memref_slice %arg5[%multiple_of3A_104, %dma_wait3A_109] : memref<10000x128xf32, #tpu.memory_space<vmem_shared>> -> memref<40x128xf32, #tpu.memory_space<vmem_shared>>
        %dma_wait3A_111 = arith.constant 0 : i32
        %dma_wait3A_112 = tpu.memref_slice %arg5[%multiple_of3A_104, %dma_wait3A_111] : memref<10000x128xf32, #tpu.memory_space<vmem_shared>> -> memref<40x128xf32, #tpu.memory_space<vmem_shared>>
        tpu.wait_dma2 semaphore(%run_scoped3A : memref<!tpu.dma_semaphore, #tpu.memory_space<semaphore_mem>>) src(%arg7 : memref<40x128xf32, #tpu.memory_space<vmem>>) dst(%dma_wait3A_112 : memref<40x128xf32, #tpu.memory_space<vmem_shared>>)
        tpu.yield
      }) : () -> ()
    }
    %barrier3A = arith.constant 0 : index
    tpu.barrier barrier_id(%barrier3A)
    "tpu.region"() ({
      %run_scoped3A = tpu.sem_alloc : memref<!tpu.dma_semaphore, #tpu.memory_space<semaphore_mem>>
      %dma_start3A_98 = arith.constant 0 : i32
      %dma_start3A_99 = arith.constant 0 : i32
      %dma_start3A_100 = tpu.memref_slice %arg3[%add3A, %dma_start3A_98, %dma_start3A_99] : memref<32x125x40xi32, #tpu.memory_space<hbm>> -> memref<1x125x40xi32, #tpu.memory_space<hbm>>
      %dma_start3A_101 = tpu.memref_squeeze %dma_start3A_100 : memref<1x125x40xi32, #tpu.memory_space<hbm>> -> memref<125x40xi32, #tpu.memory_space<hbm>>
      %dma_start3A_102 = arith.constant 0 : i32
      %dma_start3A_103 = arith.constant 0 : i32
      %dma_start3A_104 = tpu.memref_slice %arg3[%add3A, %dma_start3A_102, %dma_start3A_103] : memref<32x125x40xi32, #tpu.memory_space<hbm>> -> memref<1x125x40xi32, #tpu.memory_space<hbm>>
      %dma_start3A_105 = tpu.memref_squeeze %dma_start3A_104 : memref<1x125x40xi32, #tpu.memory_space<hbm>> -> memref<125x40xi32, #tpu.memory_space<hbm>>
      tpu.enqueue_dma source(%dma_start3A_105 : memref<125x40xi32, #tpu.memory_space<hbm>>) target(%arg6 : memref<125x40xi32, #tpu.memory_space<vmem>>) target_semaphore(%run_scoped3A : memref<!tpu.dma_semaphore, #tpu.memory_space<semaphore_mem>>)
      %dma_wait3A_106 = arith.constant 0 : i32
      %dma_wait3A_107 = arith.constant 0 : i32
      %dma_wait3A_108 = tpu.memref_slice %arg3[%add3A, %dma_wait3A_106, %dma_wait3A_107] : memref<32x125x40xi32, #tpu.memory_space<hbm>> -> memref<1x125x40xi32, #tpu.memory_space<hbm>>
      %dma_wait3A_109 = tpu.memref_squeeze %dma_wait3A_108 : memref<1x125x40xi32, #tpu.memory_space<hbm>> -> memref<125x40xi32, #tpu.memory_space<hbm>>
      %dma_wait3A_110 = arith.constant 0 : i32
      %dma_wait3A_111 = arith.constant 0 : i32
      %dma_wait3A_112 = tpu.memref_slice %arg3[%add3A, %dma_wait3A_110, %dma_wait3A_111] : memref<32x125x40xi32, #tpu.memory_space<hbm>> -> memref<1x125x40xi32, #tpu.memory_space<hbm>>
      %dma_wait3A_113 = tpu.memref_squeeze %dma_wait3A_112 : memref<1x125x40xi32, #tpu.memory_space<hbm>> -> memref<125x40xi32, #tpu.memory_space<hbm>>
      tpu.wait_dma2 semaphore(%run_scoped3A : memref<!tpu.dma_semaphore, #tpu.memory_space<semaphore_mem>>) src(%dma_wait3A_113 : memref<125x40xi32, #tpu.memory_space<hbm>>) dst(%arg6 : memref<125x40xi32, #tpu.memory_space<vmem>>)
      tpu.yield
    }) : () -> ()
    %add3A_41 = arith.constant 0 : i32
    %add3A_42 = arith.addi %add3A_4, %add3A_41 : i32
    %multiple_of3A = tpu.assume_multiple %add3A_42, 8 : i32
    %dma_start3A = arith.constant 0 : i32
    %dma_start3A_43 = tpu.memref_slice %arg2[%multiple_of3A, %dma_start3A] : memref<160000x128xf32, #tpu.memory_space<hbm>> -> memref<40x128xf32, #tpu.memory_space<hbm>>
    %dma_start3A_44 = arith.constant 0 : i32
    %dma_start3A_45 = tpu.memref_slice %arg2[%multiple_of3A, %dma_start3A_44] : memref<160000x128xf32, #tpu.memory_space<hbm>> -> memref<40x128xf32, #tpu.memory_space<hbm>>
    tpu.enqueue_dma source(%dma_start3A_45 : memref<40x128xf32, #tpu.memory_space<hbm>>) target(%arg7 : memref<40x128xf32, #tpu.memory_space<vmem>>) target_semaphore(%arg9 : memref<!tpu.dma_semaphore, #tpu.memory_space<semaphore_mem>>)
    %scan3A_46 = arith.constant 0 : i32
    %scan3A_47 = arith.constant 0 : i32
    %scan3A_48 = arith.constant 62 : i32
    %scan3A_49 = arith.addi %scan3A_47, %scan3A_48 : i32
    %scan3A_50 = arith.constant 1 : i32
    scf.for %scan3A_98 = %scan3A_47 to %scan3A_49 step %scan3A_50  : i32 {
      %mul3A_99 = arith.constant 2 : i32
      %mul3A_100 = arith.muli %mul3A_99, %scan3A_98 : i32
      %add3A_101 = arith.constant 1 : i32
      %add3A_102 = arith.addi %mul3A_100, %add3A_101 : i32
      %lt3A_103 = arith.constant 125 : i32
      %lt3A_104 = arith.cmpi slt, %add3A_102, %lt3A_103 : i32
      %convert_element_type3A_105 = arith.extui %lt3A_104 : i1 to i32
      %cond3A_106 = arith.constant 0 : i32
      %cond3A_107 = arith.cmpi ne, %convert_element_type3A_105, %cond3A_106 : i32
      scf.if %cond3A_107 {
        %ge3A = arith.constant 1 : i32
        %ge3A_147 = arith.cmpi sge, %mul3A_100, %ge3A : i32
        %convert_element_type3A_148 = arith.extui %ge3A_147 : i1 to i32
        %cond3A_149 = arith.constant 0 : i32
        %cond3A_150 = arith.cmpi ne, %convert_element_type3A_148, %cond3A_149 : i32
        scf.if %cond3A_150 {
          %dma_wait3A_161 = arith.constant 0 : i32
          %dma_wait3A_162 = tpu.memref_slice %arg6[%mul3A_100, %dma_wait3A_161] : memref<125x40xi32, #tpu.memory_space<vmem>> -> memref<1x40xi32, #tpu.memory_space<vmem>>
          %dma_wait3A_163 = tpu.memref_squeeze %dma_wait3A_162 : memref<1x40xi32, #tpu.memory_space<vmem>> -> memref<40xi32, #tpu.memory_space<vmem>>
          %dma_wait3A_164 = arith.constant 0 : i32
          %dma_wait3A_165 = arith.constant 0 : i32
          %dma_wait3A_166 = tpu.memref_slice %arg5[%dma_wait3A_164, %dma_wait3A_165] : memref<10000x128xf32, #tpu.memory_space<vmem_shared>> -> memref<10000x128xf32, #tpu.memory_space<vmem_shared>>
          tpu.wait_indirect_dma semaphore(%arg12 : memref<!tpu.dma_semaphore, #tpu.memory_space<semaphore_mem>>) src(%arg8 : memref<40x128xf32, #tpu.memory_space<vmem>>) dst(%dma_wait3A_166 : memref<10000x128xf32, #tpu.memory_space<vmem_shared>>)
        } else {
        }
        %add3A_151 = arith.constant 1 : i32
        %add3A_152 = arith.addi %mul3A_100, %add3A_151 : i32
        %mul3A_153 = arith.constant 40 : i32
        %mul3A_154 = arith.muli %add3A_152, %mul3A_153 : i32
        %add3A_155 = arith.addi %add3A_4, %mul3A_154 : i32
        %multiple_of3A_156 = tpu.assume_multiple %add3A_155, 8 : i32
        %dma_start3A_157 = arith.constant 0 : i32
        %dma_start3A_158 = tpu.memref_slice %arg2[%multiple_of3A_156, %dma_start3A_157] : memref<160000x128xf32, #tpu.memory_space<hbm>> -> memref<40x128xf32, #tpu.memory_space<hbm>>
        %dma_start3A_159 = arith.constant 0 : i32
        %dma_start3A_160 = tpu.memref_slice %arg2[%multiple_of3A_156, %dma_start3A_159] : memref<160000x128xf32, #tpu.memory_space<hbm>> -> memref<40x128xf32, #tpu.memory_space<hbm>>
        tpu.enqueue_dma source(%dma_start3A_160 : memref<40x128xf32, #tpu.memory_space<hbm>>) target(%arg8 : memref<40x128xf32, #tpu.memory_space<vmem>>) target_semaphore(%arg10 : memref<!tpu.dma_semaphore, #tpu.memory_space<semaphore_mem>>)
      } else {
      }
      %mul3A_108 = arith.constant 40 : i32
      %mul3A_109 = arith.muli %mul3A_100, %mul3A_108 : i32
      %add3A_110 = arith.addi %add3A_4, %mul3A_109 : i32
      %multiple_of3A_111 = tpu.assume_multiple %add3A_110, 8 : i32
      %dma_wait3A_112 = arith.constant 0 : i32
      %dma_wait3A_113 = tpu.memref_slice %arg2[%multiple_of3A_111, %dma_wait3A_112] : memref<160000x128xf32, #tpu.memory_space<hbm>> -> memref<40x128xf32, #tpu.memory_space<hbm>>
      %dma_wait3A_114 = arith.constant 0 : i32
      %dma_wait3A_115 = tpu.memref_slice %arg2[%multiple_of3A_111, %dma_wait3A_114] : memref<160000x128xf32, #tpu.memory_space<hbm>> -> memref<40x128xf32, #tpu.memory_space<hbm>>
      tpu.wait_dma2 semaphore(%arg9 : memref<!tpu.dma_semaphore, #tpu.memory_space<semaphore_mem>>) src(%dma_wait3A_115 : memref<40x128xf32, #tpu.memory_space<hbm>>) dst(%arg7 : memref<40x128xf32, #tpu.memory_space<vmem>>)
      %dma_start3A_116 = arith.constant 0 : i32
      %dma_start3A_117 = tpu.memref_slice %arg6[%mul3A_100, %dma_start3A_116] : memref<125x40xi32, #tpu.memory_space<vmem>> -> memref<1x40xi32, #tpu.memory_space<vmem>>
      %dma_start3A_118 = tpu.memref_squeeze %dma_start3A_117 : memref<1x40xi32, #tpu.memory_space<vmem>> -> memref<40xi32, #tpu.memory_space<vmem>>
      %dma_start3A_119 = arith.constant 0 : i32
      %dma_start3A_120 = arith.constant 0 : i32
      %dma_start3A_121 = tpu.memref_slice %arg5[%dma_start3A_119, %dma_start3A_120] : memref<10000x128xf32, #tpu.memory_space<vmem_shared>> -> memref<10000x128xf32, #tpu.memory_space<vmem_shared>>
      tpu.enqueue_indirect_dma source(%arg7 : memref<40x128xf32, #tpu.memory_space<vmem>>) target(%dma_start3A_121 : memref<10000x128xf32, #tpu.memory_space<vmem_shared>>) offsets(%dma_start3A_118 : memref<40xi32, #tpu.memory_space<vmem>>) semaphore(%arg11 : memref<!tpu.dma_semaphore, #tpu.memory_space<semaphore_mem>>) {add = true}
      %mul3A_122 = arith.constant 2 : i32
      %mul3A_123 = arith.muli %mul3A_122, %scan3A_98 : i32
      %add3A_124 = arith.constant 1 : i32
      %add3A_125 = arith.addi %mul3A_123, %add3A_124 : i32
      %add3A_126 = arith.constant 1 : i32
      %add3A_127 = arith.addi %add3A_125, %add3A_126 : i32
      %lt3A_128 = arith.constant 125 : i32
      %lt3A_129 = arith.cmpi slt, %add3A_127, %lt3A_128 : i32
      %convert_element_type3A_130 = arith.extui %lt3A_129 : i1 to i32
      %cond3A_131 = arith.constant 0 : i32
      %cond3A_132 = arith.cmpi ne, %convert_element_type3A_130, %cond3A_131 : i32
      scf.if %cond3A_132 {
        %ge3A = arith.constant 1 : i32
        %ge3A_147 = arith.cmpi sge, %add3A_125, %ge3A : i32
        %convert_element_type3A_148 = arith.extui %ge3A_147 : i1 to i32
        %cond3A_149 = arith.constant 0 : i32
        %cond3A_150 = arith.cmpi ne, %convert_element_type3A_148, %cond3A_149 : i32
        scf.if %cond3A_150 {
          %dma_wait3A_161 = arith.constant 0 : i32
          %dma_wait3A_162 = tpu.memref_slice %arg6[%add3A_125, %dma_wait3A_161] : memref<125x40xi32, #tpu.memory_space<vmem>> -> memref<1x40xi32, #tpu.memory_space<vmem>>
          %dma_wait3A_163 = tpu.memref_squeeze %dma_wait3A_162 : memref<1x40xi32, #tpu.memory_space<vmem>> -> memref<40xi32, #tpu.memory_space<vmem>>
          %dma_wait3A_164 = arith.constant 0 : i32
          %dma_wait3A_165 = arith.constant 0 : i32
          %dma_wait3A_166 = tpu.memref_slice %arg5[%dma_wait3A_164, %dma_wait3A_165] : memref<10000x128xf32, #tpu.memory_space<vmem_shared>> -> memref<10000x128xf32, #tpu.memory_space<vmem_shared>>
          tpu.wait_indirect_dma semaphore(%arg11 : memref<!tpu.dma_semaphore, #tpu.memory_space<semaphore_mem>>) src(%arg7 : memref<40x128xf32, #tpu.memory_space<vmem>>) dst(%dma_wait3A_166 : memref<10000x128xf32, #tpu.memory_space<vmem_shared>>)
        } else {
        }
        %add3A_151 = arith.constant 1 : i32
        %add3A_152 = arith.addi %add3A_125, %add3A_151 : i32
        %mul3A_153 = arith.constant 40 : i32
        %mul3A_154 = arith.muli %add3A_152, %mul3A_153 : i32
        %add3A_155 = arith.addi %add3A_4, %mul3A_154 : i32
        %multiple_of3A_156 = tpu.assume_multiple %add3A_155, 8 : i32
        %dma_start3A_157 = arith.constant 0 : i32
        %dma_start3A_158 = tpu.memref_slice %arg2[%multiple_of3A_156, %dma_start3A_157] : memref<160000x128xf32, #tpu.memory_space<hbm>> -> memref<40x128xf32, #tpu.memory_space<hbm>>
        %dma_start3A_159 = arith.constant 0 : i32
        %dma_start3A_160 = tpu.memref_slice %arg2[%multiple_of3A_156, %dma_start3A_159] : memref<160000x128xf32, #tpu.memory_space<hbm>> -> memref<40x128xf32, #tpu.memory_space<hbm>>
        tpu.enqueue_dma source(%dma_start3A_160 : memref<40x128xf32, #tpu.memory_space<hbm>>) target(%arg7 : memref<40x128xf32, #tpu.memory_space<vmem>>) target_semaphore(%arg9 : memref<!tpu.dma_semaphore, #tpu.memory_space<semaphore_mem>>)
      } else {
      }
      %mul3A_133 = arith.constant 40 : i32
      %mul3A_134 = arith.muli %add3A_125, %mul3A_133 : i32
      %add3A_135 = arith.addi %add3A_4, %mul3A_134 : i32
      %multiple_of3A_136 = tpu.assume_multiple %add3A_135, 8 : i32
      %dma_wait3A_137 = arith.constant 0 : i32
      %dma_wait3A_138 = tpu.memref_slice %arg2[%multiple_of3A_136, %dma_wait3A_137] : memref<160000x128xf32, #tpu.memory_space<hbm>> -> memref<40x128xf32, #tpu.memory_space<hbm>>
      %dma_wait3A_139 = arith.constant 0 : i32
      %dma_wait3A_140 = tpu.memref_slice %arg2[%multiple_of3A_136, %dma_wait3A_139] : memref<160000x128xf32, #tpu.memory_space<hbm>> -> memref<40x128xf32, #tpu.memory_space<hbm>>
      tpu.wait_dma2 semaphore(%arg10 : memref<!tpu.dma_semaphore, #tpu.memory_space<semaphore_mem>>) src(%dma_wait3A_140 : memref<40x128xf32, #tpu.memory_space<hbm>>) dst(%arg8 : memref<40x128xf32, #tpu.memory_space<vmem>>)
      %dma_start3A_141 = arith.constant 0 : i32
      %dma_start3A_142 = tpu.memref_slice %arg6[%add3A_125, %dma_start3A_141] : memref<125x40xi32, #tpu.memory_space<vmem>> -> memref<1x40xi32, #tpu.memory_space<vmem>>
      %dma_start3A_143 = tpu.memref_squeeze %dma_start3A_142 : memref<1x40xi32, #tpu.memory_space<vmem>> -> memref<40xi32, #tpu.memory_space<vmem>>
      %dma_start3A_144 = arith.constant 0 : i32
      %dma_start3A_145 = arith.constant 0 : i32
      %dma_start3A_146 = tpu.memref_slice %arg5[%dma_start3A_144, %dma_start3A_145] : memref<10000x128xf32, #tpu.memory_space<vmem_shared>> -> memref<10000x128xf32, #tpu.memory_space<vmem_shared>>
      tpu.enqueue_indirect_dma source(%arg8 : memref<40x128xf32, #tpu.memory_space<vmem>>) target(%dma_start3A_146 : memref<10000x128xf32, #tpu.memory_space<vmem_shared>>) offsets(%dma_start3A_143 : memref<40xi32, #tpu.memory_space<vmem>>) semaphore(%arg12 : memref<!tpu.dma_semaphore, #tpu.memory_space<semaphore_mem>>) {add = true}
    }
    %scan3A_51 = arith.constant 62 : i32
    %add3A_52 = arith.constant 124 : i32
    %add3A_53 = arith.constant 1 : i32
    %add3A_54 = arith.addi %add3A_52, %add3A_53 : i32
    %lt3A = arith.constant 125 : i32
    %lt3A_55 = arith.cmpi slt, %add3A_54, %lt3A : i32
    %convert_element_type3A = arith.extui %lt3A_55 : i1 to i32
    %cond3A = arith.constant 124 : i32
    %cond3A_56 = arith.constant 0 : i32
    %cond3A_57 = arith.cmpi ne, %convert_element_type3A, %cond3A_56 : i32
    scf.if %cond3A_57 {
      %ge3A = arith.constant 1 : i32
      %ge3A_98 = arith.cmpi sge, %cond3A, %ge3A : i32
      %convert_element_type3A_99 = arith.extui %ge3A_98 : i1 to i32
      %cond3A_100 = arith.constant 0 : i32
      %cond3A_101 = arith.cmpi ne, %convert_element_type3A_99, %cond3A_100 : i32
      scf.if %cond3A_101 {
        %dma_wait3A_112 = arith.constant 0 : i32
        %dma_wait3A_113 = tpu.memref_slice %arg6[%cond3A, %dma_wait3A_112] : memref<125x40xi32, #tpu.memory_space<vmem>> -> memref<1x40xi32, #tpu.memory_space<vmem>>
        %dma_wait3A_114 = tpu.memref_squeeze %dma_wait3A_113 : memref<1x40xi32, #tpu.memory_space<vmem>> -> memref<40xi32, #tpu.memory_space<vmem>>
        %dma_wait3A_115 = arith.constant 0 : i32
        %dma_wait3A_116 = arith.constant 0 : i32
        %dma_wait3A_117 = tpu.memref_slice %arg5[%dma_wait3A_115, %dma_wait3A_116] : memref<10000x128xf32, #tpu.memory_space<vmem_shared>> -> memref<10000x128xf32, #tpu.memory_space<vmem_shared>>
        tpu.wait_indirect_dma semaphore(%arg12 : memref<!tpu.dma_semaphore, #tpu.memory_space<semaphore_mem>>) src(%arg8 : memref<40x128xf32, #tpu.memory_space<vmem>>) dst(%dma_wait3A_117 : memref<10000x128xf32, #tpu.memory_space<vmem_shared>>)
      } else {
      }
      %add3A_102 = arith.constant 1 : i32
      %add3A_103 = arith.addi %cond3A, %add3A_102 : i32
      %mul3A_104 = arith.constant 40 : i32
      %mul3A_105 = arith.muli %add3A_103, %mul3A_104 : i32
      %add3A_106 = arith.addi %add3A_4, %mul3A_105 : i32
      %multiple_of3A_107 = tpu.assume_multiple %add3A_106, 8 : i32
      %dma_start3A_108 = arith.constant 0 : i32
      %dma_start3A_109 = tpu.memref_slice %arg2[%multiple_of3A_107, %dma_start3A_108] : memref<160000x128xf32, #tpu.memory_space<hbm>> -> memref<40x128xf32, #tpu.memory_space<hbm>>
      %dma_start3A_110 = arith.constant 0 : i32
      %dma_start3A_111 = tpu.memref_slice %arg2[%multiple_of3A_107, %dma_start3A_110] : memref<160000x128xf32, #tpu.memory_space<hbm>> -> memref<40x128xf32, #tpu.memory_space<hbm>>
      tpu.enqueue_dma source(%dma_start3A_111 : memref<40x128xf32, #tpu.memory_space<hbm>>) target(%arg8 : memref<40x128xf32, #tpu.memory_space<vmem>>) target_semaphore(%arg10 : memref<!tpu.dma_semaphore, #tpu.memory_space<semaphore_mem>>)
    } else {
    }
    %mul3A_58 = arith.constant 124 : i32
    %mul3A_59 = arith.constant 40 : i32
    %mul3A_60 = arith.muli %mul3A_58, %mul3A_59 : i32
    %add3A_61 = arith.addi %add3A_4, %mul3A_60 : i32
    %multiple_of3A_62 = tpu.assume_multiple %add3A_61, 8 : i32
    %dma_wait3A = arith.constant 0 : i32
    %dma_wait3A_63 = tpu.memref_slice %arg2[%multiple_of3A_62, %dma_wait3A] : memref<160000x128xf32, #tpu.memory_space<hbm>> -> memref<40x128xf32, #tpu.memory_space<hbm>>
    %dma_wait3A_64 = arith.constant 0 : i32
    %dma_wait3A_65 = tpu.memref_slice %arg2[%multiple_of3A_62, %dma_wait3A_64] : memref<160000x128xf32, #tpu.memory_space<hbm>> -> memref<40x128xf32, #tpu.memory_space<hbm>>
    tpu.wait_dma2 semaphore(%arg9 : memref<!tpu.dma_semaphore, #tpu.memory_space<semaphore_mem>>) src(%dma_wait3A_65 : memref<40x128xf32, #tpu.memory_space<hbm>>) dst(%arg7 : memref<40x128xf32, #tpu.memory_space<vmem>>)
    %dma_start3A_66 = arith.constant 124 : i32
    %dma_start3A_67 = arith.constant 0 : i32
    %dma_start3A_68 = tpu.memref_slice %arg6[%dma_start3A_66, %dma_start3A_67] : memref<125x40xi32, #tpu.memory_space<vmem>> -> memref<1x40xi32, #tpu.memory_space<vmem>>
    %dma_start3A_69 = tpu.memref_squeeze %dma_start3A_68 : memref<1x40xi32, #tpu.memory_space<vmem>> -> memref<40xi32, #tpu.memory_space<vmem>>
    %dma_start3A_70 = arith.constant 0 : i32
    %dma_start3A_71 = arith.constant 0 : i32
    %dma_start3A_72 = tpu.memref_slice %arg5[%dma_start3A_70, %dma_start3A_71] : memref<10000x128xf32, #tpu.memory_space<vmem_shared>> -> memref<10000x128xf32, #tpu.memory_space<vmem_shared>>
    tpu.enqueue_indirect_dma source(%arg7 : memref<40x128xf32, #tpu.memory_space<vmem>>) target(%dma_start3A_72 : memref<10000x128xf32, #tpu.memory_space<vmem_shared>>) offsets(%dma_start3A_69 : memref<40xi32, #tpu.memory_space<vmem>>) semaphore(%arg11 : memref<!tpu.dma_semaphore, #tpu.memory_space<semaphore_mem>>) {add = true}
    %dma_wait3A_73 = arith.constant 0 : i32
    %dma_wait3A_74 = arith.constant 0 : i32
    %dma_wait3A_75 = tpu.memref_slice %arg6[%dma_wait3A_73, %dma_wait3A_74] : memref<125x40xi32, #tpu.memory_space<vmem>> -> memref<1x40xi32, #tpu.memory_space<vmem>>
    %dma_wait3A_76 = tpu.memref_squeeze %dma_wait3A_75 : memref<1x40xi32, #tpu.memory_space<vmem>> -> memref<40xi32, #tpu.memory_space<vmem>>
    %dma_wait3A_77 = arith.constant 0 : i32
    %dma_wait3A_78 = arith.constant 0 : i32
    %dma_wait3A_79 = tpu.memref_slice %arg5[%dma_wait3A_77, %dma_wait3A_78] : memref<10000x128xf32, #tpu.memory_space<vmem_shared>> -> memref<10000x128xf32, #tpu.memory_space<vmem_shared>>
    tpu.wait_indirect_dma semaphore(%arg11 : memref<!tpu.dma_semaphore, #tpu.memory_space<semaphore_mem>>) src(%arg7 : memref<40x128xf32, #tpu.memory_space<vmem>>) dst(%dma_wait3A_79 : memref<10000x128xf32, #tpu.memory_space<vmem_shared>>)
    %dma_wait3A_80 = arith.constant 0 : i32
    %dma_wait3A_81 = arith.constant 0 : i32
    %dma_wait3A_82 = tpu.memref_slice %arg6[%dma_wait3A_80, %dma_wait3A_81] : memref<125x40xi32, #tpu.memory_space<vmem>> -> memref<1x40xi32, #tpu.memory_space<vmem>>
    %dma_wait3A_83 = tpu.memref_squeeze %dma_wait3A_82 : memref<1x40xi32, #tpu.memory_space<vmem>> -> memref<40xi32, #tpu.memory_space<vmem>>
    %dma_wait3A_84 = arith.constant 0 : i32
    %dma_wait3A_85 = arith.constant 0 : i32
    %dma_wait3A_86 = tpu.memref_slice %arg5[%dma_wait3A_84, %dma_wait3A_85] : memref<10000x128xf32, #tpu.memory_space<vmem_shared>> -> memref<10000x128xf32, #tpu.memory_space<vmem_shared>>
    tpu.wait_indirect_dma semaphore(%arg12 : memref<!tpu.dma_semaphore, #tpu.memory_space<semaphore_mem>>) src(%arg8 : memref<40x128xf32, #tpu.memory_space<vmem>>) dst(%dma_wait3A_86 : memref<10000x128xf32, #tpu.memory_space<vmem_shared>>)
    %barrier3A_87 = arith.constant 0 : index
    tpu.barrier barrier_id(%barrier3A_87)
    %while3A_88 = arith.constant 0 : i32
    %while3A_89 = arith.constant 0 : i32
    %while3A_90 = arith.subi %select_n3A, %while3A_89 : i32
    %while3A_91 = arith.addi %while3A_89, %while3A_90 : i32
    %while3A_92 = arith.constant 1 : i32
    %while3A_93 = arith.divsi %while3A_90, %while3A_92 : i32
    %while3A_94 = arith.muli %while3A_93, %while3A_92 : i32
    %while3A_95 = arith.addi %while3A_89, %while3A_94 : i32
    %while3A_96 = arith.constant 1 : i32
    scf.for %while3A_98 = %while3A_89 to %while3A_95 step %while3A_96  : i32 {
      %mul3A_99 = arith.constant 16 : i32
      %mul3A_100 = arith.muli %while3A_98, %mul3A_99 : i32
      %add3A_101 = arith.addi %arg1, %mul3A_100 : i32
      %mul3A_102 = arith.constant 40 : i32
      %mul3A_103 = arith.muli %add3A_101, %mul3A_102 : i32
      %multiple_of3A_104 = tpu.assume_multiple %mul3A_103, 8 : i32
      "tpu.region"() ({
        %run_scoped3A = tpu.sem_alloc : memref<!tpu.dma_semaphore, #tpu.memory_space<semaphore_mem>>
        %dma_start3A_105 = arith.constant 0 : i32
        %dma_start3A_106 = tpu.memref_slice %arg5[%multiple_of3A_104, %dma_start3A_105] : memref<10000x128xf32, #tpu.memory_space<vmem_shared>> -> memref<40x128xf32, #tpu.memory_space<vmem_shared>>
        %dma_start3A_107 = arith.constant 0 : i32
        %dma_start3A_108 = tpu.memref_slice %arg5[%multiple_of3A_104, %dma_start3A_107] : memref<10000x128xf32, #tpu.memory_space<vmem_shared>> -> memref<40x128xf32, #tpu.memory_space<vmem_shared>>
        tpu.enqueue_dma source(%dma_start3A_108 : memref<40x128xf32, #tpu.memory_space<vmem_shared>>) target(%arg7 : memref<40x128xf32, #tpu.memory_space<vmem>>) target_semaphore(%run_scoped3A : memref<!tpu.dma_semaphore, #tpu.memory_space<semaphore_mem>>)
        %dma_wait3A_109 = arith.constant 0 : i32
        %dma_wait3A_110 = tpu.memref_slice %arg5[%multiple_of3A_104, %dma_wait3A_109] : memref<10000x128xf32, #tpu.memory_space<vmem_shared>> -> memref<40x128xf32, #tpu.memory_space<vmem_shared>>
        %dma_wait3A_111 = arith.constant 0 : i32
        %dma_wait3A_112 = tpu.memref_slice %arg5[%multiple_of3A_104, %dma_wait3A_111] : memref<10000x128xf32, #tpu.memory_space<vmem_shared>> -> memref<40x128xf32, #tpu.memory_space<vmem_shared>>
        tpu.wait_dma2 semaphore(%run_scoped3A : memref<!tpu.dma_semaphore, #tpu.memory_space<semaphore_mem>>) src(%dma_wait3A_112 : memref<40x128xf32, #tpu.memory_space<vmem_shared>>) dst(%arg7 : memref<40x128xf32, #tpu.memory_space<vmem>>)
        tpu.yield
      }) : () -> ()
      "tpu.region"() ({
        %run_scoped3A = tpu.sem_alloc : memref<!tpu.dma_semaphore, #tpu.memory_space<semaphore_mem>>
        %dma_start3A_105 = arith.constant 0 : i32
        %dma_start3A_106 = arith.constant 0 : i32
        %dma_start3A_107 = tpu.memref_slice %arg4[%arg0, %dma_start3A_105, %dma_start3A_106] : memref<2x10000x128xf32, #tpu.memory_space<hbm>> -> memref<1x10000x128xf32, #tpu.memory_space<hbm>>
        %dma_start3A_108 = tpu.memref_squeeze %dma_start3A_107 : memref<1x10000x128xf32, #tpu.memory_space<hbm>> -> memref<10000x128xf32, #tpu.memory_space<hbm>>
        %dma_start3A_109 = arith.constant 0 : i32
        %dma_start3A_110 = tpu.memref_slice %dma_start3A_108[%multiple_of3A_104, %dma_start3A_109] : memref<10000x128xf32, #tpu.memory_space<hbm>> -> memref<40x128xf32, #tpu.memory_space<hbm>>
        %dma_start3A_111 = arith.constant 0 : i32
        %dma_start3A_112 = arith.constant 0 : i32
        %dma_start3A_113 = tpu.memref_slice %arg4[%arg0, %dma_start3A_111, %dma_start3A_112] : memref<2x10000x128xf32, #tpu.memory_space<hbm>> -> memref<1x10000x128xf32, #tpu.memory_space<hbm>>
        %dma_start3A_114 = tpu.memref_squeeze %dma_start3A_113 : memref<1x10000x128xf32, #tpu.memory_space<hbm>> -> memref<10000x128xf32, #tpu.memory_space<hbm>>
        %dma_start3A_115 = arith.constant 0 : i32
        %dma_start3A_116 = tpu.memref_slice %dma_start3A_114[%multiple_of3A_104, %dma_start3A_115] : memref<10000x128xf32, #tpu.memory_space<hbm>> -> memref<40x128xf32, #tpu.memory_space<hbm>>
        tpu.enqueue_dma source(%arg7 : memref<40x128xf32, #tpu.memory_space<vmem>>) target(%dma_start3A_116 : memref<40x128xf32, #tpu.memory_space<hbm>>) target_semaphore(%run_scoped3A : memref<!tpu.dma_semaphore, #tpu.memory_space<semaphore_mem>>)
        %dma_wait3A_117 = arith.constant 0 : i32
        %dma_wait3A_118 = arith.constant 0 : i32
        %dma_wait3A_119 = tpu.memref_slice %arg4[%arg0, %dma_wait3A_117, %dma_wait3A_118] : memref<2x10000x128xf32, #tpu.memory_space<hbm>> -> memref<1x10000x128xf32, #tpu.memory_space<hbm>>
        %dma_wait3A_120 = tpu.memref_squeeze %dma_wait3A_119 : memref<1x10000x128xf32, #tpu.memory_space<hbm>> -> memref<10000x128xf32, #tpu.memory_space<hbm>>
        %dma_wait3A_121 = arith.constant 0 : i32
        %dma_wait3A_122 = tpu.memref_slice %dma_wait3A_120[%multiple_of3A_104, %dma_wait3A_121] : memref<10000x128xf32, #tpu.memory_space<hbm>> -> memref<40x128xf32, #tpu.memory_space<hbm>>
        %dma_wait3A_123 = arith.constant 0 : i32
        %dma_wait3A_124 = arith.constant 0 : i32
        %dma_wait3A_125 = tpu.memref_slice %arg4[%arg0, %dma_wait3A_123, %dma_wait3A_124] : memref<2x10000x128xf32, #tpu.memory_space<hbm>> -> memref<1x10000x128xf32, #tpu.memory_space<hbm>>
        %dma_wait3A_126 = tpu.memref_squeeze %dma_wait3A_125 : memref<1x10000x128xf32, #tpu.memory_space<hbm>> -> memref<10000x128xf32, #tpu.memory_space<hbm>>
        %dma_wait3A_127 = arith.constant 0 : i32
        %dma_wait3A_128 = tpu.memref_slice %dma_wait3A_126[%multiple_of3A_104, %dma_wait3A_127] : memref<10000x128xf32, #tpu.memory_space<hbm>> -> memref<40x128xf32, #tpu.memory_space<hbm>>
        tpu.wait_dma2 semaphore(%run_scoped3A : memref<!tpu.dma_semaphore, #tpu.memory_space<semaphore_mem>>) src(%arg7 : memref<40x128xf32, #tpu.memory_space<vmem>>) dst(%dma_wait3A_128 : memref<40x128xf32, #tpu.memory_space<hbm>>)
        tpu.yield
      }) : () -> ()
    }
    %while3A_97 = arith.constant 1 : i32
    scf.for %while3A_98 = %while3A_95 to %while3A_91 step %while3A_97  : i32 {
      %mul3A_99 = arith.constant 16 : i32
      %mul3A_100 = arith.muli %while3A_98, %mul3A_99 : i32
      %add3A_101 = arith.addi %arg1, %mul3A_100 : i32
      %mul3A_102 = arith.constant 40 : i32
      %mul3A_103 = arith.muli %add3A_101, %mul3A_102 : i32
      %multiple_of3A_104 = tpu.assume_multiple %mul3A_103, 8 : i32
      "tpu.region"() ({
        %run_scoped3A = tpu.sem_alloc : memref<!tpu.dma_semaphore, #tpu.memory_space<semaphore_mem>>
        %dma_start3A_105 = arith.constant 0 : i32
        %dma_start3A_106 = tpu.memref_slice %arg5[%multiple_of3A_104, %dma_start3A_105] : memref<10000x128xf32, #tpu.memory_space<vmem_shared>> -> memref<40x128xf32, #tpu.memory_space<vmem_shared>>
        %dma_start3A_107 = arith.constant 0 : i32
        %dma_start3A_108 = tpu.memref_slice %arg5[%multiple_of3A_104, %dma_start3A_107] : memref<10000x128xf32, #tpu.memory_space<vmem_shared>> -> memref<40x128xf32, #tpu.memory_space<vmem_shared>>
        tpu.enqueue_dma source(%dma_start3A_108 : memref<40x128xf32, #tpu.memory_space<vmem_shared>>) target(%arg7 : memref<40x128xf32, #tpu.memory_space<vmem>>) target_semaphore(%run_scoped3A : memref<!tpu.dma_semaphore, #tpu.memory_space<semaphore_mem>>)
        %dma_wait3A_109 = arith.constant 0 : i32
        %dma_wait3A_110 = tpu.memref_slice %arg5[%multiple_of3A_104, %dma_wait3A_109] : memref<10000x128xf32, #tpu.memory_space<vmem_shared>> -> memref<40x128xf32, #tpu.memory_space<vmem_shared>>
        %dma_wait3A_111 = arith.constant 0 : i32
        %dma_wait3A_112 = tpu.memref_slice %arg5[%multiple_of3A_104, %dma_wait3A_111] : memref<10000x128xf32, #tpu.memory_space<vmem_shared>> -> memref<40x128xf32, #tpu.memory_space<vmem_shared>>
        tpu.wait_dma2 semaphore(%run_scoped3A : memref<!tpu.dma_semaphore, #tpu.memory_space<semaphore_mem>>) src(%dma_wait3A_112 : memref<40x128xf32, #tpu.memory_space<vmem_shared>>) dst(%arg7 : memref<40x128xf32, #tpu.memory_space<vmem>>)
        tpu.yield
      }) : () -> ()
      "tpu.region"() ({
        %run_scoped3A = tpu.sem_alloc : memref<!tpu.dma_semaphore, #tpu.memory_space<semaphore_mem>>
        %dma_start3A_105 = arith.constant 0 : i32
        %dma_start3A_106 = arith.constant 0 : i32
        %dma_start3A_107 = tpu.memref_slice %arg4[%arg0, %dma_start3A_105, %dma_start3A_106] : memref<2x10000x128xf32, #tpu.memory_space<hbm>> -> memref<1x10000x128xf32, #tpu.memory_space<hbm>>
        %dma_start3A_108 = tpu.memref_squeeze %dma_start3A_107 : memref<1x10000x128xf32, #tpu.memory_space<hbm>> -> memref<10000x128xf32, #tpu.memory_space<hbm>>
        %dma_start3A_109 = arith.constant 0 : i32
        %dma_start3A_110 = tpu.memref_slice %dma_start3A_108[%multiple_of3A_104, %dma_start3A_109] : memref<10000x128xf32, #tpu.memory_space<hbm>> -> memref<40x128xf32, #tpu.memory_space<hbm>>
        %dma_start3A_111 = arith.constant 0 : i32
        %dma_start3A_112 = arith.constant 0 : i32
        %dma_start3A_113 = tpu.memref_slice %arg4[%arg0, %dma_start3A_111, %dma_start3A_112] : memref<2x10000x128xf32, #tpu.memory_space<hbm>> -> memref<1x10000x128xf32, #tpu.memory_space<hbm>>
        %dma_start3A_114 = tpu.memref_squeeze %dma_start3A_113 : memref<1x10000x128xf32, #tpu.memory_space<hbm>> -> memref<10000x128xf32, #tpu.memory_space<hbm>>
        %dma_start3A_115 = arith.constant 0 : i32
        %dma_start3A_116 = tpu.memref_slice %dma_start3A_114[%multiple_of3A_104, %dma_start3A_115] : memref<10000x128xf32, #tpu.memory_space<hbm>> -> memref<40x128xf32, #tpu.memory_space<hbm>>
        tpu.enqueue_dma source(%arg7 : memref<40x128xf32, #tpu.memory_space<vmem>>) target(%dma_start3A_116 : memref<40x128xf32, #tpu.memory_space<hbm>>) target_semaphore(%run_scoped3A : memref<!tpu.dma_semaphore, #tpu.memory_space<semaphore_mem>>)
        %dma_wait3A_117 = arith.constant 0 : i32
        %dma_wait3A_118 = arith.constant 0 : i32
        %dma_wait3A_119 = tpu.memref_slice %arg4[%arg0, %dma_wait3A_117, %dma_wait3A_118] : memref<2x10000x128xf32, #tpu.memory_space<hbm>> -> memref<1x10000x128xf32, #tpu.memory_space<hbm>>
        %dma_wait3A_120 = tpu.memref_squeeze %dma_wait3A_119 : memref<1x10000x128xf32, #tpu.memory_space<hbm>> -> memref<10000x128xf32, #tpu.memory_space<hbm>>
        %dma_wait3A_121 = arith.constant 0 : i32
        %dma_wait3A_122 = tpu.memref_slice %dma_wait3A_120[%multiple_of3A_104, %dma_wait3A_121] : memref<10000x128xf32, #tpu.memory_space<hbm>> -> memref<40x128xf32, #tpu.memory_space<hbm>>
        %dma_wait3A_123 = arith.constant 0 : i32
        %dma_wait3A_124 = arith.constant 0 : i32
        %dma_wait3A_125 = tpu.memref_slice %arg4[%arg0, %dma_wait3A_123, %dma_wait3A_124] : memref<2x10000x128xf32, #tpu.memory_space<hbm>> -> memref<1x10000x128xf32, #tpu.memory_space<hbm>>
        %dma_wait3A_126 = tpu.memref_squeeze %dma_wait3A_125 : memref<1x10000x128xf32, #tpu.memory_space<hbm>> -> memref<10000x128xf32, #tpu.memory_space<hbm>>
        %dma_wait3A_127 = arith.constant 0 : i32
        %dma_wait3A_128 = tpu.memref_slice %dma_wait3A_126[%multiple_of3A_104, %dma_wait3A_127] : memref<10000x128xf32, #tpu.memory_space<hbm>> -> memref<40x128xf32, #tpu.memory_space<hbm>>
        tpu.wait_dma2 semaphore(%run_scoped3A : memref<!tpu.dma_semaphore, #tpu.memory_space<semaphore_mem>>) src(%arg7 : memref<40x128xf32, #tpu.memory_space<vmem>>) dst(%dma_wait3A_128 : memref<40x128xf32, #tpu.memory_space<hbm>>)
        tpu.yield
      }) : () -> ()
    }
    return
  }
}

#map = affine_map<(d0, d1) -> (0, 0)>
#map1 = affine_map<(d0, d1) -> (0, 0, 0)>
module attributes {stable_mosaic.version = 14 : i64} {
  func.func @_gather_body(%arg0: i32, %arg1: i32, %arg2: memref<10000x128xi32, #tpu.memory_space<hbm>>, %arg3: memref<10000x128xi32, #tpu.memory_space<hbm>>, %arg4: memref<32x125x40xi32, #tpu.memory_space<hbm>>, %arg5: memref<32x125x40xi32, #tpu.memory_space<hbm>>, %arg6: memref<160000x128xi32, #tpu.memory_space<hbm>>, %arg7: memref<160000x128xi32, #tpu.memory_space<hbm>>, %arg8: memref<125x40xi32, #tpu.memory_space<vmem>>, %arg9: memref<125x40xi32, #tpu.memory_space<vmem>>, %arg10: memref<40x128xi32, #tpu.memory_space<vmem>>, %arg11: memref<40x128xi32, #tpu.memory_space<vmem>>, %arg12: memref<40x128xi32, #tpu.memory_space<vmem>>, %arg13: memref<40x128xi32, #tpu.memory_space<vmem>>, %arg14: memref<!tpu.dma_semaphore, #tpu.memory_space<semaphore_mem>>, %arg15: memref<!tpu.dma_semaphore, #tpu.memory_space<semaphore_mem>>, %arg16: memref<!tpu.dma_semaphore, #tpu.memory_space<semaphore_mem>>, %arg17: memref<!tpu.dma_semaphore, #tpu.memory_space<semaphore_mem>>, %arg18: memref<!tpu.dma_semaphore, #tpu.memory_space<semaphore_mem>>, %arg19: memref<!tpu.dma_semaphore, #tpu.memory_space<semaphore_mem>>, %arg20: memref<!tpu.dma_semaphore, #tpu.memory_space<semaphore_mem>>, %arg21: memref<!tpu.dma_semaphore, #tpu.memory_space<semaphore_mem>>) attributes {dimension_semantics = [#tpu.dimension_semantics<core_parallel>, #tpu.dimension_semantics<subcore_parallel>], iteration_bounds = array<i64: 2, 16>, scalar_prefetch = 0 : i64, scratch_operands = 14 : i64, tpu.core_type = #tpu.core_type<sc_vector_subcore>, window_params = [{transform_indices = #map}, {transform_indices = #map}, {transform_indices = #map1}, {transform_indices = #map1}, {transform_indices = #map}, {transform_indices = #map}]} {
    %mul3A = arith.constant 2 : i32
    %mul3A_0 = arith.muli %arg1, %mul3A : i32
    %add3A = arith.addi %mul3A_0, %arg0 : i32
    %mul3A_1 = arith.constant 5000 : i32
    %mul3A_2 = arith.muli %add3A, %mul3A_1 : i32
    %add3A_3 = arith.constant 0 : i32
    %add3A_4 = arith.addi %add3A_3, %mul3A_2 : i32
    "tpu.region"() ({
      %run_scoped3A = tpu.sem_alloc : memref<!tpu.dma_semaphore, #tpu.memory_space<semaphore_mem>>
      %dma_start3A_87 = arith.constant 0 : i32
      %dma_start3A_88 = arith.constant 0 : i32
      %dma_start3A_89 = tpu.memref_slice %arg4[%add3A, %dma_start3A_87, %dma_start3A_88] : memref<32x125x40xi32, #tpu.memory_space<hbm>> -> memref<1x125x40xi32, #tpu.memory_space<hbm>>
      %dma_start3A_90 = tpu.memref_squeeze %dma_start3A_89 : memref<1x125x40xi32, #tpu.memory_space<hbm>> -> memref<125x40xi32, #tpu.memory_space<hbm>>
      %dma_start3A_91 = arith.constant 0 : i32
      %dma_start3A_92 = arith.constant 0 : i32
      %dma_start3A_93 = tpu.memref_slice %arg4[%add3A, %dma_start3A_91, %dma_start3A_92] : memref<32x125x40xi32, #tpu.memory_space<hbm>> -> memref<1x125x40xi32, #tpu.memory_space<hbm>>
      %dma_start3A_94 = tpu.memref_squeeze %dma_start3A_93 : memref<1x125x40xi32, #tpu.memory_space<hbm>> -> memref<125x40xi32, #tpu.memory_space<hbm>>
      tpu.enqueue_dma source(%dma_start3A_94 : memref<125x40xi32, #tpu.memory_space<hbm>>) target(%arg8 : memref<125x40xi32, #tpu.memory_space<vmem>>) target_semaphore(%run_scoped3A : memref<!tpu.dma_semaphore, #tpu.memory_space<semaphore_mem>>)
      %dma_wait3A_95 = arith.constant 0 : i32
      %dma_wait3A_96 = arith.constant 0 : i32
      %dma_wait3A_97 = tpu.memref_slice %arg4[%add3A, %dma_wait3A_95, %dma_wait3A_96] : memref<32x125x40xi32, #tpu.memory_space<hbm>> -> memref<1x125x40xi32, #tpu.memory_space<hbm>>
      %dma_wait3A_98 = tpu.memref_squeeze %dma_wait3A_97 : memref<1x125x40xi32, #tpu.memory_space<hbm>> -> memref<125x40xi32, #tpu.memory_space<hbm>>
      %dma_wait3A_99 = arith.constant 0 : i32
      %dma_wait3A_100 = arith.constant 0 : i32
      %dma_wait3A_101 = tpu.memref_slice %arg4[%add3A, %dma_wait3A_99, %dma_wait3A_100] : memref<32x125x40xi32, #tpu.memory_space<hbm>> -> memref<1x125x40xi32, #tpu.memory_space<hbm>>
      %dma_wait3A_102 = tpu.memref_squeeze %dma_wait3A_101 : memref<1x125x40xi32, #tpu.memory_space<hbm>> -> memref<125x40xi32, #tpu.memory_space<hbm>>
      tpu.wait_dma2 semaphore(%run_scoped3A : memref<!tpu.dma_semaphore, #tpu.memory_space<semaphore_mem>>) src(%dma_wait3A_102 : memref<125x40xi32, #tpu.memory_space<hbm>>) dst(%arg8 : memref<125x40xi32, #tpu.memory_space<vmem>>)
      tpu.yield
    }) : () -> ()
    "tpu.region"() ({
      %run_scoped3A = tpu.sem_alloc : memref<!tpu.dma_semaphore, #tpu.memory_space<semaphore_mem>>
      %dma_start3A_87 = arith.constant 0 : i32
      %dma_start3A_88 = arith.constant 0 : i32
      %dma_start3A_89 = tpu.memref_slice %arg5[%add3A, %dma_start3A_87, %dma_start3A_88] : memref<32x125x40xi32, #tpu.memory_space<hbm>> -> memref<1x125x40xi32, #tpu.memory_space<hbm>>
      %dma_start3A_90 = tpu.memref_squeeze %dma_start3A_89 : memref<1x125x40xi32, #tpu.memory_space<hbm>> -> memref<125x40xi32, #tpu.memory_space<hbm>>
      %dma_start3A_91 = arith.constant 0 : i32
      %dma_start3A_92 = arith.constant 0 : i32
      %dma_start3A_93 = tpu.memref_slice %arg5[%add3A, %dma_start3A_91, %dma_start3A_92] : memref<32x125x40xi32, #tpu.memory_space<hbm>> -> memref<1x125x40xi32, #tpu.memory_space<hbm>>
      %dma_start3A_94 = tpu.memref_squeeze %dma_start3A_93 : memref<1x125x40xi32, #tpu.memory_space<hbm>> -> memref<125x40xi32, #tpu.memory_space<hbm>>
      tpu.enqueue_dma source(%dma_start3A_94 : memref<125x40xi32, #tpu.memory_space<hbm>>) target(%arg9 : memref<125x40xi32, #tpu.memory_space<vmem>>) target_semaphore(%run_scoped3A : memref<!tpu.dma_semaphore, #tpu.memory_space<semaphore_mem>>)
      %dma_wait3A_95 = arith.constant 0 : i32
      %dma_wait3A_96 = arith.constant 0 : i32
      %dma_wait3A_97 = tpu.memref_slice %arg5[%add3A, %dma_wait3A_95, %dma_wait3A_96] : memref<32x125x40xi32, #tpu.memory_space<hbm>> -> memref<1x125x40xi32, #tpu.memory_space<hbm>>
      %dma_wait3A_98 = tpu.memref_squeeze %dma_wait3A_97 : memref<1x125x40xi32, #tpu.memory_space<hbm>> -> memref<125x40xi32, #tpu.memory_space<hbm>>
      %dma_wait3A_99 = arith.constant 0 : i32
      %dma_wait3A_100 = arith.constant 0 : i32
      %dma_wait3A_101 = tpu.memref_slice %arg5[%add3A, %dma_wait3A_99, %dma_wait3A_100] : memref<32x125x40xi32, #tpu.memory_space<hbm>> -> memref<1x125x40xi32, #tpu.memory_space<hbm>>
      %dma_wait3A_102 = tpu.memref_squeeze %dma_wait3A_101 : memref<1x125x40xi32, #tpu.memory_space<hbm>> -> memref<125x40xi32, #tpu.memory_space<hbm>>
      tpu.wait_dma2 semaphore(%run_scoped3A : memref<!tpu.dma_semaphore, #tpu.memory_space<semaphore_mem>>) src(%dma_wait3A_102 : memref<125x40xi32, #tpu.memory_space<hbm>>) dst(%arg9 : memref<125x40xi32, #tpu.memory_space<vmem>>)
      tpu.yield
    }) : () -> ()
    %dma_start3A = arith.constant 0 : i32
    %dma_start3A_5 = arith.constant 0 : i32
    %dma_start3A_6 = tpu.memref_slice %arg8[%dma_start3A, %dma_start3A_5] : memref<125x40xi32, #tpu.memory_space<vmem>> -> memref<1x40xi32, #tpu.memory_space<vmem>>
    %dma_start3A_7 = tpu.memref_squeeze %dma_start3A_6 : memref<1x40xi32, #tpu.memory_space<vmem>> -> memref<40xi32, #tpu.memory_space<vmem>>
    %dma_start3A_8 = arith.constant 0 : i32
    %dma_start3A_9 = arith.constant 0 : i32
    %dma_start3A_10 = tpu.memref_slice %arg2[%dma_start3A_8, %dma_start3A_9] : memref<10000x128xi32, #tpu.memory_space<hbm>> -> memref<10000x128xi32, #tpu.memory_space<hbm>>
    tpu.enqueue_indirect_dma source(%dma_start3A_10 : memref<10000x128xi32, #tpu.memory_space<hbm>>) target(%arg10 : memref<40x128xi32, #tpu.memory_space<vmem>>) offsets(%dma_start3A_7 : memref<40xi32, #tpu.memory_space<vmem>>) semaphore(%arg14 : memref<!tpu.dma_semaphore, #tpu.memory_space<semaphore_mem>>)
    %dma_start3A_11 = arith.constant 0 : i32
    %dma_start3A_12 = arith.constant 0 : i32
    %dma_start3A_13 = tpu.memref_slice %arg9[%dma_start3A_11, %dma_start3A_12] : memref<125x40xi32, #tpu.memory_space<vmem>> -> memref<1x40xi32, #tpu.memory_space<vmem>>
    %dma_start3A_14 = tpu.memref_squeeze %dma_start3A_13 : memref<1x40xi32, #tpu.memory_space<vmem>> -> memref<40xi32, #tpu.memory_space<vmem>>
    %dma_start3A_15 = arith.constant 0 : i32
    %dma_start3A_16 = arith.constant 0 : i32
    %dma_start3A_17 = tpu.memref_slice %arg3[%dma_start3A_15, %dma_start3A_16] : memref<10000x128xi32, #tpu.memory_space<hbm>> -> memref<10000x128xi32, #tpu.memory_space<hbm>>
    tpu.enqueue_indirect_dma source(%dma_start3A_17 : memref<10000x128xi32, #tpu.memory_space<hbm>>) target(%arg12 : memref<40x128xi32, #tpu.memory_space<vmem>>) offsets(%dma_start3A_14 : memref<40xi32, #tpu.memory_space<vmem>>) semaphore(%arg16 : memref<!tpu.dma_semaphore, #tpu.memory_space<semaphore_mem>>)
    %scan3A = arith.constant 0 : i32
    %scan3A_18 = arith.constant 0 : i32
    %scan3A_19 = arith.constant 62 : i32
    %scan3A_20 = arith.addi %scan3A_18, %scan3A_19 : i32
    %scan3A_21 = arith.constant 1 : i32
    scf.for %scan3A_87 = %scan3A_18 to %scan3A_20 step %scan3A_21  : i32 {
      %mul3A_88 = arith.constant 2 : i32
      %mul3A_89 = arith.muli %mul3A_88, %scan3A_87 : i32
      %add3A_90 = arith.constant 1 : i32
      %add3A_91 = arith.addi %mul3A_89, %add3A_90 : i32
      %lt3A_92 = arith.constant 125 : i32
      %lt3A_93 = arith.cmpi slt, %add3A_91, %lt3A_92 : i32
      %convert_element_type3A_94 = arith.extui %lt3A_93 : i1 to i32
      %cond3A_95 = arith.constant 0 : i32
      %cond3A_96 = arith.cmpi ne, %convert_element_type3A_94, %cond3A_95 : i32
      scf.if %cond3A_96 {
        %ge3A = arith.constant 1 : i32
        %ge3A_164 = arith.cmpi sge, %mul3A_89, %ge3A : i32
        %convert_element_type3A_165 = arith.extui %ge3A_164 : i1 to i32
        %cond3A_166 = arith.constant 0 : i32
        %cond3A_167 = arith.cmpi ne, %convert_element_type3A_165, %cond3A_166 : i32
        scf.if %cond3A_167 {
          %sub3A = arith.constant 1 : i32
          %sub3A_182 = arith.subi %mul3A_89, %sub3A : i32
          %mul3A_183 = arith.constant 40 : i32
          %mul3A_184 = arith.muli %sub3A_182, %mul3A_183 : i32
          %add3A_185 = arith.addi %add3A_4, %mul3A_184 : i32
          %multiple_of3A_186 = tpu.assume_multiple %add3A_185, 8 : i32
          %dma_wait3A_187 = arith.constant 0 : i32
          %dma_wait3A_188 = tpu.memref_slice %arg6[%multiple_of3A_186, %dma_wait3A_187] : memref<160000x128xi32, #tpu.memory_space<hbm>> -> memref<40x128xi32, #tpu.memory_space<hbm>>
          %dma_wait3A_189 = arith.constant 0 : i32
          %dma_wait3A_190 = tpu.memref_slice %arg6[%multiple_of3A_186, %dma_wait3A_189] : memref<160000x128xi32, #tpu.memory_space<hbm>> -> memref<40x128xi32, #tpu.memory_space<hbm>>
          tpu.wait_dma2 semaphore(%arg19 : memref<!tpu.dma_semaphore, #tpu.memory_space<semaphore_mem>>) src(%arg11 : memref<40x128xi32, #tpu.memory_space<vmem>>) dst(%dma_wait3A_190 : memref<40x128xi32, #tpu.memory_space<hbm>>)
          %sub3A_191 = arith.constant 1 : i32
          %sub3A_192 = arith.subi %mul3A_89, %sub3A_191 : i32
          %mul3A_193 = arith.constant 40 : i32
          %mul3A_194 = arith.muli %sub3A_192, %mul3A_193 : i32
          %add3A_195 = arith.addi %add3A_4, %mul3A_194 : i32
          %multiple_of3A_196 = tpu.assume_multiple %add3A_195, 8 : i32
          %dma_wait3A_197 = arith.constant 0 : i32
          %dma_wait3A_198 = tpu.memref_slice %arg7[%multiple_of3A_196, %dma_wait3A_197] : memref<160000x128xi32, #tpu.memory_space<hbm>> -> memref<40x128xi32, #tpu.memory_space<hbm>>
          %dma_wait3A_199 = arith.constant 0 : i32
          %dma_wait3A_200 = tpu.memref_slice %arg7[%multiple_of3A_196, %dma_wait3A_199] : memref<160000x128xi32, #tpu.memory_space<hbm>> -> memref<40x128xi32, #tpu.memory_space<hbm>>
          tpu.wait_dma2 semaphore(%arg21 : memref<!tpu.dma_semaphore, #tpu.memory_space<semaphore_mem>>) src(%arg13 : memref<40x128xi32, #tpu.memory_space<vmem>>) dst(%dma_wait3A_200 : memref<40x128xi32, #tpu.memory_space<hbm>>)
        } else {
        }
        %add3A_168 = arith.constant 1 : i32
        %add3A_169 = arith.addi %mul3A_89, %add3A_168 : i32
        %dma_start3A_170 = arith.constant 0 : i32
        %dma_start3A_171 = tpu.memref_slice %arg8[%add3A_169, %dma_start3A_170] : memref<125x40xi32, #tpu.memory_space<vmem>> -> memref<1x40xi32, #tpu.memory_space<vmem>>
        %dma_start3A_172 = tpu.memref_squeeze %dma_start3A_171 : memref<1x40xi32, #tpu.memory_space<vmem>> -> memref<40xi32, #tpu.memory_space<vmem>>
        %dma_start3A_173 = arith.constant 0 : i32
        %dma_start3A_174 = arith.constant 0 : i32
        %dma_start3A_175 = tpu.memref_slice %arg2[%dma_start3A_173, %dma_start3A_174] : memref<10000x128xi32, #tpu.memory_space<hbm>> -> memref<10000x128xi32, #tpu.memory_space<hbm>>
        tpu.enqueue_indirect_dma source(%dma_start3A_175 : memref<10000x128xi32, #tpu.memory_space<hbm>>) target(%arg11 : memref<40x128xi32, #tpu.memory_space<vmem>>) offsets(%dma_start3A_172 : memref<40xi32, #tpu.memory_space<vmem>>) semaphore(%arg15 : memref<!tpu.dma_semaphore, #tpu.memory_space<semaphore_mem>>)
        %dma_start3A_176 = arith.constant 0 : i32
        %dma_start3A_177 = tpu.memref_slice %arg9[%add3A_169, %dma_start3A_176] : memref<125x40xi32, #tpu.memory_space<vmem>> -> memref<1x40xi32, #tpu.memory_space<vmem>>
        %dma_start3A_178 = tpu.memref_squeeze %dma_start3A_177 : memref<1x40xi32, #tpu.memory_space<vmem>> -> memref<40xi32, #tpu.memory_space<vmem>>
        %dma_start3A_179 = arith.constant 0 : i32
        %dma_start3A_180 = arith.constant 0 : i32
        %dma_start3A_181 = tpu.memref_slice %arg3[%dma_start3A_179, %dma_start3A_180] : memref<10000x128xi32, #tpu.memory_space<hbm>> -> memref<10000x128xi32, #tpu.memory_space<hbm>>
        tpu.enqueue_indirect_dma source(%dma_start3A_181 : memref<10000x128xi32, #tpu.memory_space<hbm>>) target(%arg13 : memref<40x128xi32, #tpu.memory_space<vmem>>) offsets(%dma_start3A_178 : memref<40xi32, #tpu.memory_space<vmem>>) semaphore(%arg17 : memref<!tpu.dma_semaphore, #tpu.memory_space<semaphore_mem>>)
      } else {
      }
      %dma_wait3A_97 = arith.constant 0 : i32
      %dma_wait3A_98 = tpu.memref_slice %arg8[%mul3A_89, %dma_wait3A_97] : memref<125x40xi32, #tpu.memory_space<vmem>> -> memref<1x40xi32, #tpu.memory_space<vmem>>
      %dma_wait3A_99 = tpu.memref_squeeze %dma_wait3A_98 : memref<1x40xi32, #tpu.memory_space<vmem>> -> memref<40xi32, #tpu.memory_space<vmem>>
      %dma_wait3A_100 = arith.constant 0 : i32
      %dma_wait3A_101 = arith.constant 0 : i32
      %dma_wait3A_102 = tpu.memref_slice %arg2[%dma_wait3A_100, %dma_wait3A_101] : memref<10000x128xi32, #tpu.memory_space<hbm>> -> memref<10000x128xi32, #tpu.memory_space<hbm>>
      tpu.wait_indirect_dma semaphore(%arg14 : memref<!tpu.dma_semaphore, #tpu.memory_space<semaphore_mem>>) src(%dma_wait3A_102 : memref<10000x128xi32, #tpu.memory_space<hbm>>) dst(%arg10 : memref<40x128xi32, #tpu.memory_space<vmem>>)
      %dma_wait3A_103 = arith.constant 0 : i32
      %dma_wait3A_104 = tpu.memref_slice %arg9[%mul3A_89, %dma_wait3A_103] : memref<125x40xi32, #tpu.memory_space<vmem>> -> memref<1x40xi32, #tpu.memory_space<vmem>>
      %dma_wait3A_105 = tpu.memref_squeeze %dma_wait3A_104 : memref<1x40xi32, #tpu.memory_space<vmem>> -> memref<40xi32, #tpu.memory_space<vmem>>
      %dma_wait3A_106 = arith.constant 0 : i32
      %dma_wait3A_107 = arith.constant 0 : i32
      %dma_wait3A_108 = tpu.memref_slice %arg3[%dma_wait3A_106, %dma_wait3A_107] : memref<10000x128xi32, #tpu.memory_space<hbm>> -> memref<10000x128xi32, #tpu.memory_space<hbm>>
      tpu.wait_indirect_dma semaphore(%arg16 : memref<!tpu.dma_semaphore, #tpu.memory_space<semaphore_mem>>) src(%dma_wait3A_108 : memref<10000x128xi32, #tpu.memory_space<hbm>>) dst(%arg12 : memref<40x128xi32, #tpu.memory_space<vmem>>)
      %mul3A_109 = arith.constant 40 : i32
      %mul3A_110 = arith.muli %mul3A_89, %mul3A_109 : i32
      %add3A_111 = arith.addi %add3A_4, %mul3A_110 : i32
      %multiple_of3A_112 = tpu.assume_multiple %add3A_111, 8 : i32
      %dma_start3A_113 = arith.constant 0 : i32
      %dma_start3A_114 = tpu.memref_slice %arg6[%multiple_of3A_112, %dma_start3A_113] : memref<160000x128xi32, #tpu.memory_space<hbm>> -> memref<40x128xi32, #tpu.memory_space<hbm>>
      %dma_start3A_115 = arith.constant 0 : i32
      %dma_start3A_116 = tpu.memref_slice %arg6[%multiple_of3A_112, %dma_start3A_115] : memref<160000x128xi32, #tpu.memory_space<hbm>> -> memref<40x128xi32, #tpu.memory_space<hbm>>
      tpu.enqueue_dma source(%arg10 : memref<40x128xi32, #tpu.memory_space<vmem>>) target(%dma_start3A_116 : memref<40x128xi32, #tpu.memory_space<hbm>>) target_semaphore(%arg18 : memref<!tpu.dma_semaphore, #tpu.memory_space<semaphore_mem>>)
      %mul3A_117 = arith.constant 40 : i32
      %mul3A_118 = arith.muli %mul3A_89, %mul3A_117 : i32
      %add3A_119 = arith.addi %add3A_4, %mul3A_118 : i32
      %multiple_of3A_120 = tpu.assume_multiple %add3A_119, 8 : i32
      %dma_start3A_121 = arith.constant 0 : i32
      %dma_start3A_122 = tpu.memref_slice %arg7[%multiple_of3A_120, %dma_start3A_121] : memref<160000x128xi32, #tpu.memory_space<hbm>> -> memref<40x128xi32, #tpu.memory_space<hbm>>
      %dma_start3A_123 = arith.constant 0 : i32
      %dma_start3A_124 = tpu.memref_slice %arg7[%multiple_of3A_120, %dma_start3A_123] : memref<160000x128xi32, #tpu.memory_space<hbm>> -> memref<40x128xi32, #tpu.memory_space<hbm>>
      tpu.enqueue_dma source(%arg12 : memref<40x128xi32, #tpu.memory_space<vmem>>) target(%dma_start3A_124 : memref<40x128xi32, #tpu.memory_space<hbm>>) target_semaphore(%arg20 : memref<!tpu.dma_semaphore, #tpu.memory_space<semaphore_mem>>)
      %mul3A_125 = arith.constant 2 : i32
      %mul3A_126 = arith.muli %mul3A_125, %scan3A_87 : i32
      %add3A_127 = arith.constant 1 : i32
      %add3A_128 = arith.addi %mul3A_126, %add3A_127 : i32
      %add3A_129 = arith.constant 1 : i32
      %add3A_130 = arith.addi %add3A_128, %add3A_129 : i32
      %lt3A_131 = arith.constant 125 : i32
      %lt3A_132 = arith.cmpi slt, %add3A_130, %lt3A_131 : i32
      %convert_element_type3A_133 = arith.extui %lt3A_132 : i1 to i32
      %cond3A_134 = arith.constant 0 : i32
      %cond3A_135 = arith.cmpi ne, %convert_element_type3A_133, %cond3A_134 : i32
      scf.if %cond3A_135 {
        %ge3A = arith.constant 1 : i32
        %ge3A_164 = arith.cmpi sge, %add3A_128, %ge3A : i32
        %convert_element_type3A_165 = arith.extui %ge3A_164 : i1 to i32
        %cond3A_166 = arith.constant 0 : i32
        %cond3A_167 = arith.cmpi ne, %convert_element_type3A_165, %cond3A_166 : i32
        scf.if %cond3A_167 {
          %sub3A = arith.constant 1 : i32
          %sub3A_182 = arith.subi %add3A_128, %sub3A : i32
          %mul3A_183 = arith.constant 40 : i32
          %mul3A_184 = arith.muli %sub3A_182, %mul3A_183 : i32
          %add3A_185 = arith.addi %add3A_4, %mul3A_184 : i32
          %multiple_of3A_186 = tpu.assume_multiple %add3A_185, 8 : i32
          %dma_wait3A_187 = arith.constant 0 : i32
          %dma_wait3A_188 = tpu.memref_slice %arg6[%multiple_of3A_186, %dma_wait3A_187] : memref<160000x128xi32, #tpu.memory_space<hbm>> -> memref<40x128xi32, #tpu.memory_space<hbm>>
          %dma_wait3A_189 = arith.constant 0 : i32
          %dma_wait3A_190 = tpu.memref_slice %arg6[%multiple_of3A_186, %dma_wait3A_189] : memref<160000x128xi32, #tpu.memory_space<hbm>> -> memref<40x128xi32, #tpu.memory_space<hbm>>
          tpu.wait_dma2 semaphore(%arg18 : memref<!tpu.dma_semaphore, #tpu.memory_space<semaphore_mem>>) src(%arg10 : memref<40x128xi32, #tpu.memory_space<vmem>>) dst(%dma_wait3A_190 : memref<40x128xi32, #tpu.memory_space<hbm>>)
          %sub3A_191 = arith.constant 1 : i32
          %sub3A_192 = arith.subi %add3A_128, %sub3A_191 : i32
          %mul3A_193 = arith.constant 40 : i32
          %mul3A_194 = arith.muli %sub3A_192, %mul3A_193 : i32
          %add3A_195 = arith.addi %add3A_4, %mul3A_194 : i32
          %multiple_of3A_196 = tpu.assume_multiple %add3A_195, 8 : i32
          %dma_wait3A_197 = arith.constant 0 : i32
          %dma_wait3A_198 = tpu.memref_slice %arg7[%multiple_of3A_196, %dma_wait3A_197] : memref<160000x128xi32, #tpu.memory_space<hbm>> -> memref<40x128xi32, #tpu.memory_space<hbm>>
          %dma_wait3A_199 = arith.constant 0 : i32
          %dma_wait3A_200 = tpu.memref_slice %arg7[%multiple_of3A_196, %dma_wait3A_199] : memref<160000x128xi32, #tpu.memory_space<hbm>> -> memref<40x128xi32, #tpu.memory_space<hbm>>
          tpu.wait_dma2 semaphore(%arg20 : memref<!tpu.dma_semaphore, #tpu.memory_space<semaphore_mem>>) src(%arg12 : memref<40x128xi32, #tpu.memory_space<vmem>>) dst(%dma_wait3A_200 : memref<40x128xi32, #tpu.memory_space<hbm>>)
        } else {
        }
        %add3A_168 = arith.constant 1 : i32
        %add3A_169 = arith.addi %add3A_128, %add3A_168 : i32
        %dma_start3A_170 = arith.constant 0 : i32
        %dma_start3A_171 = tpu.memref_slice %arg8[%add3A_169, %dma_start3A_170] : memref<125x40xi32, #tpu.memory_space<vmem>> -> memref<1x40xi32, #tpu.memory_space<vmem>>
        %dma_start3A_172 = tpu.memref_squeeze %dma_start3A_171 : memref<1x40xi32, #tpu.memory_space<vmem>> -> memref<40xi32, #tpu.memory_space<vmem>>
        %dma_start3A_173 = arith.constant 0 : i32
        %dma_start3A_174 = arith.constant 0 : i32
        %dma_start3A_175 = tpu.memref_slice %arg2[%dma_start3A_173, %dma_start3A_174] : memref<10000x128xi32, #tpu.memory_space<hbm>> -> memref<10000x128xi32, #tpu.memory_space<hbm>>
        tpu.enqueue_indirect_dma source(%dma_start3A_175 : memref<10000x128xi32, #tpu.memory_space<hbm>>) target(%arg10 : memref<40x128xi32, #tpu.memory_space<vmem>>) offsets(%dma_start3A_172 : memref<40xi32, #tpu.memory_space<vmem>>) semaphore(%arg14 : memref<!tpu.dma_semaphore, #tpu.memory_space<semaphore_mem>>)
        %dma_start3A_176 = arith.constant 0 : i32
        %dma_start3A_177 = tpu.memref_slice %arg9[%add3A_169, %dma_start3A_176] : memref<125x40xi32, #tpu.memory_space<vmem>> -> memref<1x40xi32, #tpu.memory_space<vmem>>
        %dma_start3A_178 = tpu.memref_squeeze %dma_start3A_177 : memref<1x40xi32, #tpu.memory_space<vmem>> -> memref<40xi32, #tpu.memory_space<vmem>>
        %dma_start3A_179 = arith.constant 0 : i32
        %dma_start3A_180 = arith.constant 0 : i32
        %dma_start3A_181 = tpu.memref_slice %arg3[%dma_start3A_179, %dma_start3A_180] : memref<10000x128xi32, #tpu.memory_space<hbm>> -> memref<10000x128xi32, #tpu.memory_space<hbm>>
        tpu.enqueue_indirect_dma source(%dma_start3A_181 : memref<10000x128xi32, #tpu.memory_space<hbm>>) target(%arg12 : memref<40x128xi32, #tpu.memory_space<vmem>>) offsets(%dma_start3A_178 : memref<40xi32, #tpu.memory_space<vmem>>) semaphore(%arg16 : memref<!tpu.dma_semaphore, #tpu.memory_space<semaphore_mem>>)
      } else {
      }
      %dma_wait3A_136 = arith.constant 0 : i32
      %dma_wait3A_137 = tpu.memref_slice %arg8[%add3A_128, %dma_wait3A_136] : memref<125x40xi32, #tpu.memory_space<vmem>> -> memref<1x40xi32, #tpu.memory_space<vmem>>
      %dma_wait3A_138 = tpu.memref_squeeze %dma_wait3A_137 : memref<1x40xi32, #tpu.memory_space<vmem>> -> memref<40xi32, #tpu.memory_space<vmem>>
      %dma_wait3A_139 = arith.constant 0 : i32
      %dma_wait3A_140 = arith.constant 0 : i32
      %dma_wait3A_141 = tpu.memref_slice %arg2[%dma_wait3A_139, %dma_wait3A_140] : memref<10000x128xi32, #tpu.memory_space<hbm>> -> memref<10000x128xi32, #tpu.memory_space<hbm>>
      tpu.wait_indirect_dma semaphore(%arg15 : memref<!tpu.dma_semaphore, #tpu.memory_space<semaphore_mem>>) src(%dma_wait3A_141 : memref<10000x128xi32, #tpu.memory_space<hbm>>) dst(%arg11 : memref<40x128xi32, #tpu.memory_space<vmem>>)
      %dma_wait3A_142 = arith.constant 0 : i32
      %dma_wait3A_143 = tpu.memref_slice %arg9[%add3A_128, %dma_wait3A_142] : memref<125x40xi32, #tpu.memory_space<vmem>> -> memref<1x40xi32, #tpu.memory_space<vmem>>
      %dma_wait3A_144 = tpu.memref_squeeze %dma_wait3A_143 : memref<1x40xi32, #tpu.memory_space<vmem>> -> memref<40xi32, #tpu.memory_space<vmem>>
      %dma_wait3A_145 = arith.constant 0 : i32
      %dma_wait3A_146 = arith.constant 0 : i32
      %dma_wait3A_147 = tpu.memref_slice %arg3[%dma_wait3A_145, %dma_wait3A_146] : memref<10000x128xi32, #tpu.memory_space<hbm>> -> memref<10000x128xi32, #tpu.memory_space<hbm>>
      tpu.wait_indirect_dma semaphore(%arg17 : memref<!tpu.dma_semaphore, #tpu.memory_space<semaphore_mem>>) src(%dma_wait3A_147 : memref<10000x128xi32, #tpu.memory_space<hbm>>) dst(%arg13 : memref<40x128xi32, #tpu.memory_space<vmem>>)
      %mul3A_148 = arith.constant 40 : i32
      %mul3A_149 = arith.muli %add3A_128, %mul3A_148 : i32
      %add3A_150 = arith.addi %add3A_4, %mul3A_149 : i32
      %multiple_of3A_151 = tpu.assume_multiple %add3A_150, 8 : i32
      %dma_start3A_152 = arith.constant 0 : i32
      %dma_start3A_153 = tpu.memref_slice %arg6[%multiple_of3A_151, %dma_start3A_152] : memref<160000x128xi32, #tpu.memory_space<hbm>> -> memref<40x128xi32, #tpu.memory_space<hbm>>
      %dma_start3A_154 = arith.constant 0 : i32
      %dma_start3A_155 = tpu.memref_slice %arg6[%multiple_of3A_151, %dma_start3A_154] : memref<160000x128xi32, #tpu.memory_space<hbm>> -> memref<40x128xi32, #tpu.memory_space<hbm>>
      tpu.enqueue_dma source(%arg11 : memref<40x128xi32, #tpu.memory_space<vmem>>) target(%dma_start3A_155 : memref<40x128xi32, #tpu.memory_space<hbm>>) target_semaphore(%arg19 : memref<!tpu.dma_semaphore, #tpu.memory_space<semaphore_mem>>)
      %mul3A_156 = arith.constant 40 : i32
      %mul3A_157 = arith.muli %add3A_128, %mul3A_156 : i32
      %add3A_158 = arith.addi %add3A_4, %mul3A_157 : i32
      %multiple_of3A_159 = tpu.assume_multiple %add3A_158, 8 : i32
      %dma_start3A_160 = arith.constant 0 : i32
      %dma_start3A_161 = tpu.memref_slice %arg7[%multiple_of3A_159, %dma_start3A_160] : memref<160000x128xi32, #tpu.memory_space<hbm>> -> memref<40x128xi32, #tpu.memory_space<hbm>>
      %dma_start3A_162 = arith.constant 0 : i32
      %dma_start3A_163 = tpu.memref_slice %arg7[%multiple_of3A_159, %dma_start3A_162] : memref<160000x128xi32, #tpu.memory_space<hbm>> -> memref<40x128xi32, #tpu.memory_space<hbm>>
      tpu.enqueue_dma source(%arg13 : memref<40x128xi32, #tpu.memory_space<vmem>>) target(%dma_start3A_163 : memref<40x128xi32, #tpu.memory_space<hbm>>) target_semaphore(%arg21 : memref<!tpu.dma_semaphore, #tpu.memory_space<semaphore_mem>>)
    }
    %scan3A_22 = arith.constant 62 : i32
    %add3A_23 = arith.constant 124 : i32
    %add3A_24 = arith.constant 1 : i32
    %add3A_25 = arith.addi %add3A_23, %add3A_24 : i32
    %lt3A = arith.constant 125 : i32
    %lt3A_26 = arith.cmpi slt, %add3A_25, %lt3A : i32
    %convert_element_type3A = arith.extui %lt3A_26 : i1 to i32
    %cond3A = arith.constant 124 : i32
    %cond3A_27 = arith.constant 0 : i32
    %cond3A_28 = arith.cmpi ne, %convert_element_type3A, %cond3A_27 : i32
    scf.if %cond3A_28 {
      %ge3A = arith.constant 1 : i32
      %ge3A_87 = arith.cmpi sge, %cond3A, %ge3A : i32
      %convert_element_type3A_88 = arith.extui %ge3A_87 : i1 to i32
      %cond3A_89 = arith.constant 0 : i32
      %cond3A_90 = arith.cmpi ne, %convert_element_type3A_88, %cond3A_89 : i32
      scf.if %cond3A_90 {
        %sub3A = arith.constant 1 : i32
        %sub3A_105 = arith.subi %cond3A, %sub3A : i32
        %mul3A_106 = arith.constant 40 : i32
        %mul3A_107 = arith.muli %sub3A_105, %mul3A_106 : i32
        %add3A_108 = arith.addi %add3A_4, %mul3A_107 : i32
        %multiple_of3A_109 = tpu.assume_multiple %add3A_108, 8 : i32
        %dma_wait3A_110 = arith.constant 0 : i32
        %dma_wait3A_111 = tpu.memref_slice %arg6[%multiple_of3A_109, %dma_wait3A_110] : memref<160000x128xi32, #tpu.memory_space<hbm>> -> memref<40x128xi32, #tpu.memory_space<hbm>>
        %dma_wait3A_112 = arith.constant 0 : i32
        %dma_wait3A_113 = tpu.memref_slice %arg6[%multiple_of3A_109, %dma_wait3A_112] : memref<160000x128xi32, #tpu.memory_space<hbm>> -> memref<40x128xi32, #tpu.memory_space<hbm>>
        tpu.wait_dma2 semaphore(%arg19 : memref<!tpu.dma_semaphore, #tpu.memory_space<semaphore_mem>>) src(%arg11 : memref<40x128xi32, #tpu.memory_space<vmem>>) dst(%dma_wait3A_113 : memref<40x128xi32, #tpu.memory_space<hbm>>)
        %sub3A_114 = arith.constant 1 : i32
        %sub3A_115 = arith.subi %cond3A, %sub3A_114 : i32
        %mul3A_116 = arith.constant 40 : i32
        %mul3A_117 = arith.muli %sub3A_115, %mul3A_116 : i32
        %add3A_118 = arith.addi %add3A_4, %mul3A_117 : i32
        %multiple_of3A_119 = tpu.assume_multiple %add3A_118, 8 : i32
        %dma_wait3A_120 = arith.constant 0 : i32
        %dma_wait3A_121 = tpu.memref_slice %arg7[%multiple_of3A_119, %dma_wait3A_120] : memref<160000x128xi32, #tpu.memory_space<hbm>> -> memref<40x128xi32, #tpu.memory_space<hbm>>
        %dma_wait3A_122 = arith.constant 0 : i32
        %dma_wait3A_123 = tpu.memref_slice %arg7[%multiple_of3A_119, %dma_wait3A_122] : memref<160000x128xi32, #tpu.memory_space<hbm>> -> memref<40x128xi32, #tpu.memory_space<hbm>>
        tpu.wait_dma2 semaphore(%arg21 : memref<!tpu.dma_semaphore, #tpu.memory_space<semaphore_mem>>) src(%arg13 : memref<40x128xi32, #tpu.memory_space<vmem>>) dst(%dma_wait3A_123 : memref<40x128xi32, #tpu.memory_space<hbm>>)
      } else {
      }
      %add3A_91 = arith.constant 1 : i32
      %add3A_92 = arith.addi %cond3A, %add3A_91 : i32
      %dma_start3A_93 = arith.constant 0 : i32
      %dma_start3A_94 = tpu.memref_slice %arg8[%add3A_92, %dma_start3A_93] : memref<125x40xi32, #tpu.memory_space<vmem>> -> memref<1x40xi32, #tpu.memory_space<vmem>>
      %dma_start3A_95 = tpu.memref_squeeze %dma_start3A_94 : memref<1x40xi32, #tpu.memory_space<vmem>> -> memref<40xi32, #tpu.memory_space<vmem>>
      %dma_start3A_96 = arith.constant 0 : i32
      %dma_start3A_97 = arith.constant 0 : i32
      %dma_start3A_98 = tpu.memref_slice %arg2[%dma_start3A_96, %dma_start3A_97] : memref<10000x128xi32, #tpu.memory_space<hbm>> -> memref<10000x128xi32, #tpu.memory_space<hbm>>
      tpu.enqueue_indirect_dma source(%dma_start3A_98 : memref<10000x128xi32, #tpu.memory_space<hbm>>) target(%arg11 : memref<40x128xi32, #tpu.memory_space<vmem>>) offsets(%dma_start3A_95 : memref<40xi32, #tpu.memory_space<vmem>>) semaphore(%arg15 : memref<!tpu.dma_semaphore, #tpu.memory_space<semaphore_mem>>)
      %dma_start3A_99 = arith.constant 0 : i32
      %dma_start3A_100 = tpu.memref_slice %arg9[%add3A_92, %dma_start3A_99] : memref<125x40xi32, #tpu.memory_space<vmem>> -> memref<1x40xi32, #tpu.memory_space<vmem>>
      %dma_start3A_101 = tpu.memref_squeeze %dma_start3A_100 : memref<1x40xi32, #tpu.memory_space<vmem>> -> memref<40xi32, #tpu.memory_space<vmem>>
      %dma_start3A_102 = arith.constant 0 : i32
      %dma_start3A_103 = arith.constant 0 : i32
      %dma_start3A_104 = tpu.memref_slice %arg3[%dma_start3A_102, %dma_start3A_103] : memref<10000x128xi32, #tpu.memory_space<hbm>> -> memref<10000x128xi32, #tpu.memory_space<hbm>>
      tpu.enqueue_indirect_dma source(%dma_start3A_104 : memref<10000x128xi32, #tpu.memory_space<hbm>>) target(%arg13 : memref<40x128xi32, #tpu.memory_space<vmem>>) offsets(%dma_start3A_101 : memref<40xi32, #tpu.memory_space<vmem>>) semaphore(%arg17 : memref<!tpu.dma_semaphore, #tpu.memory_space<semaphore_mem>>)
    } else {
    }
    %dma_wait3A = arith.constant 124 : i32
    %dma_wait3A_29 = arith.constant 0 : i32
    %dma_wait3A_30 = tpu.memref_slice %arg8[%dma_wait3A, %dma_wait3A_29] : memref<125x40xi32, #tpu.memory_space<vmem>> -> memref<1x40xi32, #tpu.memory_space<vmem>>
    %dma_wait3A_31 = tpu.memref_squeeze %dma_wait3A_30 : memref<1x40xi32, #tpu.memory_space<vmem>> -> memref<40xi32, #tpu.memory_space<vmem>>
    %dma_wait3A_32 = arith.constant 0 : i32
    %dma_wait3A_33 = arith.constant 0 : i32
    %dma_wait3A_34 = tpu.memref_slice %arg2[%dma_wait3A_32, %dma_wait3A_33] : memref<10000x128xi32, #tpu.memory_space<hbm>> -> memref<10000x128xi32, #tpu.memory_space<hbm>>
    tpu.wait_indirect_dma semaphore(%arg14 : memref<!tpu.dma_semaphore, #tpu.memory_space<semaphore_mem>>) src(%dma_wait3A_34 : memref<10000x128xi32, #tpu.memory_space<hbm>>) dst(%arg10 : memref<40x128xi32, #tpu.memory_space<vmem>>)
    %dma_wait3A_35 = arith.constant 124 : i32
    %dma_wait3A_36 = arith.constant 0 : i32
    %dma_wait3A_37 = tpu.memref_slice %arg9[%dma_wait3A_35, %dma_wait3A_36] : memref<125x40xi32, #tpu.memory_space<vmem>> -> memref<1x40xi32, #tpu.memory_space<vmem>>
    %dma_wait3A_38 = tpu.memref_squeeze %dma_wait3A_37 : memref<1x40xi32, #tpu.memory_space<vmem>> -> memref<40xi32, #tpu.memory_space<vmem>>
    %dma_wait3A_39 = arith.constant 0 : i32
    %dma_wait3A_40 = arith.constant 0 : i32
    %dma_wait3A_41 = tpu.memref_slice %arg3[%dma_wait3A_39, %dma_wait3A_40] : memref<10000x128xi32, #tpu.memory_space<hbm>> -> memref<10000x128xi32, #tpu.memory_space<hbm>>
    tpu.wait_indirect_dma semaphore(%arg16 : memref<!tpu.dma_semaphore, #tpu.memory_space<semaphore_mem>>) src(%dma_wait3A_41 : memref<10000x128xi32, #tpu.memory_space<hbm>>) dst(%arg12 : memref<40x128xi32, #tpu.memory_space<vmem>>)
    %mul3A_42 = arith.constant 124 : i32
    %mul3A_43 = arith.constant 40 : i32
    %mul3A_44 = arith.muli %mul3A_42, %mul3A_43 : i32
    %add3A_45 = arith.addi %add3A_4, %mul3A_44 : i32
    %multiple_of3A = tpu.assume_multiple %add3A_45, 8 : i32
    %dma_start3A_46 = arith.constant 0 : i32
    %dma_start3A_47 = tpu.memref_slice %arg6[%multiple_of3A, %dma_start3A_46] : memref<160000x128xi32, #tpu.memory_space<hbm>> -> memref<40x128xi32, #tpu.memory_space<hbm>>
    %dma_start3A_48 = arith.constant 0 : i32
    %dma_start3A_49 = tpu.memref_slice %arg6[%multiple_of3A, %dma_start3A_48] : memref<160000x128xi32, #tpu.memory_space<hbm>> -> memref<40x128xi32, #tpu.memory_space<hbm>>
    tpu.enqueue_dma source(%arg10 : memref<40x128xi32, #tpu.memory_space<vmem>>) target(%dma_start3A_49 : memref<40x128xi32, #tpu.memory_space<hbm>>) target_semaphore(%arg18 : memref<!tpu.dma_semaphore, #tpu.memory_space<semaphore_mem>>)
    %mul3A_50 = arith.constant 124 : i32
    %mul3A_51 = arith.constant 40 : i32
    %mul3A_52 = arith.muli %mul3A_50, %mul3A_51 : i32
    %add3A_53 = arith.addi %add3A_4, %mul3A_52 : i32
    %multiple_of3A_54 = tpu.assume_multiple %add3A_53, 8 : i32
    %dma_start3A_55 = arith.constant 0 : i32
    %dma_start3A_56 = tpu.memref_slice %arg7[%multiple_of3A_54, %dma_start3A_55] : memref<160000x128xi32, #tpu.memory_space<hbm>> -> memref<40x128xi32, #tpu.memory_space<hbm>>
    %dma_start3A_57 = arith.constant 0 : i32
    %dma_start3A_58 = tpu.memref_slice %arg7[%multiple_of3A_54, %dma_start3A_57] : memref<160000x128xi32, #tpu.memory_space<hbm>> -> memref<40x128xi32, #tpu.memory_space<hbm>>
    tpu.enqueue_dma source(%arg12 : memref<40x128xi32, #tpu.memory_space<vmem>>) target(%dma_start3A_58 : memref<40x128xi32, #tpu.memory_space<hbm>>) target_semaphore(%arg20 : memref<!tpu.dma_semaphore, #tpu.memory_space<semaphore_mem>>)
    %add3A_59 = arith.constant 4960 : i32
    %add3A_60 = arith.addi %add3A_4, %add3A_59 : i32
    %multiple_of3A_61 = tpu.assume_multiple %add3A_60, 8 : i32
    %dma_wait3A_62 = arith.constant 0 : i32
    %dma_wait3A_63 = tpu.memref_slice %arg6[%multiple_of3A_61, %dma_wait3A_62] : memref<160000x128xi32, #tpu.memory_space<hbm>> -> memref<40x128xi32, #tpu.memory_space<hbm>>
    %dma_wait3A_64 = arith.constant 0 : i32
    %dma_wait3A_65 = tpu.memref_slice %arg6[%multiple_of3A_61, %dma_wait3A_64] : memref<160000x128xi32, #tpu.memory_space<hbm>> -> memref<40x128xi32, #tpu.memory_space<hbm>>
    tpu.wait_dma2 semaphore(%arg18 : memref<!tpu.dma_semaphore, #tpu.memory_space<semaphore_mem>>) src(%arg10 : memref<40x128xi32, #tpu.memory_space<vmem>>) dst(%dma_wait3A_65 : memref<40x128xi32, #tpu.memory_space<hbm>>)
    %add3A_66 = arith.constant 4960 : i32
    %add3A_67 = arith.addi %add3A_4, %add3A_66 : i32
    %multiple_of3A_68 = tpu.assume_multiple %add3A_67, 8 : i32
    %dma_wait3A_69 = arith.constant 0 : i32
    %dma_wait3A_70 = tpu.memref_slice %arg7[%multiple_of3A_68, %dma_wait3A_69] : memref<160000x128xi32, #tpu.memory_space<hbm>> -> memref<40x128xi32, #tpu.memory_space<hbm>>
    %dma_wait3A_71 = arith.constant 0 : i32
    %dma_wait3A_72 = tpu.memref_slice %arg7[%multiple_of3A_68, %dma_wait3A_71] : memref<160000x128xi32, #tpu.memory_space<hbm>> -> memref<40x128xi32, #tpu.memory_space<hbm>>
    tpu.wait_dma2 semaphore(%arg20 : memref<!tpu.dma_semaphore, #tpu.memory_space<semaphore_mem>>) src(%arg12 : memref<40x128xi32, #tpu.memory_space<vmem>>) dst(%dma_wait3A_72 : memref<40x128xi32, #tpu.memory_space<hbm>>)
    %add3A_73 = arith.constant 4920 : i32
    %add3A_74 = arith.addi %add3A_4, %add3A_73 : i32
    %multiple_of3A_75 = tpu.assume_multiple %add3A_74, 8 : i32
    %dma_wait3A_76 = arith.constant 0 : i32
    %dma_wait3A_77 = tpu.memref_slice %arg6[%multiple_of3A_75, %dma_wait3A_76] : memref<160000x128xi32, #tpu.memory_space<hbm>> -> memref<40x128xi32, #tpu.memory_space<hbm>>
    %dma_wait3A_78 = arith.constant 0 : i32
    %dma_wait3A_79 = tpu.memref_slice %arg6[%multiple_of3A_75, %dma_wait3A_78] : memref<160000x128xi32, #tpu.memory_space<hbm>> -> memref<40x128xi32, #tpu.memory_space<hbm>>
    tpu.wait_dma2 semaphore(%arg19 : memref<!tpu.dma_semaphore, #tpu.memory_space<semaphore_mem>>) src(%arg11 : memref<40x128xi32, #tpu.memory_space<vmem>>) dst(%dma_wait3A_79 : memref<40x128xi32, #tpu.memory_space<hbm>>)
    %add3A_80 = arith.constant 4920 : i32
    %add3A_81 = arith.addi %add3A_4, %add3A_80 : i32
    %multiple_of3A_82 = tpu.assume_multiple %add3A_81, 8 : i32
    %dma_wait3A_83 = arith.constant 0 : i32
    %dma_wait3A_84 = tpu.memref_slice %arg7[%multiple_of3A_82, %dma_wait3A_83] : memref<160000x128xi32, #tpu.memory_space<hbm>> -> memref<40x128xi32, #tpu.memory_space<hbm>>
    %dma_wait3A_85 = arith.constant 0 : i32
    %dma_wait3A_86 = tpu.memref_slice %arg7[%multiple_of3A_82, %dma_wait3A_85] : memref<160000x128xi32, #tpu.memory_space<hbm>> -> memref<40x128xi32, #tpu.memory_space<hbm>>
    tpu.wait_dma2 semaphore(%arg21 : memref<!tpu.dma_semaphore, #tpu.memory_space<semaphore_mem>>) src(%arg13 : memref<40x128xi32, #tpu.memory_space<vmem>>) dst(%dma_wait3A_86 : memref<40x128xi32, #tpu.memory_space<hbm>>)
    return
  }
}

#map = affine_map<(d0, d1) -> (0, 0)>
#map1 = affine_map<(d0, d1) -> (0, 0, 0)>
module attributes {stable_mosaic.version = 14 : i64} {
  func.func @_scatter_body(%arg0: i32, %arg1: i32, %arg2: memref<160000x128xf32, #tpu.memory_space<hbm>>, %arg3: memref<32x125x40xi32, #tpu.memory_space<hbm>>, %arg4: memref<2x10000x128xf32, #tpu.memory_space<hbm>>, %arg5: memref<10000x128xf32, #tpu.memory_space<vmem_shared>>, %arg6: memref<125x40xi32, #tpu.memory_space<vmem>>, %arg7: memref<40x128xf32, #tpu.memory_space<vmem>>, %arg8: memref<40x128xf32, #tpu.memory_space<vmem>>, %arg9: memref<!tpu.dma_semaphore, #tpu.memory_space<semaphore_mem>>, %arg10: memref<!tpu.dma_semaphore, #tpu.memory_space<semaphore_mem>>, %arg11: memref<!tpu.dma_semaphore, #tpu.memory_space<semaphore_mem>>, %arg12: memref<!tpu.dma_semaphore, #tpu.memory_space<semaphore_mem>>) attributes {dimension_semantics = [#tpu.dimension_semantics<core_parallel>, #tpu.dimension_semantics<subcore_parallel>], iteration_bounds = array<i64: 2, 16>, scalar_prefetch = 0 : i64, scratch_operands = 8 : i64, tpu.core_type = #tpu.core_type<sc_vector_subcore>, window_params = [{transform_indices = #map}, {transform_indices = #map1}, {transform_indices = #map1}]} {
    %mul3A = arith.constant 2 : i32
    %mul3A_0 = arith.muli %arg1, %mul3A : i32
    %add3A = arith.addi %mul3A_0, %arg0 : i32
    %mul3A_1 = arith.constant 5000 : i32
    %mul3A_2 = arith.muli %add3A, %mul3A_1 : i32
    %add3A_3 = arith.constant 0 : i32
    %add3A_4 = arith.addi %add3A_3, %mul3A_2 : i32
    %sub3A = arith.constant 250 : i32
    %sub3A_5 = arith.subi %sub3A, %arg1 : i32
    %add3A_6 = arith.constant 16 : i32
    %add3A_7 = arith.addi %sub3A_5, %add3A_6 : i32
    %sub3A_8 = arith.constant 1 : i32
    %sub3A_9 = arith.subi %add3A_7, %sub3A_8 : i32
    %jit3A = arith.constant 16 : i32
    %div3A = arith.divsi %sub3A_9, %jit3A : i32
    %sign3A = arith.constant 0 : i32
    %sign3A_10 = arith.cmpi sgt, %sub3A_9, %sign3A : i32
    %sign3A_11 = arith.extui %sign3A_10 : i1 to i32
    %sign3A_12 = arith.constant 0 : i32
    %sign3A_13 = arith.cmpi slt, %sub3A_9, %sign3A_12 : i32
    %sign3A_14 = arith.extui %sign3A_13 : i1 to i32
    %sign3A_15 = arith.subi %sign3A_11, %sign3A_14 : i32
    %sign3A_16 = arith.constant 0 : i32
    %sign3A_17 = arith.cmpi sgt, %jit3A, %sign3A_16 : i32
    %sign3A_18 = arith.extui %sign3A_17 : i1 to i32
    %sign3A_19 = arith.constant 0 : i32
    %sign3A_20 = arith.cmpi slt, %jit3A, %sign3A_19 : i32
    %sign3A_21 = arith.extui %sign3A_20 : i1 to i32
    %sign3A_22 = arith.subi %sign3A_18, %sign3A_21 : i32
    %ne3A = arith.cmpi ne, %sign3A_15, %sign3A_22 : i32
    %rem3A = arith.remsi %sub3A_9, %jit3A : i32
    %ne3A_23 = arith.constant 0 : i32
    %ne3A_24 = arith.cmpi ne, %rem3A, %ne3A_23 : i32
    %and3A = arith.andi %ne3A, %ne3A_24 : i1
    %sub3A_25 = arith.constant 1 : i32
    %sub3A_26 = arith.subi %div3A, %sub3A_25 : i32
    %select_n3A = arith.select %and3A, %sub3A_26, %div3A : i32
    %scan3A = arith.constant 0 : i32
    %scan3A_27 = arith.constant 0 : i32
    %scan3A_28 = arith.constant 320 : i32
    %scan3A_29 = arith.addi %scan3A_27, %scan3A_28 : i32
    %scan3A_30 = arith.constant 1 : i32
    scf.for %scan3A_98 = %scan3A_27 to %scan3A_29 step %scan3A_30  : i32 {
      %jit3A_99 = arith.constant 8 : i32
      %div3A_100 = arith.divsi %scan3A_98, %jit3A_99 : i32
      %sign3A_101 = arith.constant 0 : i32
      %sign3A_102 = arith.cmpi sgt, %scan3A_98, %sign3A_101 : i32
      %sign3A_103 = arith.extui %sign3A_102 : i1 to i32
      %sign3A_104 = arith.constant 0 : i32
      %sign3A_105 = arith.cmpi slt, %scan3A_98, %sign3A_104 : i32
      %sign3A_106 = arith.extui %sign3A_105 : i1 to i32
      %sign3A_107 = arith.subi %sign3A_103, %sign3A_106 : i32
      %sign3A_108 = arith.constant 0 : i32
      %sign3A_109 = arith.cmpi sgt, %jit3A_99, %sign3A_108 : i32
      %sign3A_110 = arith.extui %sign3A_109 : i1 to i32
      %sign3A_111 = arith.constant 0 : i32
      %sign3A_112 = arith.cmpi slt, %jit3A_99, %sign3A_111 : i32
      %sign3A_113 = arith.extui %sign3A_112 : i1 to i32
      %sign3A_114 = arith.subi %sign3A_110, %sign3A_113 : i32
      %ne3A_115 = arith.cmpi ne, %sign3A_107, %sign3A_114 : i32
      %rem3A_116 = arith.remsi %scan3A_98, %jit3A_99 : i32
      %ne3A_117 = arith.constant 0 : i32
      %ne3A_118 = arith.cmpi ne, %rem3A_116, %ne3A_117 : i32
      %and3A_119 = arith.andi %ne3A_115, %ne3A_118 : i1
      %sub3A_120 = arith.constant 1 : i32
      %sub3A_121 = arith.subi %div3A_100, %sub3A_120 : i32
      %select_n3A_122 = arith.select %and3A_119, %sub3A_121, %div3A_100 : i32
      %jit3A_123 = arith.constant 8 : i32
      %eq3A = arith.constant 0 : i32
      %eq3A_124 = arith.cmpi eq, %jit3A_123, %eq3A : i32
      %jit3A_125 = arith.constant 1 : i32
      %select_n3A_126 = arith.select %eq3A_124, %jit3A_125, %jit3A_123 : i32
      %rem3A_127 = arith.remsi %scan3A_98, %select_n3A_126 : i32
      %ne3A_128 = arith.constant 0 : i32
      %ne3A_129 = arith.cmpi ne, %rem3A_127, %ne3A_128 : i32
      %lt3A_130 = arith.constant 0 : i32
      %lt3A_131 = arith.cmpi slt, %rem3A_127, %lt3A_130 : i32
      %lt3A_132 = arith.constant 0 : i32
      %lt3A_133 = arith.cmpi slt, %select_n3A_126, %lt3A_132 : i32
      %ne3A_134 = arith.xori %lt3A_131, %lt3A_133 : i1
      %and3A_135 = arith.andi %ne3A_134, %ne3A_129 : i1
      %add3A_136 = arith.addi %rem3A_127, %select_n3A_126 : i32
      %select_n3A_137 = arith.select %and3A_135, %add3A_136, %rem3A_127 : i32
      %broadcast_in_dim3A = arith.constant 0.000000e+00 : f32
      %broadcast_in_dim3A_138 = vector.broadcast %broadcast_in_dim3A : f32 to vector<16xf32>
      %mul3A_139 = arith.constant 16 : i32
      %mul3A_140 = arith.muli %select_n3A_137, %mul3A_139 : i32
      %swap3A = arith.index_cast %select_n3A_122 : i32 to index
      %swap3A_141 = arith.index_cast %mul3A_140 : i32 to index
      %swap3A_142 = tpu.vector_load %arg7[%swap3A, %swap3A_141] {strides = array<i32>} : memref<40x128xf32, #tpu.memory_space<vmem>>, vector<1x16xf32>,
      %swap3A_143 = vector.shape_cast %swap3A_142 : vector<1x16xf32> to vector<16xf32>
      %swap3A_144 = vector.shape_cast %broadcast_in_dim3A_138 : vector<16xf32> to vector<1x16xf32>
      tpu.vector_store %arg7[%swap3A, %swap3A_141], %swap3A_144 {strides = array<i32>} : memref<40x128xf32, #tpu.memory_space<vmem>>, vector<1x16xf32>,
    }
    %scan3A_31 = arith.constant 320 : i32
    %while3A = arith.constant 0 : i32
    %while3A_32 = arith.constant 0 : i32
    %while3A_33 = arith.subi %select_n3A, %while3A_32 : i32
    %while3A_34 = arith.addi %while3A_32, %while3A_33 : i32
    %while3A_35 = arith.constant 1 : i32
    %while3A_36 = arith.divsi %while3A_33, %while3A_35 : i32
    %while3A_37 = arith.muli %while3A_36, %while3A_35 : i32
    %while3A_38 = arith.addi %while3A_32, %while3A_37 : i32
    %while3A_39 = arith.constant 1 : i32
    scf.for %while3A_98 = %while3A_32 to %while3A_38 step %while3A_39  : i32 {
      %mul3A_99 = arith.constant 16 : i32
      %mul3A_100 = arith.muli %while3A_98, %mul3A_99 : i32
      %add3A_101 = arith.addi %arg1, %mul3A_100 : i32
      %mul3A_102 = arith.constant 40 : i32
      %mul3A_103 = arith.muli %add3A_101, %mul3A_102 : i32
      %multiple_of3A_104 = tpu.assume_multiple %mul3A_103, 8 : i32
      "tpu.region"() ({
        %run_scoped3A = tpu.sem_alloc : memref<!tpu.dma_semaphore, #tpu.memory_space<semaphore_mem>>
        %dma_start3A_105 = arith.constant 0 : i32
        %dma_start3A_106 = tpu.memref_slice %arg5[%multiple_of3A_104, %dma_start3A_105] : memref<10000x128xf32, #tpu.memory_space<vmem_shared>> -> memref<40x128xf32, #tpu.memory_space<vmem_shared>>
        %dma_start3A_107 = arith.constant 0 : i32
        %dma_start3A_108 = tpu.memref_slice %arg5[%multiple_of3A_104, %dma_start3A_107] : memref<10000x128xf32, #tpu.memory_space<vmem_shared>> -> memref<40x128xf32, #tpu.memory_space<vmem_shared>>
        tpu.enqueue_dma source(%arg7 : memref<40x128xf32, #tpu.memory_space<vmem>>) target(%dma_start3A_108 : memref<40x128xf32, #tpu.memory_space<vmem_shared>>) target_semaphore(%run_scoped3A : memref<!tpu.dma_semaphore, #tpu.memory_space<semaphore_mem>>)
        %dma_wait3A_109 = arith.constant 0 : i32
        %dma_wait3A_110 = tpu.memref_slice %arg5[%multiple_of3A_104, %dma_wait3A_109] : memref<10000x128xf32, #tpu.memory_space<vmem_shared>> -> memref<40x128xf32, #tpu.memory_space<vmem_shared>>
        %dma_wait3A_111 = arith.constant 0 : i32
        %dma_wait3A_112 = tpu.memref_slice %arg5[%multiple_of3A_104, %dma_wait3A_111] : memref<10000x128xf32, #tpu.memory_space<vmem_shared>> -> memref<40x128xf32, #tpu.memory_space<vmem_shared>>
        tpu.wait_dma2 semaphore(%run_scoped3A : memref<!tpu.dma_semaphore, #tpu.memory_space<semaphore_mem>>) src(%arg7 : memref<40x128xf32, #tpu.memory_space<vmem>>) dst(%dma_wait3A_112 : memref<40x128xf32, #tpu.memory_space<vmem_shared>>)
        tpu.yield
      }) : () -> ()
    }
    %while3A_40 = arith.constant 1 : i32
    scf.for %while3A_98 = %while3A_38 to %while3A_34 step %while3A_40  : i32 {
      %mul3A_99 = arith.constant 16 : i32
      %mul3A_100 = arith.muli %while3A_98, %mul3A_99 : i32
      %add3A_101 = arith.addi %arg1, %mul3A_100 : i32
      %mul3A_102 = arith.constant 40 : i32
      %mul3A_103 = arith.muli %add3A_101, %mul3A_102 : i32
      %multiple_of3A_104 = tpu.assume_multiple %mul3A_103, 8 : i32
      "tpu.region"() ({
        %run_scoped3A = tpu.sem_alloc : memref<!tpu.dma_semaphore, #tpu.memory_space<semaphore_mem>>
        %dma_start3A_105 = arith.constant 0 : i32
        %dma_start3A_106 = tpu.memref_slice %arg5[%multiple_of3A_104, %dma_start3A_105] : memref<10000x128xf32, #tpu.memory_space<vmem_shared>> -> memref<40x128xf32, #tpu.memory_space<vmem_shared>>
        %dma_start3A_107 = arith.constant 0 : i32
        %dma_start3A_108 = tpu.memref_slice %arg5[%multiple_of3A_104, %dma_start3A_107] : memref<10000x128xf32, #tpu.memory_space<vmem_shared>> -> memref<40x128xf32, #tpu.memory_space<vmem_shared>>
        tpu.enqueue_dma source(%arg7 : memref<40x128xf32, #tpu.memory_space<vmem>>) target(%dma_start3A_108 : memref<40x128xf32, #tpu.memory_space<vmem_shared>>) target_semaphore(%run_scoped3A : memref<!tpu.dma_semaphore, #tpu.memory_space<semaphore_mem>>)
        %dma_wait3A_109 = arith.constant 0 : i32
        %dma_wait3A_110 = tpu.memref_slice %arg5[%multiple_of3A_104, %dma_wait3A_109] : memref<10000x128xf32, #tpu.memory_space<vmem_shared>> -> memref<40x128xf32, #tpu.memory_space<vmem_shared>>
        %dma_wait3A_111 = arith.constant 0 : i32
        %dma_wait3A_112 = tpu.memref_slice %arg5[%multiple_of3A_104, %dma_wait3A_111] : memref<10000x128xf32, #tpu.memory_space<vmem_shared>> -> memref<40x128xf32, #tpu.memory_space<vmem_shared>>
        tpu.wait_dma2 semaphore(%run_scoped3A : memref<!tpu.dma_semaphore, #tpu.memory_space<semaphore_mem>>) src(%arg7 : memref<40x128xf32, #tpu.memory_space<vmem>>) dst(%dma_wait3A_112 : memref<40x128xf32, #tpu.memory_space<vmem_shared>>)
        tpu.yield
      }) : () -> ()
    }
    %barrier3A = arith.constant 0 : index
    tpu.barrier barrier_id(%barrier3A)
    "tpu.region"() ({
      %run_scoped3A = tpu.sem_alloc : memref<!tpu.dma_semaphore, #tpu.memory_space<semaphore_mem>>
      %dma_start3A_98 = arith.constant 0 : i32
      %dma_start3A_99 = arith.constant 0 : i32
      %dma_start3A_100 = tpu.memref_slice %arg3[%add3A, %dma_start3A_98, %dma_start3A_99] : memref<32x125x40xi32, #tpu.memory_space<hbm>> -> memref<1x125x40xi32, #tpu.memory_space<hbm>>
      %dma_start3A_101 = tpu.memref_squeeze %dma_start3A_100 : memref<1x125x40xi32, #tpu.memory_space<hbm>> -> memref<125x40xi32, #tpu.memory_space<hbm>>
      %dma_start3A_102 = arith.constant 0 : i32
      %dma_start3A_103 = arith.constant 0 : i32
      %dma_start3A_104 = tpu.memref_slice %arg3[%add3A, %dma_start3A_102, %dma_start3A_103] : memref<32x125x40xi32, #tpu.memory_space<hbm>> -> memref<1x125x40xi32, #tpu.memory_space<hbm>>
      %dma_start3A_105 = tpu.memref_squeeze %dma_start3A_104 : memref<1x125x40xi32, #tpu.memory_space<hbm>> -> memref<125x40xi32, #tpu.memory_space<hbm>>
      tpu.enqueue_dma source(%dma_start3A_105 : memref<125x40xi32, #tpu.memory_space<hbm>>) target(%arg6 : memref<125x40xi32, #tpu.memory_space<vmem>>) target_semaphore(%run_scoped3A : memref<!tpu.dma_semaphore, #tpu.memory_space<semaphore_mem>>)
      %dma_wait3A_106 = arith.constant 0 : i32
      %dma_wait3A_107 = arith.constant 0 : i32
      %dma_wait3A_108 = tpu.memref_slice %arg3[%add3A, %dma_wait3A_106, %dma_wait3A_107] : memref<32x125x40xi32, #tpu.memory_space<hbm>> -> memref<1x125x40xi32, #tpu.memory_space<hbm>>
      %dma_wait3A_109 = tpu.memref_squeeze %dma_wait3A_108 : memref<1x125x40xi32, #tpu.memory_space<hbm>> -> memref<125x40xi32, #tpu.memory_space<hbm>>
      %dma_wait3A_110 = arith.constant 0 : i32
      %dma_wait3A_111 = arith.constant 0 : i32
      %dma_wait3A_112 = tpu.memref_slice %arg3[%add3A, %dma_wait3A_110, %dma_wait3A_111] : memref<32x125x40xi32, #tpu.memory_space<hbm>> -> memref<1x125x40xi32, #tpu.memory_space<hbm>>
      %dma_wait3A_113 = tpu.memref_squeeze %dma_wait3A_112 : memref<1x125x40xi32, #tpu.memory_space<hbm>> -> memref<125x40xi32, #tpu.memory_space<hbm>>
      tpu.wait_dma2 semaphore(%run_scoped3A : memref<!tpu.dma_semaphore, #tpu.memory_space<semaphore_mem>>) src(%dma_wait3A_113 : memref<125x40xi32, #tpu.memory_space<hbm>>) dst(%arg6 : memref<125x40xi32, #tpu.memory_space<vmem>>)
      tpu.yield
    }) : () -> ()
    %add3A_41 = arith.constant 0 : i32
    %add3A_42 = arith.addi %add3A_4, %add3A_41 : i32
    %multiple_of3A = tpu.assume_multiple %add3A_42, 8 : i32
    %dma_start3A = arith.constant 0 : i32
    %dma_start3A_43 = tpu.memref_slice %arg2[%multiple_of3A, %dma_start3A] : memref<160000x128xf32, #tpu.memory_space<hbm>> -> memref<40x128xf32, #tpu.memory_space<hbm>>
    %dma_start3A_44 = arith.constant 0 : i32
    %dma_start3A_45 = tpu.memref_slice %arg2[%multiple_of3A, %dma_start3A_44] : memref<160000x128xf32, #tpu.memory_space<hbm>> -> memref<40x128xf32, #tpu.memory_space<hbm>>
    tpu.enqueue_dma source(%dma_start3A_45 : memref<40x128xf32, #tpu.memory_space<hbm>>) target(%arg7 : memref<40x128xf32, #tpu.memory_space<vmem>>) target_semaphore(%arg9 : memref<!tpu.dma_semaphore, #tpu.memory_space<semaphore_mem>>)
    %scan3A_46 = arith.constant 0 : i32
    %scan3A_47 = arith.constant 0 : i32
    %scan3A_48 = arith.constant 62 : i32
    %scan3A_49 = arith.addi %scan3A_47, %scan3A_48 : i32
    %scan3A_50 = arith.constant 1 : i32
    scf.for %scan3A_98 = %scan3A_47 to %scan3A_49 step %scan3A_50  : i32 {
      %mul3A_99 = arith.constant 2 : i32
      %mul3A_100 = arith.muli %mul3A_99, %scan3A_98 : i32
      %add3A_101 = arith.constant 1 : i32
      %add3A_102 = arith.addi %mul3A_100, %add3A_101 : i32
      %lt3A_103 = arith.constant 125 : i32
      %lt3A_104 = arith.cmpi slt, %add3A_102, %lt3A_103 : i32
      %convert_element_type3A_105 = arith.extui %lt3A_104 : i1 to i32
      %cond3A_106 = arith.constant 0 : i32
      %cond3A_107 = arith.cmpi ne, %convert_element_type3A_105, %cond3A_106 : i32
      scf.if %cond3A_107 {
        %ge3A = arith.constant 1 : i32
        %ge3A_147 = arith.cmpi sge, %mul3A_100, %ge3A : i32
        %convert_element_type3A_148 = arith.extui %ge3A_147 : i1 to i32
        %cond3A_149 = arith.constant 0 : i32
        %cond3A_150 = arith.cmpi ne, %convert_element_type3A_148, %cond3A_149 : i32
        scf.if %cond3A_150 {
          %dma_wait3A_161 = arith.constant 0 : i32
          %dma_wait3A_162 = tpu.memref_slice %arg6[%mul3A_100, %dma_wait3A_161] : memref<125x40xi32, #tpu.memory_space<vmem>> -> memref<1x40xi32, #tpu.memory_space<vmem>>
          %dma_wait3A_163 = tpu.memref_squeeze %dma_wait3A_162 : memref<1x40xi32, #tpu.memory_space<vmem>> -> memref<40xi32, #tpu.memory_space<vmem>>
          %dma_wait3A_164 = arith.constant 0 : i32
          %dma_wait3A_165 = arith.constant 0 : i32
          %dma_wait3A_166 = tpu.memref_slice %arg5[%dma_wait3A_164, %dma_wait3A_165] : memref<10000x128xf32, #tpu.memory_space<vmem_shared>> -> memref<10000x128xf32, #tpu.memory_space<vmem_shared>>
          tpu.wait_indirect_dma semaphore(%arg12 : memref<!tpu.dma_semaphore, #tpu.memory_space<semaphore_mem>>) src(%arg8 : memref<40x128xf32, #tpu.memory_space<vmem>>) dst(%dma_wait3A_166 : memref<10000x128xf32, #tpu.memory_space<vmem_shared>>)
        } else {
        }
        %add3A_151 = arith.constant 1 : i32
        %add3A_152 = arith.addi %mul3A_100, %add3A_151 : i32
        %mul3A_153 = arith.constant 40 : i32
        %mul3A_154 = arith.muli %add3A_152, %mul3A_153 : i32
        %add3A_155 = arith.addi %add3A_4, %mul3A_154 : i32
        %multiple_of3A_156 = tpu.assume_multiple %add3A_155, 8 : i32
        %dma_start3A_157 = arith.constant 0 : i32
        %dma_start3A_158 = tpu.memref_slice %arg2[%multiple_of3A_156, %dma_start3A_157] : memref<160000x128xf32, #tpu.memory_space<hbm>> -> memref<40x128xf32, #tpu.memory_space<hbm>>
        %dma_start3A_159 = arith.constant 0 : i32
        %dma_start3A_160 = tpu.memref_slice %arg2[%multiple_of3A_156, %dma_start3A_159] : memref<160000x128xf32, #tpu.memory_space<hbm>> -> memref<40x128xf32, #tpu.memory_space<hbm>>
        tpu.enqueue_dma source(%dma_start3A_160 : memref<40x128xf32, #tpu.memory_space<hbm>>) target(%arg8 : memref<40x128xf32, #tpu.memory_space<vmem>>) target_semaphore(%arg10 : memref<!tpu.dma_semaphore, #tpu.memory_space<semaphore_mem>>)
      } else {
      }
      %mul3A_108 = arith.constant 40 : i32
      %mul3A_109 = arith.muli %mul3A_100, %mul3A_108 : i32
      %add3A_110 = arith.addi %add3A_4, %mul3A_109 : i32
      %multiple_of3A_111 = tpu.assume_multiple %add3A_110, 8 : i32
      %dma_wait3A_112 = arith.constant 0 : i32
      %dma_wait3A_113 = tpu.memref_slice %arg2[%multiple_of3A_111, %dma_wait3A_112] : memref<160000x128xf32, #tpu.memory_space<hbm>> -> memref<40x128xf32, #tpu.memory_space<hbm>>
      %dma_wait3A_114 = arith.constant 0 : i32
      %dma_wait3A_115 = tpu.memref_slice %arg2[%multiple_of3A_111, %dma_wait3A_114] : memref<160000x128xf32, #tpu.memory_space<hbm>> -> memref<40x128xf32, #tpu.memory_space<hbm>>
      tpu.wait_dma2 semaphore(%arg9 : memref<!tpu.dma_semaphore, #tpu.memory_space<semaphore_mem>>) src(%dma_wait3A_115 : memref<40x128xf32, #tpu.memory_space<hbm>>) dst(%arg7 : memref<40x128xf32, #tpu.memory_space<vmem>>)
      %dma_start3A_116 = arith.constant 0 : i32
      %dma_start3A_117 = tpu.memref_slice %arg6[%mul3A_100, %dma_start3A_116] : memref<125x40xi32, #tpu.memory_space<vmem>> -> memref<1x40xi32, #tpu.memory_space<vmem>>
      %dma_start3A_118 = tpu.memref_squeeze %dma_start3A_117 : memref<1x40xi32, #tpu.memory_space<vmem>> -> memref<40xi32, #tpu.memory_space<vmem>>
      %dma_start3A_119 = arith.constant 0 : i32
      %dma_start3A_120 = arith.constant 0 : i32
      %dma_start3A_121 = tpu.memref_slice %arg5[%dma_start3A_119, %dma_start3A_120] : memref<10000x128xf32, #tpu.memory_space<vmem_shared>> -> memref<10000x128xf32, #tpu.memory_space<vmem_shared>>
      tpu.enqueue_indirect_dma source(%arg7 : memref<40x128xf32, #tpu.memory_space<vmem>>) target(%dma_start3A_121 : memref<10000x128xf32, #tpu.memory_space<vmem_shared>>) offsets(%dma_start3A_118 : memref<40xi32, #tpu.memory_space<vmem>>) semaphore(%arg11 : memref<!tpu.dma_semaphore, #tpu.memory_space<semaphore_mem>>) {add = true}
      %mul3A_122 = arith.constant 2 : i32
      %mul3A_123 = arith.muli %mul3A_122, %scan3A_98 : i32
      %add3A_124 = arith.constant 1 : i32
      %add3A_125 = arith.addi %mul3A_123, %add3A_124 : i32
      %add3A_126 = arith.constant 1 : i32
      %add3A_127 = arith.addi %add3A_125, %add3A_126 : i32
      %lt3A_128 = arith.constant 125 : i32
      %lt3A_129 = arith.cmpi slt, %add3A_127, %lt3A_128 : i32
      %convert_element_type3A_130 = arith.extui %lt3A_129 : i1 to i32
      %cond3A_131 = arith.constant 0 : i32
      %cond3A_132 = arith.cmpi ne, %convert_element_type3A_130, %cond3A_131 : i32
      scf.if %cond3A_132 {
        %ge3A = arith.constant 1 : i32
        %ge3A_147 = arith.cmpi sge, %add3A_125, %ge3A : i32
        %convert_element_type3A_148 = arith.extui %ge3A_147 : i1 to i32
        %cond3A_149 = arith.constant 0 : i32
        %cond3A_150 = arith.cmpi ne, %convert_element_type3A_148, %cond3A_149 : i32
        scf.if %cond3A_150 {
          %dma_wait3A_161 = arith.constant 0 : i32
          %dma_wait3A_162 = tpu.memref_slice %arg6[%add3A_125, %dma_wait3A_161] : memref<125x40xi32, #tpu.memory_space<vmem>> -> memref<1x40xi32, #tpu.memory_space<vmem>>
          %dma_wait3A_163 = tpu.memref_squeeze %dma_wait3A_162 : memref<1x40xi32, #tpu.memory_space<vmem>> -> memref<40xi32, #tpu.memory_space<vmem>>
          %dma_wait3A_164 = arith.constant 0 : i32
          %dma_wait3A_165 = arith.constant 0 : i32
          %dma_wait3A_166 = tpu.memref_slice %arg5[%dma_wait3A_164, %dma_wait3A_165] : memref<10000x128xf32, #tpu.memory_space<vmem_shared>> -> memref<10000x128xf32, #tpu.memory_space<vmem_shared>>
          tpu.wait_indirect_dma semaphore(%arg11 : memref<!tpu.dma_semaphore, #tpu.memory_space<semaphore_mem>>) src(%arg7 : memref<40x128xf32, #tpu.memory_space<vmem>>) dst(%dma_wait3A_166 : memref<10000x128xf32, #tpu.memory_space<vmem_shared>>)
        } else {
        }
        %add3A_151 = arith.constant 1 : i32
        %add3A_152 = arith.addi %add3A_125, %add3A_151 : i32
        %mul3A_153 = arith.constant 40 : i32
        %mul3A_154 = arith.muli %add3A_152, %mul3A_153 : i32
        %add3A_155 = arith.addi %add3A_4, %mul3A_154 : i32
        %multiple_of3A_156 = tpu.assume_multiple %add3A_155, 8 : i32
        %dma_start3A_157 = arith.constant 0 : i32
        %dma_start3A_158 = tpu.memref_slice %arg2[%multiple_of3A_156, %dma_start3A_157] : memref<160000x128xf32, #tpu.memory_space<hbm>> -> memref<40x128xf32, #tpu.memory_space<hbm>>
        %dma_start3A_159 = arith.constant 0 : i32
        %dma_start3A_160 = tpu.memref_slice %arg2[%multiple_of3A_156, %dma_start3A_159] : memref<160000x128xf32, #tpu.memory_space<hbm>> -> memref<40x128xf32, #tpu.memory_space<hbm>>
        tpu.enqueue_dma source(%dma_start3A_160 : memref<40x128xf32, #tpu.memory_space<hbm>>) target(%arg7 : memref<40x128xf32, #tpu.memory_space<vmem>>) target_semaphore(%arg9 : memref<!tpu.dma_semaphore, #tpu.memory_space<semaphore_mem>>)
      } else {
      }
      %mul3A_133 = arith.constant 40 : i32
      %mul3A_134 = arith.muli %add3A_125, %mul3A_133 : i32
      %add3A_135 = arith.addi %add3A_4, %mul3A_134 : i32
      %multiple_of3A_136 = tpu.assume_multiple %add3A_135, 8 : i32
      %dma_wait3A_137 = arith.constant 0 : i32
      %dma_wait3A_138 = tpu.memref_slice %arg2[%multiple_of3A_136, %dma_wait3A_137] : memref<160000x128xf32, #tpu.memory_space<hbm>> -> memref<40x128xf32, #tpu.memory_space<hbm>>
      %dma_wait3A_139 = arith.constant 0 : i32
      %dma_wait3A_140 = tpu.memref_slice %arg2[%multiple_of3A_136, %dma_wait3A_139] : memref<160000x128xf32, #tpu.memory_space<hbm>> -> memref<40x128xf32, #tpu.memory_space<hbm>>
      tpu.wait_dma2 semaphore(%arg10 : memref<!tpu.dma_semaphore, #tpu.memory_space<semaphore_mem>>) src(%dma_wait3A_140 : memref<40x128xf32, #tpu.memory_space<hbm>>) dst(%arg8 : memref<40x128xf32, #tpu.memory_space<vmem>>)
      %dma_start3A_141 = arith.constant 0 : i32
      %dma_start3A_142 = tpu.memref_slice %arg6[%add3A_125, %dma_start3A_141] : memref<125x40xi32, #tpu.memory_space<vmem>> -> memref<1x40xi32, #tpu.memory_space<vmem>>
      %dma_start3A_143 = tpu.memref_squeeze %dma_start3A_142 : memref<1x40xi32, #tpu.memory_space<vmem>> -> memref<40xi32, #tpu.memory_space<vmem>>
      %dma_start3A_144 = arith.constant 0 : i32
      %dma_start3A_145 = arith.constant 0 : i32
      %dma_start3A_146 = tpu.memref_slice %arg5[%dma_start3A_144, %dma_start3A_145] : memref<10000x128xf32, #tpu.memory_space<vmem_shared>> -> memref<10000x128xf32, #tpu.memory_space<vmem_shared>>
      tpu.enqueue_indirect_dma source(%arg8 : memref<40x128xf32, #tpu.memory_space<vmem>>) target(%dma_start3A_146 : memref<10000x128xf32, #tpu.memory_space<vmem_shared>>) offsets(%dma_start3A_143 : memref<40xi32, #tpu.memory_space<vmem>>) semaphore(%arg12 : memref<!tpu.dma_semaphore, #tpu.memory_space<semaphore_mem>>) {add = true}
    }
    %scan3A_51 = arith.constant 62 : i32
    %add3A_52 = arith.constant 124 : i32
    %add3A_53 = arith.constant 1 : i32
    %add3A_54 = arith.addi %add3A_52, %add3A_53 : i32
    %lt3A = arith.constant 125 : i32
    %lt3A_55 = arith.cmpi slt, %add3A_54, %lt3A : i32
    %convert_element_type3A = arith.extui %lt3A_55 : i1 to i32
    %cond3A = arith.constant 124 : i32
    %cond3A_56 = arith.constant 0 : i32
    %cond3A_57 = arith.cmpi ne, %convert_element_type3A, %cond3A_56 : i32
    scf.if %cond3A_57 {
      %ge3A = arith.constant 1 : i32
      %ge3A_98 = arith.cmpi sge, %cond3A, %ge3A : i32
      %convert_element_type3A_99 = arith.extui %ge3A_98 : i1 to i32
      %cond3A_100 = arith.constant 0 : i32
      %cond3A_101 = arith.cmpi ne, %convert_element_type3A_99, %cond3A_100 : i32
      scf.if %cond3A_101 {
        %dma_wait3A_112 = arith.constant 0 : i32
        %dma_wait3A_113 = tpu.memref_slice %arg6[%cond3A, %dma_wait3A_112] : memref<125x40xi32, #tpu.memory_space<vmem>> -> memref<1x40xi32, #tpu.memory_space<vmem>>
        %dma_wait3A_114 = tpu.memref_squeeze %dma_wait3A_113 : memref<1x40xi32, #tpu.memory_space<vmem>> -> memref<40xi32, #tpu.memory_space<vmem>>
        %dma_wait3A_115 = arith.constant 0 : i32
        %dma_wait3A_116 = arith.constant 0 : i32
        %dma_wait3A_117 = tpu.memref_slice %arg5[%dma_wait3A_115, %dma_wait3A_116] : memref<10000x128xf32, #tpu.memory_space<vmem_shared>> -> memref<10000x128xf32, #tpu.memory_space<vmem_shared>>
        tpu.wait_indirect_dma semaphore(%arg12 : memref<!tpu.dma_semaphore, #tpu.memory_space<semaphore_mem>>) src(%arg8 : memref<40x128xf32, #tpu.memory_space<vmem>>) dst(%dma_wait3A_117 : memref<10000x128xf32, #tpu.memory_space<vmem_shared>>)
      } else {
      }
      %add3A_102 = arith.constant 1 : i32
      %add3A_103 = arith.addi %cond3A, %add3A_102 : i32
      %mul3A_104 = arith.constant 40 : i32
      %mul3A_105 = arith.muli %add3A_103, %mul3A_104 : i32
      %add3A_106 = arith.addi %add3A_4, %mul3A_105 : i32
      %multiple_of3A_107 = tpu.assume_multiple %add3A_106, 8 : i32
      %dma_start3A_108 = arith.constant 0 : i32
      %dma_start3A_109 = tpu.memref_slice %arg2[%multiple_of3A_107, %dma_start3A_108] : memref<160000x128xf32, #tpu.memory_space<hbm>> -> memref<40x128xf32, #tpu.memory_space<hbm>>
      %dma_start3A_110 = arith.constant 0 : i32
      %dma_start3A_111 = tpu.memref_slice %arg2[%multiple_of3A_107, %dma_start3A_110] : memref<160000x128xf32, #tpu.memory_space<hbm>> -> memref<40x128xf32, #tpu.memory_space<hbm>>
      tpu.enqueue_dma source(%dma_start3A_111 : memref<40x128xf32, #tpu.memory_space<hbm>>) target(%arg8 : memref<40x128xf32, #tpu.memory_space<vmem>>) target_semaphore(%arg10 : memref<!tpu.dma_semaphore, #tpu.memory_space<semaphore_mem>>)
    } else {
    }
    %mul3A_58 = arith.constant 124 : i32
    %mul3A_59 = arith.constant 40 : i32
    %mul3A_60 = arith.muli %mul3A_58, %mul3A_59 : i32
    %add3A_61 = arith.addi %add3A_4, %mul3A_60 : i32
    %multiple_of3A_62 = tpu.assume_multiple %add3A_61, 8 : i32
    %dma_wait3A = arith.constant 0 : i32
    %dma_wait3A_63 = tpu.memref_slice %arg2[%multiple_of3A_62, %dma_wait3A] : memref<160000x128xf32, #tpu.memory_space<hbm>> -> memref<40x128xf32, #tpu.memory_space<hbm>>
    %dma_wait3A_64 = arith.constant 0 : i32
    %dma_wait3A_65 = tpu.memref_slice %arg2[%multiple_of3A_62, %dma_wait3A_64] : memref<160000x128xf32, #tpu.memory_space<hbm>> -> memref<40x128xf32, #tpu.memory_space<hbm>>
    tpu.wait_dma2 semaphore(%arg9 : memref<!tpu.dma_semaphore, #tpu.memory_space<semaphore_mem>>) src(%dma_wait3A_65 : memref<40x128xf32, #tpu.memory_space<hbm>>) dst(%arg7 : memref<40x128xf32, #tpu.memory_space<vmem>>)
    %dma_start3A_66 = arith.constant 124 : i32
    %dma_start3A_67 = arith.constant 0 : i32
    %dma_start3A_68 = tpu.memref_slice %arg6[%dma_start3A_66, %dma_start3A_67] : memref<125x40xi32, #tpu.memory_space<vmem>> -> memref<1x40xi32, #tpu.memory_space<vmem>>
    %dma_start3A_69 = tpu.memref_squeeze %dma_start3A_68 : memref<1x40xi32, #tpu.memory_space<vmem>> -> memref<40xi32, #tpu.memory_space<vmem>>
    %dma_start3A_70 = arith.constant 0 : i32
    %dma_start3A_71 = arith.constant 0 : i32
    %dma_start3A_72 = tpu.memref_slice %arg5[%dma_start3A_70, %dma_start3A_71] : memref<10000x128xf32, #tpu.memory_space<vmem_shared>> -> memref<10000x128xf32, #tpu.memory_space<vmem_shared>>
    tpu.enqueue_indirect_dma source(%arg7 : memref<40x128xf32, #tpu.memory_space<vmem>>) target(%dma_start3A_72 : memref<10000x128xf32, #tpu.memory_space<vmem_shared>>) offsets(%dma_start3A_69 : memref<40xi32, #tpu.memory_space<vmem>>) semaphore(%arg11 : memref<!tpu.dma_semaphore, #tpu.memory_space<semaphore_mem>>) {add = true}
    %dma_wait3A_73 = arith.constant 0 : i32
    %dma_wait3A_74 = arith.constant 0 : i32
    %dma_wait3A_75 = tpu.memref_slice %arg6[%dma_wait3A_73, %dma_wait3A_74] : memref<125x40xi32, #tpu.memory_space<vmem>> -> memref<1x40xi32, #tpu.memory_space<vmem>>
    %dma_wait3A_76 = tpu.memref_squeeze %dma_wait3A_75 : memref<1x40xi32, #tpu.memory_space<vmem>> -> memref<40xi32, #tpu.memory_space<vmem>>
    %dma_wait3A_77 = arith.constant 0 : i32
    %dma_wait3A_78 = arith.constant 0 : i32
    %dma_wait3A_79 = tpu.memref_slice %arg5[%dma_wait3A_77, %dma_wait3A_78] : memref<10000x128xf32, #tpu.memory_space<vmem_shared>> -> memref<10000x128xf32, #tpu.memory_space<vmem_shared>>
    tpu.wait_indirect_dma semaphore(%arg11 : memref<!tpu.dma_semaphore, #tpu.memory_space<semaphore_mem>>) src(%arg7 : memref<40x128xf32, #tpu.memory_space<vmem>>) dst(%dma_wait3A_79 : memref<10000x128xf32, #tpu.memory_space<vmem_shared>>)
    %dma_wait3A_80 = arith.constant 0 : i32
    %dma_wait3A_81 = arith.constant 0 : i32
    %dma_wait3A_82 = tpu.memref_slice %arg6[%dma_wait3A_80, %dma_wait3A_81] : memref<125x40xi32, #tpu.memory_space<vmem>> -> memref<1x40xi32, #tpu.memory_space<vmem>>
    %dma_wait3A_83 = tpu.memref_squeeze %dma_wait3A_82 : memref<1x40xi32, #tpu.memory_space<vmem>> -> memref<40xi32, #tpu.memory_space<vmem>>
    %dma_wait3A_84 = arith.constant 0 : i32
    %dma_wait3A_85 = arith.constant 0 : i32
    %dma_wait3A_86 = tpu.memref_slice %arg5[%dma_wait3A_84, %dma_wait3A_85] : memref<10000x128xf32, #tpu.memory_space<vmem_shared>> -> memref<10000x128xf32, #tpu.memory_space<vmem_shared>>
    tpu.wait_indirect_dma semaphore(%arg12 : memref<!tpu.dma_semaphore, #tpu.memory_space<semaphore_mem>>) src(%arg8 : memref<40x128xf32, #tpu.memory_space<vmem>>) dst(%dma_wait3A_86 : memref<10000x128xf32, #tpu.memory_space<vmem_shared>>)
    %barrier3A_87 = arith.constant 0 : index
    tpu.barrier barrier_id(%barrier3A_87)
    %while3A_88 = arith.constant 0 : i32
    %while3A_89 = arith.constant 0 : i32
    %while3A_90 = arith.subi %select_n3A, %while3A_89 : i32
    %while3A_91 = arith.addi %while3A_89, %while3A_90 : i32
    %while3A_92 = arith.constant 1 : i32
    %while3A_93 = arith.divsi %while3A_90, %while3A_92 : i32
    %while3A_94 = arith.muli %while3A_93, %while3A_92 : i32
    %while3A_95 = arith.addi %while3A_89, %while3A_94 : i32
    %while3A_96 = arith.constant 1 : i32
    scf.for %while3A_98 = %while3A_89 to %while3A_95 step %while3A_96  : i32 {
      %mul3A_99 = arith.constant 16 : i32
      %mul3A_100 = arith.muli %while3A_98, %mul3A_99 : i32
      %add3A_101 = arith.addi %arg1, %mul3A_100 : i32
      %mul3A_102 = arith.constant 40 : i32
      %mul3A_103 = arith.muli %add3A_101, %mul3A_102 : i32
      %multiple_of3A_104 = tpu.assume_multiple %mul3A_103, 8 : i32
      "tpu.region"() ({
        %run_scoped3A = tpu.sem_alloc : memref<!tpu.dma_semaphore, #tpu.memory_space<semaphore_mem>>
        %dma_start3A_105 = arith.constant 0 : i32
        %dma_start3A_106 = tpu.memref_slice %arg5[%multiple_of3A_104, %dma_start3A_105] : memref<10000x128xf32, #tpu.memory_space<vmem_shared>> -> memref<40x128xf32, #tpu.memory_space<vmem_shared>>
        %dma_start3A_107 = arith.constant 0 : i32
        %dma_start3A_108 = tpu.memref_slice %arg5[%multiple_of3A_104, %dma_start3A_107] : memref<10000x128xf32, #tpu.memory_space<vmem_shared>> -> memref<40x128xf32, #tpu.memory_space<vmem_shared>>
        tpu.enqueue_dma source(%dma_start3A_108 : memref<40x128xf32, #tpu.memory_space<vmem_shared>>) target(%arg7 : memref<40x128xf32, #tpu.memory_space<vmem>>) target_semaphore(%run_scoped3A : memref<!tpu.dma_semaphore, #tpu.memory_space<semaphore_mem>>)
        %dma_wait3A_109 = arith.constant 0 : i32
        %dma_wait3A_110 = tpu.memref_slice %arg5[%multiple_of3A_104, %dma_wait3A_109] : memref<10000x128xf32, #tpu.memory_space<vmem_shared>> -> memref<40x128xf32, #tpu.memory_space<vmem_shared>>
        %dma_wait3A_111 = arith.constant 0 : i32
        %dma_wait3A_112 = tpu.memref_slice %arg5[%multiple_of3A_104, %dma_wait3A_111] : memref<10000x128xf32, #tpu.memory_space<vmem_shared>> -> memref<40x128xf32, #tpu.memory_space<vmem_shared>>
        tpu.wait_dma2 semaphore(%run_scoped3A : memref<!tpu.dma_semaphore, #tpu.memory_space<semaphore_mem>>) src(%dma_wait3A_112 : memref<40x128xf32, #tpu.memory_space<vmem_shared>>) dst(%arg7 : memref<40x128xf32, #tpu.memory_space<vmem>>)
        tpu.yield
      }) : () -> ()
      "tpu.region"() ({
        %run_scoped3A = tpu.sem_alloc : memref<!tpu.dma_semaphore, #tpu.memory_space<semaphore_mem>>
        %dma_start3A_105 = arith.constant 0 : i32
        %dma_start3A_106 = arith.constant 0 : i32
        %dma_start3A_107 = tpu.memref_slice %arg4[%arg0, %dma_start3A_105, %dma_start3A_106] : memref<2x10000x128xf32, #tpu.memory_space<hbm>> -> memref<1x10000x128xf32, #tpu.memory_space<hbm>>
        %dma_start3A_108 = tpu.memref_squeeze %dma_start3A_107 : memref<1x10000x128xf32, #tpu.memory_space<hbm>> -> memref<10000x128xf32, #tpu.memory_space<hbm>>
        %dma_start3A_109 = arith.constant 0 : i32
        %dma_start3A_110 = tpu.memref_slice %dma_start3A_108[%multiple_of3A_104, %dma_start3A_109] : memref<10000x128xf32, #tpu.memory_space<hbm>> -> memref<40x128xf32, #tpu.memory_space<hbm>>
        %dma_start3A_111 = arith.constant 0 : i32
        %dma_start3A_112 = arith.constant 0 : i32
        %dma_start3A_113 = tpu.memref_slice %arg4[%arg0, %dma_start3A_111, %dma_start3A_112] : memref<2x10000x128xf32, #tpu.memory_space<hbm>> -> memref<1x10000x128xf32, #tpu.memory_space<hbm>>
        %dma_start3A_114 = tpu.memref_squeeze %dma_start3A_113 : memref<1x10000x128xf32, #tpu.memory_space<hbm>> -> memref<10000x128xf32, #tpu.memory_space<hbm>>
        %dma_start3A_115 = arith.constant 0 : i32
        %dma_start3A_116 = tpu.memref_slice %dma_start3A_114[%multiple_of3A_104, %dma_start3A_115] : memref<10000x128xf32, #tpu.memory_space<hbm>> -> memref<40x128xf32, #tpu.memory_space<hbm>>
        tpu.enqueue_dma source(%arg7 : memref<40x128xf32, #tpu.memory_space<vmem>>) target(%dma_start3A_116 : memref<40x128xf32, #tpu.memory_space<hbm>>) target_semaphore(%run_scoped3A : memref<!tpu.dma_semaphore, #tpu.memory_space<semaphore_mem>>)
        %dma_wait3A_117 = arith.constant 0 : i32
        %dma_wait3A_118 = arith.constant 0 : i32
        %dma_wait3A_119 = tpu.memref_slice %arg4[%arg0, %dma_wait3A_117, %dma_wait3A_118] : memref<2x10000x128xf32, #tpu.memory_space<hbm>> -> memref<1x10000x128xf32, #tpu.memory_space<hbm>>
        %dma_wait3A_120 = tpu.memref_squeeze %dma_wait3A_119 : memref<1x10000x128xf32, #tpu.memory_space<hbm>> -> memref<10000x128xf32, #tpu.memory_space<hbm>>
        %dma_wait3A_121 = arith.constant 0 : i32
        %dma_wait3A_122 = tpu.memref_slice %dma_wait3A_120[%multiple_of3A_104, %dma_wait3A_121] : memref<10000x128xf32, #tpu.memory_space<hbm>> -> memref<40x128xf32, #tpu.memory_space<hbm>>
        %dma_wait3A_123 = arith.constant 0 : i32
        %dma_wait3A_124 = arith.constant 0 : i32
        %dma_wait3A_125 = tpu.memref_slice %arg4[%arg0, %dma_wait3A_123, %dma_wait3A_124] : memref<2x10000x128xf32, #tpu.memory_space<hbm>> -> memref<1x10000x128xf32, #tpu.memory_space<hbm>>
        %dma_wait3A_126 = tpu.memref_squeeze %dma_wait3A_125 : memref<1x10000x128xf32, #tpu.memory_space<hbm>> -> memref<10000x128xf32, #tpu.memory_space<hbm>>
        %dma_wait3A_127 = arith.constant 0 : i32
        %dma_wait3A_128 = tpu.memref_slice %dma_wait3A_126[%multiple_of3A_104, %dma_wait3A_127] : memref<10000x128xf32, #tpu.memory_space<hbm>> -> memref<40x128xf32, #tpu.memory_space<hbm>>
        tpu.wait_dma2 semaphore(%run_scoped3A : memref<!tpu.dma_semaphore, #tpu.memory_space<semaphore_mem>>) src(%arg7 : memref<40x128xf32, #tpu.memory_space<vmem>>) dst(%dma_wait3A_128 : memref<40x128xf32, #tpu.memory_space<hbm>>)
        tpu.yield
      }) : () -> ()
    }
    %while3A_97 = arith.constant 1 : i32
    scf.for %while3A_98 = %while3A_95 to %while3A_91 step %while3A_97  : i32 {
      %mul3A_99 = arith.constant 16 : i32
      %mul3A_100 = arith.muli %while3A_98, %mul3A_99 : i32
      %add3A_101 = arith.addi %arg1, %mul3A_100 : i32
      %mul3A_102 = arith.constant 40 : i32
      %mul3A_103 = arith.muli %add3A_101, %mul3A_102 : i32
      %multiple_of3A_104 = tpu.assume_multiple %mul3A_103, 8 : i32
      "tpu.region"() ({
        %run_scoped3A = tpu.sem_alloc : memref<!tpu.dma_semaphore, #tpu.memory_space<semaphore_mem>>
        %dma_start3A_105 = arith.constant 0 : i32
        %dma_start3A_106 = tpu.memref_slice %arg5[%multiple_of3A_104, %dma_start3A_105] : memref<10000x128xf32, #tpu.memory_space<vmem_shared>> -> memref<40x128xf32, #tpu.memory_space<vmem_shared>>
        %dma_start3A_107 = arith.constant 0 : i32
        %dma_start3A_108 = tpu.memref_slice %arg5[%multiple_of3A_104, %dma_start3A_107] : memref<10000x128xf32, #tpu.memory_space<vmem_shared>> -> memref<40x128xf32, #tpu.memory_space<vmem_shared>>
        tpu.enqueue_dma source(%dma_start3A_108 : memref<40x128xf32, #tpu.memory_space<vmem_shared>>) target(%arg7 : memref<40x128xf32, #tpu.memory_space<vmem>>) target_semaphore(%run_scoped3A : memref<!tpu.dma_semaphore, #tpu.memory_space<semaphore_mem>>)
        %dma_wait3A_109 = arith.constant 0 : i32
        %dma_wait3A_110 = tpu.memref_slice %arg5[%multiple_of3A_104, %dma_wait3A_109] : memref<10000x128xf32, #tpu.memory_space<vmem_shared>> -> memref<40x128xf32, #tpu.memory_space<vmem_shared>>
        %dma_wait3A_111 = arith.constant 0 : i32
        %dma_wait3A_112 = tpu.memref_slice %arg5[%multiple_of3A_104, %dma_wait3A_111] : memref<10000x128xf32, #tpu.memory_space<vmem_shared>> -> memref<40x128xf32, #tpu.memory_space<vmem_shared>>
        tpu.wait_dma2 semaphore(%run_scoped3A : memref<!tpu.dma_semaphore, #tpu.memory_space<semaphore_mem>>) src(%dma_wait3A_112 : memref<40x128xf32, #tpu.memory_space<vmem_shared>>) dst(%arg7 : memref<40x128xf32, #tpu.memory_space<vmem>>)
        tpu.yield
      }) : () -> ()
      "tpu.region"() ({
        %run_scoped3A = tpu.sem_alloc : memref<!tpu.dma_semaphore, #tpu.memory_space<semaphore_mem>>
        %dma_start3A_105 = arith.constant 0 : i32
        %dma_start3A_106 = arith.constant 0 : i32
        %dma_start3A_107 = tpu.memref_slice %arg4[%arg0, %dma_start3A_105, %dma_start3A_106] : memref<2x10000x128xf32, #tpu.memory_space<hbm>> -> memref<1x10000x128xf32, #tpu.memory_space<hbm>>
        %dma_start3A_108 = tpu.memref_squeeze %dma_start3A_107 : memref<1x10000x128xf32, #tpu.memory_space<hbm>> -> memref<10000x128xf32, #tpu.memory_space<hbm>>
        %dma_start3A_109 = arith.constant 0 : i32
        %dma_start3A_110 = tpu.memref_slice %dma_start3A_108[%multiple_of3A_104, %dma_start3A_109] : memref<10000x128xf32, #tpu.memory_space<hbm>> -> memref<40x128xf32, #tpu.memory_space<hbm>>
        %dma_start3A_111 = arith.constant 0 : i32
        %dma_start3A_112 = arith.constant 0 : i32
        %dma_start3A_113 = tpu.memref_slice %arg4[%arg0, %dma_start3A_111, %dma_start3A_112] : memref<2x10000x128xf32, #tpu.memory_space<hbm>> -> memref<1x10000x128xf32, #tpu.memory_space<hbm>>
        %dma_start3A_114 = tpu.memref_squeeze %dma_start3A_113 : memref<1x10000x128xf32, #tpu.memory_space<hbm>> -> memref<10000x128xf32, #tpu.memory_space<hbm>>
        %dma_start3A_115 = arith.constant 0 : i32
        %dma_start3A_116 = tpu.memref_slice %dma_start3A_114[%multiple_of3A_104, %dma_start3A_115] : memref<10000x128xf32, #tpu.memory_space<hbm>> -> memref<40x128xf32, #tpu.memory_space<hbm>>
        tpu.enqueue_dma source(%arg7 : memref<40x128xf32, #tpu.memory_space<vmem>>) target(%dma_start3A_116 : memref<40x128xf32, #tpu.memory_space<hbm>>) target_semaphore(%run_scoped3A : memref<!tpu.dma_semaphore, #tpu.memory_space<semaphore_mem>>)
        %dma_wait3A_117 = arith.constant 0 : i32
        %dma_wait3A_118 = arith.constant 0 : i32
        %dma_wait3A_119 = tpu.memref_slice %arg4[%arg0, %dma_wait3A_117, %dma_wait3A_118] : memref<2x10000x128xf32, #tpu.memory_space<hbm>> -> memref<1x10000x128xf32, #tpu.memory_space<hbm>>
        %dma_wait3A_120 = tpu.memref_squeeze %dma_wait3A_119 : memref<1x10000x128xf32, #tpu.memory_space<hbm>> -> memref<10000x128xf32, #tpu.memory_space<hbm>>
        %dma_wait3A_121 = arith.constant 0 : i32
        %dma_wait3A_122 = tpu.memref_slice %dma_wait3A_120[%multiple_of3A_104, %dma_wait3A_121] : memref<10000x128xf32, #tpu.memory_space<hbm>> -> memref<40x128xf32, #tpu.memory_space<hbm>>
        %dma_wait3A_123 = arith.constant 0 : i32
        %dma_wait3A_124 = arith.constant 0 : i32
        %dma_wait3A_125 = tpu.memref_slice %arg4[%arg0, %dma_wait3A_123, %dma_wait3A_124] : memref<2x10000x128xf32, #tpu.memory_space<hbm>> -> memref<1x10000x128xf32, #tpu.memory_space<hbm>>
        %dma_wait3A_126 = tpu.memref_squeeze %dma_wait3A_125 : memref<1x10000x128xf32, #tpu.memory_space<hbm>> -> memref<10000x128xf32, #tpu.memory_space<hbm>>
        %dma_wait3A_127 = arith.constant 0 : i32
        %dma_wait3A_128 = tpu.memref_slice %dma_wait3A_126[%multiple_of3A_104, %dma_wait3A_127] : memref<10000x128xf32, #tpu.memory_space<hbm>> -> memref<40x128xf32, #tpu.memory_space<hbm>>
        tpu.wait_dma2 semaphore(%run_scoped3A : memref<!tpu.dma_semaphore, #tpu.memory_space<semaphore_mem>>) src(%arg7 : memref<40x128xf32, #tpu.memory_space<vmem>>) dst(%dma_wait3A_128 : memref<40x128xf32, #tpu.memory_space<hbm>>)
        tpu.yield
      }) : () -> ()
    }
    return
  }
}

module attributes {stable_mosaic.version = 14 : i64} {
  func.func @_mlp_body(%arg0: i32, %arg1: memref<1280x128xi32, #tpu.memory_space<vmem>>, %arg2: memref<1280x128xi32, #tpu.memory_space<vmem>>, %arg3: memref<128x128xf32, #tpu.memory_space<vmem>>, %arg4: memref<1x128xf32, #tpu.memory_space<vmem>>, %arg5: memref<1x128xf32, #tpu.memory_space<vmem>>, %arg6: memref<128x128xf32, #tpu.memory_space<vmem>>, %arg7: memref<1x128xf32, #tpu.memory_space<vmem>>, %arg8: memref<1x128xf32, #tpu.memory_space<vmem>>, %arg9: memref<128x128xf32, #tpu.memory_space<vmem>>, %arg10: memref<1280x128xf32, #tpu.memory_space<vmem>>) attributes {dimension_semantics = [#tpu.dimension_semantics<arbitrary>], iteration_bounds = array<i64: 125>, scalar_prefetch = 0 : i64, scratch_operands = 0 : i64, tpu.core_type = #tpu.core_type<tc>, window_params = [{transform_indices = @transform_0, window_bounds = array<i64: 1280, 128>}, {transform_indices = @transform_1, window_bounds = array<i64: 1280, 128>}, {pipeline_mode = #tpu.pipeline_mode<synchronous>, transform_indices = @transform_2, window_bounds = array<i64: 128, 128>}, {pipeline_mode = #tpu.pipeline_mode<synchronous>, transform_indices = @transform_3, window_bounds = array<i64: 1, 128>}, {pipeline_mode = #tpu.pipeline_mode<synchronous>, transform_indices = @transform_4, window_bounds = array<i64: 1, 128>}, {pipeline_mode = #tpu.pipeline_mode<synchronous>, transform_indices = @transform_5, window_bounds = array<i64: 128, 128>}, {pipeline_mode = #tpu.pipeline_mode<synchronous>, transform_indices = @transform_6, window_bounds = array<i64: 1, 128>}, {pipeline_mode = #tpu.pipeline_mode<synchronous>, transform_indices = @transform_7, window_bounds = array<i64: 1, 128>}, {pipeline_mode = #tpu.pipeline_mode<synchronous>, transform_indices = @transform_8, window_bounds = array<i64: 128, 128>}, {transform_indices = @transform_9, window_bounds = array<i64: 1280, 128>}]} {
    %get3A = arith.constant 0 : index
    %get3A_0 = arith.constant 0 : index
    %get3A_1 = vector.load %arg1[%get3A, %get3A_0] : memref<1280x128xi32, #tpu.memory_space<vmem>>, vector<1280x128xi32>
    %shift_left3A = arith.constant 16 : i32
    %shift_left3A_2 = vector.broadcast %shift_left3A : i32 to vector<1280x128xi32>
    %shift_left3A_3 = arith.shli %get3A_1, %shift_left3A_2 : vector<1280x128xi32>
    %bitcast_convert_type3A = tpu.bitcast %shift_left3A_3 : vector<1280x128xi32> -> vector<1280x128xf32>
    %and3A = arith.constant -65536 : i32
    %and3A_4 = vector.broadcast %and3A : i32 to vector<1280x128xi32>
    %and3A_5 = arith.andi %get3A_1, %and3A_4 : vector<1280x128xi32>
    %bitcast_convert_type3A_6 = tpu.bitcast %and3A_5 : vector<1280x128xi32> -> vector<1280x128xf32>
    %get3A_7 = arith.constant 0 : index
    %get3A_8 = arith.constant 0 : index
    %get3A_9 = vector.load %arg2[%get3A_7, %get3A_8] : memref<1280x128xi32, #tpu.memory_space<vmem>>, vector<1280x128xi32>
    %shift_left3A_10 = arith.constant 16 : i32
    %shift_left3A_11 = vector.broadcast %shift_left3A_10 : i32 to vector<1280x128xi32>
    %shift_left3A_12 = arith.shli %get3A_9, %shift_left3A_11 : vector<1280x128xi32>
    %bitcast_convert_type3A_13 = tpu.bitcast %shift_left3A_12 : vector<1280x128xi32> -> vector<1280x128xf32>
    %and3A_14 = arith.constant -65536 : i32
    %and3A_15 = vector.broadcast %and3A_14 : i32 to vector<1280x128xi32>
    %and3A_16 = arith.andi %get3A_9, %and3A_15 : vector<1280x128xi32>
    %bitcast_convert_type3A_17 = tpu.bitcast %and3A_16 : vector<1280x128xi32> -> vector<1280x128xf32>
    %add3A = arith.addf %bitcast_convert_type3A, %bitcast_convert_type3A_13 : vector<1280x128xf32>
    %add3A_18 = arith.addf %bitcast_convert_type3A_6, %bitcast_convert_type3A_17 : vector<1280x128xf32>
    %max3A = arith.constant 0.000000e+00 : f32
    %max3A_19 = vector.broadcast %max3A : f32 to vector<1280x128xf32>
    %max3A_20 = arith.maximumf %add3A, %max3A_19 : vector<1280x128xf32>
    %get3A_21 = arith.constant 0 : index
    %get3A_22 = arith.constant 0 : index
    %get3A_23 = vector.load %arg3[%get3A_21, %get3A_22] : memref<128x128xf32, #tpu.memory_space<vmem>>, vector<128x128xf32>
    %dot_general3A = arith.constant dense<0.000000e+00> : vector<1280x128xf32>
    %dot_general3A_24 = tpu.matmul %max3A_20, %get3A_23, %dot_general3A {dimension_numbers = #tpu.dot_dimension_numbers<[1], [0], [0], [1], [0, 0, 1, 1], [], []>, transpose_lhs_hint = false} : vector<1280x128xf32>, vector<128x128xf32>, vector<1280x128xf32> -> vector<1280x128xf32>
    %get3A_25 = arith.constant 0 : index
    %get3A_26 = arith.constant 0 : index
    %get3A_27 = vector.load %arg4[%get3A_25, %get3A_26] : memref<1x128xf32, #tpu.memory_space<vmem>>, vector<1x128xf32>
    %get3A_28 = arith.constant 0 : index
    %get3A_29 = arith.constant 0 : index
    %get3A_30 = vector.load %arg5[%get3A_28, %get3A_29] : memref<1x128xf32, #tpu.memory_space<vmem>>, vector<1x128xf32>
    %reduce_sum3A = arith.constant dense<0.000000e+00> : vector<1280xf32>
    %reduce_sum3A_31 = vector.multi_reduction <add>, %dot_general3A_24, %reduce_sum3A [1] : vector<1280x128xf32> to vector<1280xf32>
    %broadcast_in_dim3A = vector.shape_cast %reduce_sum3A_31 : vector<1280xf32> to vector<1280x1xf32>
    %div3A = arith.constant 1.280000e+02 : f32
    %div3A_32 = vector.broadcast %div3A : f32 to vector<1280x1xf32>
    %div3A_33 = arith.divf %broadcast_in_dim3A, %div3A_32 : vector<1280x1xf32>
    %sub3A = vector.broadcast %div3A_33 : vector<1280x1xf32> to vector<1280x128xf32>
    %sub3A_34 = arith.subf %dot_general3A_24, %sub3A : vector<1280x128xf32>
    %mul3A = arith.mulf %sub3A_34, %sub3A_34 : vector<1280x128xf32>
    %reduce_sum3A_35 = arith.constant dense<0.000000e+00> : vector<1280xf32>
    %reduce_sum3A_36 = vector.multi_reduction <add>, %mul3A, %reduce_sum3A_35 [1] : vector<1280x128xf32> to vector<1280xf32>
    %broadcast_in_dim3A_37 = vector.shape_cast %reduce_sum3A_36 : vector<1280xf32> to vector<1280x1xf32>
    %div3A_38 = arith.constant 1.280000e+02 : f32
    %div3A_39 = vector.broadcast %div3A_38 : f32 to vector<1280x1xf32>
    %div3A_40 = arith.divf %broadcast_in_dim3A_37, %div3A_39 : vector<1280x1xf32>
    %add3A_41 = arith.constant 9.99999974E-6 : f32
    %add3A_42 = vector.broadcast %add3A_41 : f32 to vector<1280x1xf32>
    %add3A_43 = arith.addf %div3A_40, %add3A_42 : vector<1280x1xf32>
    %rsqrt3A = math.rsqrt %add3A_43 : vector<1280x1xf32>
    %mul3A_44 = vector.broadcast %rsqrt3A : vector<1280x1xf32> to vector<1280x128xf32>
    %mul3A_45 = arith.mulf %sub3A_34, %mul3A_44 : vector<1280x128xf32>
    %mul3A_46 = vector.broadcast %get3A_27 : vector<1x128xf32> to vector<1280x128xf32>
    %mul3A_47 = arith.mulf %mul3A_45, %mul3A_46 : vector<1280x128xf32>
    %add3A_48 = vector.broadcast %get3A_30 : vector<1x128xf32> to vector<1280x128xf32>
    %add3A_49 = arith.addf %mul3A_47, %add3A_48 : vector<1280x128xf32>
    %max3A_50 = arith.constant 0.000000e+00 : f32
    %max3A_51 = vector.broadcast %max3A_50 : f32 to vector<1280x128xf32>
    %max3A_52 = arith.maximumf %add3A_49, %max3A_51 : vector<1280x128xf32>
    %get3A_53 = arith.constant 0 : index
    %get3A_54 = arith.constant 0 : index
    %get3A_55 = vector.load %arg6[%get3A_53, %get3A_54] : memref<128x128xf32, #tpu.memory_space<vmem>>, vector<128x128xf32>
    %dot_general3A_56 = arith.constant dense<0.000000e+00> : vector<1280x128xf32>
    %dot_general3A_57 = tpu.matmul %max3A_52, %get3A_55, %dot_general3A_56 {dimension_numbers = #tpu.dot_dimension_numbers<[1], [0], [0], [1], [0, 0, 1, 1], [], []>, transpose_lhs_hint = false} : vector<1280x128xf32>, vector<128x128xf32>, vector<1280x128xf32> -> vector<1280x128xf32>
    %add3A_58 = arith.addf %dot_general3A_57, %add3A_18 : vector<1280x128xf32>
    %get3A_59 = arith.constant 0 : index
    %get3A_60 = arith.constant 0 : index
    %get3A_61 = vector.load %arg7[%get3A_59, %get3A_60] : memref<1x128xf32, #tpu.memory_space<vmem>>, vector<1x128xf32>
    %get3A_62 = arith.constant 0 : index
    %get3A_63 = arith.constant 0 : index
    %get3A_64 = vector.load %arg8[%get3A_62, %get3A_63] : memref<1x128xf32, #tpu.memory_space<vmem>>, vector<1x128xf32>
    %reduce_sum3A_65 = arith.constant dense<0.000000e+00> : vector<1280xf32>
    %reduce_sum3A_66 = vector.multi_reduction <add>, %add3A_58, %reduce_sum3A_65 [1] : vector<1280x128xf32> to vector<1280xf32>
    %broadcast_in_dim3A_67 = vector.shape_cast %reduce_sum3A_66 : vector<1280xf32> to vector<1280x1xf32>
    %div3A_68 = arith.constant 1.280000e+02 : f32
    %div3A_69 = vector.broadcast %div3A_68 : f32 to vector<1280x1xf32>
    %div3A_70 = arith.divf %broadcast_in_dim3A_67, %div3A_69 : vector<1280x1xf32>
    %sub3A_71 = vector.broadcast %div3A_70 : vector<1280x1xf32> to vector<1280x128xf32>
    %sub3A_72 = arith.subf %add3A_58, %sub3A_71 : vector<1280x128xf32>
    %mul3A_73 = arith.mulf %sub3A_72, %sub3A_72 : vector<1280x128xf32>
    %reduce_sum3A_74 = arith.constant dense<0.000000e+00> : vector<1280xf32>
    %reduce_sum3A_75 = vector.multi_reduction <add>, %mul3A_73, %reduce_sum3A_74 [1] : vector<1280x128xf32> to vector<1280xf32>
    %broadcast_in_dim3A_76 = vector.shape_cast %reduce_sum3A_75 : vector<1280xf32> to vector<1280x1xf32>
    %div3A_77 = arith.constant 1.280000e+02 : f32
    %div3A_78 = vector.broadcast %div3A_77 : f32 to vector<1280x1xf32>
    %div3A_79 = arith.divf %broadcast_in_dim3A_76, %div3A_78 : vector<1280x1xf32>
    %add3A_80 = arith.constant 9.99999974E-6 : f32
    %add3A_81 = vector.broadcast %add3A_80 : f32 to vector<1280x1xf32>
    %add3A_82 = arith.addf %div3A_79, %add3A_81 : vector<1280x1xf32>
    %rsqrt3A_83 = math.rsqrt %add3A_82 : vector<1280x1xf32>
    %mul3A_84 = vector.broadcast %rsqrt3A_83 : vector<1280x1xf32> to vector<1280x128xf32>
    %mul3A_85 = arith.mulf %sub3A_72, %mul3A_84 : vector<1280x128xf32>
    %mul3A_86 = vector.broadcast %get3A_61 : vector<1x128xf32> to vector<1280x128xf32>
    %mul3A_87 = arith.mulf %mul3A_85, %mul3A_86 : vector<1280x128xf32>
    %add3A_88 = vector.broadcast %get3A_64 : vector<1x128xf32> to vector<1280x128xf32>
    %add3A_89 = arith.addf %mul3A_87, %add3A_88 : vector<1280x128xf32>
    %max3A_90 = arith.constant 0.000000e+00 : f32
    %max3A_91 = vector.broadcast %max3A_90 : f32 to vector<1280x128xf32>
    %max3A_92 = arith.maximumf %add3A_89, %max3A_91 : vector<1280x128xf32>
    %get3A_93 = arith.constant 0 : index
    %get3A_94 = arith.constant 0 : index
    %get3A_95 = vector.load %arg9[%get3A_93, %get3A_94] : memref<128x128xf32, #tpu.memory_space<vmem>>, vector<128x128xf32>
    %dot_general3A_96 = arith.constant dense<0.000000e+00> : vector<1280x128xf32>
    %dot_general3A_97 = tpu.matmul %max3A_92, %get3A_95, %dot_general3A_96 {dimension_numbers = #tpu.dot_dimension_numbers<[1], [0], [0], [1], [0, 0, 1, 1], [], []>, transpose_lhs_hint = false} : vector<1280x128xf32>, vector<128x128xf32>, vector<1280x128xf32> -> vector<1280x128xf32>
    %swap3A = arith.constant 0 : index
    %swap3A_98 = arith.constant 0 : index
    %swap3A_99 = vector.load %arg10[%swap3A, %swap3A_98] : memref<1280x128xf32, #tpu.memory_space<vmem>>, vector<1280x128xf32>
    tpu.vector_store %arg10[%swap3A, %swap3A_98], %dot_general3A_97 {strides = array<i32>} : memref<1280x128xf32, #tpu.memory_space<vmem>>, vector<1280x128xf32>,
    return
  }
  func.func @transform_0(%arg0: i32) -> (i32, i32) {
    %c0_i32 = arith.constant 0 : i32
    %c0_i32_0 = arith.constant 0 : i32
    return %arg0, %c0_i32 : i32, i32
  }
  func.func @transform_1(%arg0: i32) -> (i32, i32) {
    %c0_i32 = arith.constant 0 : i32
    %c0_i32_0 = arith.constant 0 : i32
    return %arg0, %c0_i32 : i32, i32
  }
  func.func @transform_2(%arg0: i32) -> (i32, i32) {
    %c0_i32 = arith.constant 0 : i32
    %c0_i32_0 = arith.constant 0 : i32
    %c0_i32_1 = arith.constant 0 : i32
    return %c0_i32, %c0_i32_0 : i32, i32
  }
  func.func @transform_3(%arg0: i32) -> (i32, i32) {
    %c0_i32 = arith.constant 0 : i32
    %c0_i32_0 = arith.constant 0 : i32
    %c0_i32_1 = arith.constant 0 : i32
    return %c0_i32, %c0_i32_0 : i32, i32
  }
  func.func @transform_4(%arg0: i32) -> (i32, i32) {
    %c0_i32 = arith.constant 0 : i32
    %c0_i32_0 = arith.constant 0 : i32
    %c0_i32_1 = arith.constant 0 : i32
    return %c0_i32, %c0_i32_0 : i32, i32
  }
  func.func @transform_5(%arg0: i32) -> (i32, i32) {
    %c0_i32 = arith.constant 0 : i32
    %c0_i32_0 = arith.constant 0 : i32
    %c0_i32_1 = arith.constant 0 : i32
    return %c0_i32, %c0_i32_0 : i32, i32
  }
  func.func @transform_6(%arg0: i32) -> (i32, i32) {
    %c0_i32 = arith.constant 0 : i32
    %c0_i32_0 = arith.constant 0 : i32
    %c0_i32_1 = arith.constant 0 : i32
    return %c0_i32, %c0_i32_0 : i32, i32
  }
  func.func @transform_7(%arg0: i32) -> (i32, i32) {
    %c0_i32 = arith.constant 0 : i32
    %c0_i32_0 = arith.constant 0 : i32
    %c0_i32_1 = arith.constant 0 : i32
    return %c0_i32, %c0_i32_0 : i32, i32
  }
  func.func @transform_8(%arg0: i32) -> (i32, i32) {
    %c0_i32 = arith.constant 0 : i32
    %c0_i32_0 = arith.constant 0 : i32
    %c0_i32_1 = arith.constant 0 : i32
    return %c0_i32, %c0_i32_0 : i32, i32
  }
  func.func @transform_9(%arg0: i32) -> (i32, i32) {
    %c0_i32 = arith.constant 0 : i32
    %c0_i32_0 = arith.constant 0 : i32
    return %arg0, %c0_i32 : i32, i32
  }
}

module attributes {stable_mosaic.version = 14 : i64} {
  func.func @_pre_body(%arg0: i32, %arg1: memref<1000x128xf32, #tpu.memory_space<vmem>>, %arg2: memref<1000x128xf32, #tpu.memory_space<vmem>>, %arg3: memref<1000x2xf32, #tpu.memory_space<vmem>>, %arg4: memref<1000x2xf32, #tpu.memory_space<vmem>>, %arg5: memref<2x128xf32, #tpu.memory_space<vmem>>, %arg6: memref<1x128xf32, #tpu.memory_space<vmem>>, %arg7: memref<128x128xf32, #tpu.memory_space<vmem>>, %arg8: memref<1x128xf32, #tpu.memory_space<vmem>>, %arg9: memref<1x128xf32, #tpu.memory_space<vmem>>, %arg10: memref<128x128xf32, #tpu.memory_space<vmem>>, %arg11: memref<128x128xf32, #tpu.memory_space<vmem>>, %arg12: memref<128x128xf32, #tpu.memory_space<vmem>>, %arg13: memref<1000x128xi32, #tpu.memory_space<vmem>>, %arg14: memref<1000x128xi32, #tpu.memory_space<vmem>>, %arg15: memref<1000x128xf32, #tpu.memory_space<vmem>>) attributes {dimension_semantics = [#tpu.dimension_semantics<arbitrary>], iteration_bounds = array<i64: 10>, scalar_prefetch = 0 : i64, scratch_operands = 0 : i64, tpu.core_type = #tpu.core_type<tc>, window_params = [{transform_indices = @transform_0, window_bounds = array<i64: 1000, 128>}, {transform_indices = @transform_1, window_bounds = array<i64: 1000, 128>}, {transform_indices = @transform_2, window_bounds = array<i64: 1000, 2>}, {transform_indices = @transform_3, window_bounds = array<i64: 1000, 2>}, {pipeline_mode = #tpu.pipeline_mode<synchronous>, transform_indices = @transform_4, window_bounds = array<i64: 2, 128>}, {pipeline_mode = #tpu.pipeline_mode<synchronous>, transform_indices = @transform_5, window_bounds = array<i64: 1, 128>}, {pipeline_mode = #tpu.pipeline_mode<synchronous>, transform_indices = @transform_6, window_bounds = array<i64: 128, 128>}, {pipeline_mode = #tpu.pipeline_mode<synchronous>, transform_indices = @transform_7, window_bounds = array<i64: 1, 128>}, {pipeline_mode = #tpu.pipeline_mode<synchronous>, transform_indices = @transform_8, window_bounds = array<i64: 1, 128>}, {pipeline_mode = #tpu.pipeline_mode<synchronous>, transform_indices = @transform_9, window_bounds = array<i64: 128, 128>}, {pipeline_mode = #tpu.pipeline_mode<synchronous>, transform_indices = @transform_10, window_bounds = array<i64: 128, 128>}, {pipeline_mode = #tpu.pipeline_mode<synchronous>, transform_indices = @transform_11, window_bounds = array<i64: 128, 128>}, {transform_indices = @transform_12, window_bounds = array<i64: 1000, 128>}, {transform_indices = @transform_13, window_bounds = array<i64: 1000, 128>}, {transform_indices = @transform_14, window_bounds = array<i64: 1000, 128>}]} {
    %get3A = arith.constant 0 : index
    %get3A_0 = arith.constant 0 : index
    %get3A_1 = vector.load %arg3[%get3A, %get3A_0] : memref<1000x2xf32, #tpu.memory_space<vmem>>, vector<1000x1xf32>
    %get3A_2 = arith.constant 0 : index
    %get3A_3 = arith.constant 0 : index
    %get3A_4 = vector.load %arg5[%get3A_2, %get3A_3] : memref<2x128xf32, #tpu.memory_space<vmem>>, vector<1x128xf32>
    %mul3A = vector.broadcast %get3A_1 : vector<1000x1xf32> to vector<1000x128xf32>
    %mul3A_5 = vector.broadcast %get3A_4 : vector<1x128xf32> to vector<1000x128xf32>
    %mul3A_6 = arith.mulf %mul3A, %mul3A_5 : vector<1000x128xf32>
    %get3A_7 = arith.constant 0 : index
    %get3A_8 = arith.constant 1 : index
    %get3A_9 = vector.load %arg3[%get3A_7, %get3A_8] : memref<1000x2xf32, #tpu.memory_space<vmem>>, vector<1000x1xf32>
    %get3A_10 = arith.constant 1 : index
    %get3A_11 = arith.constant 0 : index
    %get3A_12 = vector.load %arg5[%get3A_10, %get3A_11] : memref<2x128xf32, #tpu.memory_space<vmem>>, vector<1x128xf32>
    %mul3A_13 = vector.broadcast %get3A_9 : vector<1000x1xf32> to vector<1000x128xf32>
    %mul3A_14 = vector.broadcast %get3A_12 : vector<1x128xf32> to vector<1000x128xf32>
    %mul3A_15 = arith.mulf %mul3A_13, %mul3A_14 : vector<1000x128xf32>
    %add3A = arith.addf %mul3A_6, %mul3A_15 : vector<1000x128xf32>
    %get3A_16 = arith.constant 0 : index
    %get3A_17 = arith.constant 0 : index
    %get3A_18 = vector.load %arg6[%get3A_16, %get3A_17] : memref<1x128xf32, #tpu.memory_space<vmem>>, vector<1x128xf32>
    %add3A_19 = vector.broadcast %get3A_18 : vector<1x128xf32> to vector<1000x128xf32>
    %add3A_20 = arith.addf %add3A, %add3A_19 : vector<1000x128xf32>
    %get3A_21 = arith.constant 0 : index
    %get3A_22 = arith.constant 0 : index
    %get3A_23 = vector.load %arg1[%get3A_21, %get3A_22] : memref<1000x128xf32, #tpu.memory_space<vmem>>, vector<1000x128xf32>
    %get3A_24 = arith.constant 0 : index
    %get3A_25 = arith.constant 0 : index
    %get3A_26 = vector.load %arg7[%get3A_24, %get3A_25] : memref<128x128xf32, #tpu.memory_space<vmem>>, vector<128x128xf32>
    %dot_general3A = arith.constant dense<0.000000e+00> : vector<1000x128xf32>
    %dot_general3A_27 = tpu.matmul %get3A_23, %get3A_26, %dot_general3A {dimension_numbers = #tpu.dot_dimension_numbers<[1], [0], [0], [1], [0, 0, 1, 1], [], []>, transpose_lhs_hint = false} : vector<1000x128xf32>, vector<128x128xf32>, vector<1000x128xf32> -> vector<1000x128xf32>
    %get3A_28 = arith.constant 0 : index
    %get3A_29 = arith.constant 0 : index
    %get3A_30 = vector.load %arg8[%get3A_28, %get3A_29] : memref<1x128xf32, #tpu.memory_space<vmem>>, vector<1x128xf32>
    %get3A_31 = arith.constant 0 : index
    %get3A_32 = arith.constant 0 : index
    %get3A_33 = vector.load %arg9[%get3A_31, %get3A_32] : memref<1x128xf32, #tpu.memory_space<vmem>>, vector<1x128xf32>
    %reduce_sum3A = arith.constant dense<0.000000e+00> : vector<1000xf32>
    %reduce_sum3A_34 = vector.multi_reduction <add>, %dot_general3A_27, %reduce_sum3A [1] : vector<1000x128xf32> to vector<1000xf32>
    %broadcast_in_dim3A = vector.shape_cast %reduce_sum3A_34 : vector<1000xf32> to vector<1000x1xf32>
    %div3A = arith.constant 1.280000e+02 : f32
    %div3A_35 = vector.broadcast %div3A : f32 to vector<1000x1xf32>
    %div3A_36 = arith.divf %broadcast_in_dim3A, %div3A_35 : vector<1000x1xf32>
    %sub3A = vector.broadcast %div3A_36 : vector<1000x1xf32> to vector<1000x128xf32>
    %sub3A_37 = arith.subf %dot_general3A_27, %sub3A : vector<1000x128xf32>
    %mul3A_38 = arith.mulf %sub3A_37, %sub3A_37 : vector<1000x128xf32>
    %reduce_sum3A_39 = arith.constant dense<0.000000e+00> : vector<1000xf32>
    %reduce_sum3A_40 = vector.multi_reduction <add>, %mul3A_38, %reduce_sum3A_39 [1] : vector<1000x128xf32> to vector<1000xf32>
    %broadcast_in_dim3A_41 = vector.shape_cast %reduce_sum3A_40 : vector<1000xf32> to vector<1000x1xf32>
    %div3A_42 = arith.constant 1.280000e+02 : f32
    %div3A_43 = vector.broadcast %div3A_42 : f32 to vector<1000x1xf32>
    %div3A_44 = arith.divf %broadcast_in_dim3A_41, %div3A_43 : vector<1000x1xf32>
    %add3A_45 = arith.constant 9.99999974E-6 : f32
    %add3A_46 = vector.broadcast %add3A_45 : f32 to vector<1000x1xf32>
    %add3A_47 = arith.addf %div3A_44, %add3A_46 : vector<1000x1xf32>
    %rsqrt3A = math.rsqrt %add3A_47 : vector<1000x1xf32>
    %mul3A_48 = vector.broadcast %rsqrt3A : vector<1000x1xf32> to vector<1000x128xf32>
    %mul3A_49 = arith.mulf %sub3A_37, %mul3A_48 : vector<1000x128xf32>
    %mul3A_50 = vector.broadcast %get3A_30 : vector<1x128xf32> to vector<1000x128xf32>
    %mul3A_51 = arith.mulf %mul3A_49, %mul3A_50 : vector<1000x128xf32>
    %add3A_52 = vector.broadcast %get3A_33 : vector<1x128xf32> to vector<1000x128xf32>
    %add3A_53 = arith.addf %mul3A_51, %add3A_52 : vector<1000x128xf32>
    %max3A = arith.constant 0.000000e+00 : f32
    %max3A_54 = vector.broadcast %max3A : f32 to vector<1000x128xf32>
    %max3A_55 = arith.maximumf %add3A_53, %max3A_54 : vector<1000x128xf32>
    %get3A_56 = arith.constant 0 : index
    %get3A_57 = arith.constant 0 : index
    %get3A_58 = vector.load %arg10[%get3A_56, %get3A_57] : memref<128x128xf32, #tpu.memory_space<vmem>>, vector<128x128xf32>
    %dot_general3A_59 = arith.constant dense<0.000000e+00> : vector<1000x128xf32>
    %dot_general3A_60 = tpu.matmul %max3A_55, %get3A_58, %dot_general3A_59 {dimension_numbers = #tpu.dot_dimension_numbers<[1], [0], [0], [1], [0, 0, 1, 1], [], []>, transpose_lhs_hint = false} : vector<1000x128xf32>, vector<128x128xf32>, vector<1000x128xf32> -> vector<1000x128xf32>
    %convert_element_type3A = arith.truncf %add3A_20 : vector<1000x128xf32> to vector<1000x128xbf16>
    %bitcast_convert_type3A = tpu.bitcast %convert_element_type3A : vector<1000x128xbf16> -> vector<1000x128xi16>
    %convert_element_type3A_61 = arith.truncf %dot_general3A_60 : vector<1000x128xf32> to vector<1000x128xbf16>
    %bitcast_convert_type3A_62 = tpu.bitcast %convert_element_type3A_61 : vector<1000x128xbf16> -> vector<1000x128xi16>
    %convert_element_type3A_63 = arith.extsi %bitcast_convert_type3A : vector<1000x128xi16> to vector<1000x128xi32>
    %and3A = arith.constant 65535 : i32
    %and3A_64 = vector.broadcast %and3A : i32 to vector<1000x128xi32>
    %and3A_65 = arith.andi %convert_element_type3A_63, %and3A_64 : vector<1000x128xi32>
    %convert_element_type3A_66 = arith.extsi %bitcast_convert_type3A_62 : vector<1000x128xi16> to vector<1000x128xi32>
    %shift_left3A = arith.constant 16 : i32
    %shift_left3A_67 = vector.broadcast %shift_left3A : i32 to vector<1000x128xi32>
    %shift_left3A_68 = arith.shli %convert_element_type3A_66, %shift_left3A_67 : vector<1000x128xi32>
    %or3A = arith.ori %shift_left3A_68, %and3A_65 : vector<1000x128xi32>
    %swap3A = arith.constant 0 : index
    %swap3A_69 = arith.constant 0 : index
    %swap3A_70 = vector.load %arg13[%swap3A, %swap3A_69] : memref<1000x128xi32, #tpu.memory_space<vmem>>, vector<1000x128xi32>
    tpu.vector_store %arg13[%swap3A, %swap3A_69], %or3A {strides = array<i32>} : memref<1000x128xi32, #tpu.memory_space<vmem>>, vector<1000x128xi32>,
    %get3A_71 = arith.constant 0 : index
    %get3A_72 = arith.constant 0 : index
    %get3A_73 = vector.load %arg4[%get3A_71, %get3A_72] : memref<1000x2xf32, #tpu.memory_space<vmem>>, vector<1000x1xf32>
    %get3A_74 = arith.constant 0 : index
    %get3A_75 = arith.constant 0 : index
    %get3A_76 = vector.load %arg5[%get3A_74, %get3A_75] : memref<2x128xf32, #tpu.memory_space<vmem>>, vector<1x128xf32>
    %mul3A_77 = vector.broadcast %get3A_73 : vector<1000x1xf32> to vector<1000x128xf32>
    %mul3A_78 = vector.broadcast %get3A_76 : vector<1x128xf32> to vector<1000x128xf32>
    %mul3A_79 = arith.mulf %mul3A_77, %mul3A_78 : vector<1000x128xf32>
    %get3A_80 = arith.constant 0 : index
    %get3A_81 = arith.constant 1 : index
    %get3A_82 = vector.load %arg4[%get3A_80, %get3A_81] : memref<1000x2xf32, #tpu.memory_space<vmem>>, vector<1000x1xf32>
    %get3A_83 = arith.constant 1 : index
    %get3A_84 = arith.constant 0 : index
    %get3A_85 = vector.load %arg5[%get3A_83, %get3A_84] : memref<2x128xf32, #tpu.memory_space<vmem>>, vector<1x128xf32>
    %mul3A_86 = vector.broadcast %get3A_82 : vector<1000x1xf32> to vector<1000x128xf32>
    %mul3A_87 = vector.broadcast %get3A_85 : vector<1x128xf32> to vector<1000x128xf32>
    %mul3A_88 = arith.mulf %mul3A_86, %mul3A_87 : vector<1000x128xf32>
    %add3A_89 = arith.addf %mul3A_79, %mul3A_88 : vector<1000x128xf32>
    %neg3A = arith.constant 0.000000e+00 : f32
    %neg3A_90 = vector.broadcast %neg3A : f32 to vector<1000x128xf32>
    %neg3A_91 = arith.subf %neg3A_90, %add3A_89 : vector<1000x128xf32>
    %get3A_92 = arith.constant 0 : index
    %get3A_93 = arith.constant 0 : index
    %get3A_94 = vector.load %arg2[%get3A_92, %get3A_93] : memref<1000x128xf32, #tpu.memory_space<vmem>>, vector<1000x128xf32>
    %get3A_95 = arith.constant 0 : index
    %get3A_96 = arith.constant 0 : index
    %get3A_97 = vector.load %arg11[%get3A_95, %get3A_96] : memref<128x128xf32, #tpu.memory_space<vmem>>, vector<128x128xf32>
    %dot_general3A_98 = arith.constant dense<0.000000e+00> : vector<1000x128xf32>
    %dot_general3A_99 = tpu.matmul %get3A_94, %get3A_97, %dot_general3A_98 {dimension_numbers = #tpu.dot_dimension_numbers<[1], [0], [0], [1], [0, 0, 1, 1], [], []>, transpose_lhs_hint = false} : vector<1000x128xf32>, vector<128x128xf32>, vector<1000x128xf32> -> vector<1000x128xf32>
    %convert_element_type3A_100 = arith.truncf %neg3A_91 : vector<1000x128xf32> to vector<1000x128xbf16>
    %bitcast_convert_type3A_101 = tpu.bitcast %convert_element_type3A_100 : vector<1000x128xbf16> -> vector<1000x128xi16>
    %convert_element_type3A_102 = arith.truncf %dot_general3A_99 : vector<1000x128xf32> to vector<1000x128xbf16>
    %bitcast_convert_type3A_103 = tpu.bitcast %convert_element_type3A_102 : vector<1000x128xbf16> -> vector<1000x128xi16>
    %convert_element_type3A_104 = arith.extsi %bitcast_convert_type3A_101 : vector<1000x128xi16> to vector<1000x128xi32>
    %and3A_105 = arith.constant 65535 : i32
    %and3A_106 = vector.broadcast %and3A_105 : i32 to vector<1000x128xi32>
    %and3A_107 = arith.andi %convert_element_type3A_104, %and3A_106 : vector<1000x128xi32>
    %convert_element_type3A_108 = arith.extsi %bitcast_convert_type3A_103 : vector<1000x128xi16> to vector<1000x128xi32>
    %shift_left3A_109 = arith.constant 16 : i32
    %shift_left3A_110 = vector.broadcast %shift_left3A_109 : i32 to vector<1000x128xi32>
    %shift_left3A_111 = arith.shli %convert_element_type3A_108, %shift_left3A_110 : vector<1000x128xi32>
    %or3A_112 = arith.ori %shift_left3A_111, %and3A_107 : vector<1000x128xi32>
    %swap3A_113 = arith.constant 0 : index
    %swap3A_114 = arith.constant 0 : index
    %swap3A_115 = vector.load %arg14[%swap3A_113, %swap3A_114] : memref<1000x128xi32, #tpu.memory_space<vmem>>, vector<1000x128xi32>
    tpu.vector_store %arg14[%swap3A_113, %swap3A_114], %or3A_112 {strides = array<i32>} : memref<1000x128xi32, #tpu.memory_space<vmem>>, vector<1000x128xi32>,
    %get3A_116 = arith.constant 0 : index
    %get3A_117 = arith.constant 0 : index
    %get3A_118 = vector.load %arg1[%get3A_116, %get3A_117] : memref<1000x128xf32, #tpu.memory_space<vmem>>, vector<1000x128xf32>
    %get3A_119 = arith.constant 0 : index
    %get3A_120 = arith.constant 0 : index
    %get3A_121 = vector.load %arg12[%get3A_119, %get3A_120] : memref<128x128xf32, #tpu.memory_space<vmem>>, vector<128x128xf32>
    %dot_general3A_122 = arith.constant dense<0.000000e+00> : vector<1000x128xf32>
    %dot_general3A_123 = tpu.matmul %get3A_118, %get3A_121, %dot_general3A_122 {dimension_numbers = #tpu.dot_dimension_numbers<[1], [0], [0], [1], [0, 0, 1, 1], [], []>, transpose_lhs_hint = false} : vector<1000x128xf32>, vector<128x128xf32>, vector<1000x128xf32> -> vector<1000x128xf32>
    %swap3A_124 = arith.constant 0 : index
    %swap3A_125 = arith.constant 0 : index
    %swap3A_126 = vector.load %arg15[%swap3A_124, %swap3A_125] : memref<1000x128xf32, #tpu.memory_space<vmem>>, vector<1000x128xf32>
    tpu.vector_store %arg15[%swap3A_124, %swap3A_125], %dot_general3A_123 {strides = array<i32>} : memref<1000x128xf32, #tpu.memory_space<vmem>>, vector<1000x128xf32>,
    return
  }
  func.func @transform_0(%arg0: i32) -> (i32, i32) {
    %c0_i32 = arith.constant 0 : i32
    %c0_i32_0 = arith.constant 0 : i32
    return %arg0, %c0_i32 : i32, i32
  }
  func.func @transform_1(%arg0: i32) -> (i32, i32) {
    %c0_i32 = arith.constant 0 : i32
    %c0_i32_0 = arith.constant 0 : i32
    return %arg0, %c0_i32 : i32, i32
  }
  func.func @transform_2(%arg0: i32) -> (i32, i32) {
    %c0_i32 = arith.constant 0 : i32
    %c0_i32_0 = arith.constant 0 : i32
    return %arg0, %c0_i32 : i32, i32
  }
  func.func @transform_3(%arg0: i32) -> (i32, i32) {
    %c0_i32 = arith.constant 0 : i32
    %c0_i32_0 = arith.constant 0 : i32
    return %arg0, %c0_i32 : i32, i32
  }
  func.func @transform_4(%arg0: i32) -> (i32, i32) {
    %c0_i32 = arith.constant 0 : i32
    %c0_i32_0 = arith.constant 0 : i32
    %c0_i32_1 = arith.constant 0 : i32
    return %c0_i32, %c0_i32_0 : i32, i32
  }
  func.func @transform_5(%arg0: i32) -> (i32, i32) {
    %c0_i32 = arith.constant 0 : i32
    %c0_i32_0 = arith.constant 0 : i32
    %c0_i32_1 = arith.constant 0 : i32
    return %c0_i32, %c0_i32_0 : i32, i32
  }
  func.func @transform_6(%arg0: i32) -> (i32, i32) {
    %c0_i32 = arith.constant 0 : i32
    %c0_i32_0 = arith.constant 0 : i32
    %c0_i32_1 = arith.constant 0 : i32
    return %c0_i32, %c0_i32_0 : i32, i32
  }
  func.func @transform_7(%arg0: i32) -> (i32, i32) {
    %c0_i32 = arith.constant 0 : i32
    %c0_i32_0 = arith.constant 0 : i32
    %c0_i32_1 = arith.constant 0 : i32
    return %c0_i32, %c0_i32_0 : i32, i32
  }
  func.func @transform_8(%arg0: i32) -> (i32, i32) {
    %c0_i32 = arith.constant 0 : i32
    %c0_i32_0 = arith.constant 0 : i32
    %c0_i32_1 = arith.constant 0 : i32
    return %c0_i32, %c0_i32_0 : i32, i32
  }
  func.func @transform_9(%arg0: i32) -> (i32, i32) {
    %c0_i32 = arith.constant 0 : i32
    %c0_i32_0 = arith.constant 0 : i32
    %c0_i32_1 = arith.constant 0 : i32
    return %c0_i32, %c0_i32_0 : i32, i32
  }
  func.func @transform_10(%arg0: i32) -> (i32, i32) {
    %c0_i32 = arith.constant 0 : i32
    %c0_i32_0 = arith.constant 0 : i32
    %c0_i32_1 = arith.constant 0 : i32
    return %c0_i32, %c0_i32_0 : i32, i32
  }
  func.func @transform_11(%arg0: i32) -> (i32, i32) {
    %c0_i32 = arith.constant 0 : i32
    %c0_i32_0 = arith.constant 0 : i32
    %c0_i32_1 = arith.constant 0 : i32
    return %c0_i32, %c0_i32_0 : i32, i32
  }
  func.func @transform_12(%arg0: i32) -> (i32, i32) {
    %c0_i32 = arith.constant 0 : i32
    %c0_i32_0 = arith.constant 0 : i32
    return %arg0, %c0_i32 : i32, i32
  }
  func.func @transform_13(%arg0: i32) -> (i32, i32) {
    %c0_i32 = arith.constant 0 : i32
    %c0_i32_0 = arith.constant 0 : i32
    return %arg0, %c0_i32 : i32, i32
  }
  func.func @transform_14(%arg0: i32) -> (i32, i32) {
    %c0_i32 = arith.constant 0 : i32
    %c0_i32_0 = arith.constant 0 : i32
    return %arg0, %c0_i32 : i32, i32
  }
}

module attributes {stable_mosaic.version = 14 : i64} {
  func.func @_post_body(%arg0: i32, %arg1: memref<1000x128xf32, #tpu.memory_space<vmem>>, %arg2: memref<4x1000x128xf32, #tpu.memory_space<vmem>>, %arg3: memref<1000x128xf32, #tpu.memory_space<vmem>>, %arg4: memref<1x128xf32, #tpu.memory_space<vmem>>, %arg5: memref<1x128xf32, #tpu.memory_space<vmem>>, %arg6: memref<128x128xf32, #tpu.memory_space<vmem>>, %arg7: memref<1x128xf32, #tpu.memory_space<vmem>>, %arg8: memref<1x128xf32, #tpu.memory_space<vmem>>, %arg9: memref<1000x128xf32, #tpu.memory_space<vmem>>) attributes {dimension_semantics = [#tpu.dimension_semantics<arbitrary>], iteration_bounds = array<i64: 10>, scalar_prefetch = 0 : i64, scratch_operands = 0 : i64, tpu.core_type = #tpu.core_type<tc>, window_params = [{transform_indices = @transform_0, window_bounds = array<i64: 1000, 128>}, {transform_indices = @transform_1, window_bounds = array<i64: 4, 1000, 128>}, {transform_indices = @transform_2, window_bounds = array<i64: 1000, 128>}, {pipeline_mode = #tpu.pipeline_mode<synchronous>, transform_indices = @transform_3, window_bounds = array<i64: 1, 128>}, {pipeline_mode = #tpu.pipeline_mode<synchronous>, transform_indices = @transform_4, window_bounds = array<i64: 1, 128>}, {pipeline_mode = #tpu.pipeline_mode<synchronous>, transform_indices = @transform_5, window_bounds = array<i64: 128, 128>}, {pipeline_mode = #tpu.pipeline_mode<synchronous>, transform_indices = @transform_6, window_bounds = array<i64: 1, 128>}, {pipeline_mode = #tpu.pipeline_mode<synchronous>, transform_indices = @transform_7, window_bounds = array<i64: 1, 128>}, {transform_indices = @transform_8, window_bounds = array<i64: 1000, 128>}]} {
    %get3A = arith.constant 0 : index
    %get3A_0 = arith.constant 0 : index
    %get3A_1 = vector.load %arg1[%get3A, %get3A_0] : memref<1000x128xf32, #tpu.memory_space<vmem>>, vector<1000x128xf32>
    %get3A_2 = arith.constant 0 : index
    %get3A_3 = arith.constant 0 : index
    %get3A_4 = arith.constant 0 : index
    %get3A_5 = vector.load %arg2[%get3A_2, %get3A_3, %get3A_4] : memref<4x1000x128xf32, #tpu.memory_space<vmem>>, vector<1x1000x128xf32>
    %get3A_6 = vector.shape_cast %get3A_5 : vector<1x1000x128xf32> to vector<1000x128xf32>
    %add3A = arith.addf %get3A_1, %get3A_6 : vector<1000x128xf32>
    %get3A_7 = arith.constant 1 : index
    %get3A_8 = arith.constant 0 : index
    %get3A_9 = arith.constant 0 : index
    %get3A_10 = vector.load %arg2[%get3A_7, %get3A_8, %get3A_9] : memref<4x1000x128xf32, #tpu.memory_space<vmem>>, vector<1x1000x128xf32>
    %get3A_11 = vector.shape_cast %get3A_10 : vector<1x1000x128xf32> to vector<1000x128xf32>
    %add3A_12 = arith.addf %add3A, %get3A_11 : vector<1000x128xf32>
    %get3A_13 = arith.constant 2 : index
    %get3A_14 = arith.constant 0 : index
    %get3A_15 = arith.constant 0 : index
    %get3A_16 = vector.load %arg2[%get3A_13, %get3A_14, %get3A_15] : memref<4x1000x128xf32, #tpu.memory_space<vmem>>, vector<1x1000x128xf32>
    %get3A_17 = vector.shape_cast %get3A_16 : vector<1x1000x128xf32> to vector<1000x128xf32>
    %add3A_18 = arith.addf %add3A_12, %get3A_17 : vector<1000x128xf32>
    %get3A_19 = arith.constant 3 : index
    %get3A_20 = arith.constant 0 : index
    %get3A_21 = arith.constant 0 : index
    %get3A_22 = vector.load %arg2[%get3A_19, %get3A_20, %get3A_21] : memref<4x1000x128xf32, #tpu.memory_space<vmem>>, vector<1x1000x128xf32>
    %get3A_23 = vector.shape_cast %get3A_22 : vector<1x1000x128xf32> to vector<1000x128xf32>
    %add3A_24 = arith.addf %add3A_18, %get3A_23 : vector<1000x128xf32>
    %get3A_25 = arith.constant 0 : index
    %get3A_26 = arith.constant 0 : index
    %get3A_27 = vector.load %arg4[%get3A_25, %get3A_26] : memref<1x128xf32, #tpu.memory_space<vmem>>, vector<1x128xf32>
    %get3A_28 = arith.constant 0 : index
    %get3A_29 = arith.constant 0 : index
    %get3A_30 = vector.load %arg5[%get3A_28, %get3A_29] : memref<1x128xf32, #tpu.memory_space<vmem>>, vector<1x128xf32>
    %reduce_sum3A = arith.constant dense<0.000000e+00> : vector<1000xf32>
    %reduce_sum3A_31 = vector.multi_reduction <add>, %add3A_24, %reduce_sum3A [1] : vector<1000x128xf32> to vector<1000xf32>
    %broadcast_in_dim3A = vector.shape_cast %reduce_sum3A_31 : vector<1000xf32> to vector<1000x1xf32>
    %div3A = arith.constant 1.280000e+02 : f32
    %div3A_32 = vector.broadcast %div3A : f32 to vector<1000x1xf32>
    %div3A_33 = arith.divf %broadcast_in_dim3A, %div3A_32 : vector<1000x1xf32>
    %sub3A = vector.broadcast %div3A_33 : vector<1000x1xf32> to vector<1000x128xf32>
    %sub3A_34 = arith.subf %add3A_24, %sub3A : vector<1000x128xf32>
    %mul3A = arith.mulf %sub3A_34, %sub3A_34 : vector<1000x128xf32>
    %reduce_sum3A_35 = arith.constant dense<0.000000e+00> : vector<1000xf32>
    %reduce_sum3A_36 = vector.multi_reduction <add>, %mul3A, %reduce_sum3A_35 [1] : vector<1000x128xf32> to vector<1000xf32>
    %broadcast_in_dim3A_37 = vector.shape_cast %reduce_sum3A_36 : vector<1000xf32> to vector<1000x1xf32>
    %div3A_38 = arith.constant 1.280000e+02 : f32
    %div3A_39 = vector.broadcast %div3A_38 : f32 to vector<1000x1xf32>
    %div3A_40 = arith.divf %broadcast_in_dim3A_37, %div3A_39 : vector<1000x1xf32>
    %add3A_41 = arith.constant 9.99999974E-6 : f32
    %add3A_42 = vector.broadcast %add3A_41 : f32 to vector<1000x1xf32>
    %add3A_43 = arith.addf %div3A_40, %add3A_42 : vector<1000x1xf32>
    %rsqrt3A = math.rsqrt %add3A_43 : vector<1000x1xf32>
    %mul3A_44 = vector.broadcast %rsqrt3A : vector<1000x1xf32> to vector<1000x128xf32>
    %mul3A_45 = arith.mulf %sub3A_34, %mul3A_44 : vector<1000x128xf32>
    %mul3A_46 = vector.broadcast %get3A_27 : vector<1x128xf32> to vector<1000x128xf32>
    %mul3A_47 = arith.mulf %mul3A_45, %mul3A_46 : vector<1000x128xf32>
    %add3A_48 = vector.broadcast %get3A_30 : vector<1x128xf32> to vector<1000x128xf32>
    %add3A_49 = arith.addf %mul3A_47, %add3A_48 : vector<1000x128xf32>
    %max3A = arith.constant 0.000000e+00 : f32
    %max3A_50 = vector.broadcast %max3A : f32 to vector<1000x128xf32>
    %max3A_51 = arith.maximumf %add3A_49, %max3A_50 : vector<1000x128xf32>
    %get3A_52 = arith.constant 0 : index
    %get3A_53 = arith.constant 0 : index
    %get3A_54 = vector.load %arg6[%get3A_52, %get3A_53] : memref<128x128xf32, #tpu.memory_space<vmem>>, vector<128x128xf32>
    %dot_general3A = arith.constant dense<0.000000e+00> : vector<1000x128xf32>
    %dot_general3A_55 = tpu.matmul %max3A_51, %get3A_54, %dot_general3A {dimension_numbers = #tpu.dot_dimension_numbers<[1], [0], [0], [1], [0, 0, 1, 1], [], []>, transpose_lhs_hint = false} : vector<1000x128xf32>, vector<128x128xf32>, vector<1000x128xf32> -> vector<1000x128xf32>
    %get3A_56 = arith.constant 0 : index
    %get3A_57 = arith.constant 0 : index
    %get3A_58 = vector.load %arg7[%get3A_56, %get3A_57] : memref<1x128xf32, #tpu.memory_space<vmem>>, vector<1x128xf32>
    %get3A_59 = arith.constant 0 : index
    %get3A_60 = arith.constant 0 : index
    %get3A_61 = vector.load %arg8[%get3A_59, %get3A_60] : memref<1x128xf32, #tpu.memory_space<vmem>>, vector<1x128xf32>
    %reduce_sum3A_62 = arith.constant dense<0.000000e+00> : vector<1000xf32>
    %reduce_sum3A_63 = vector.multi_reduction <add>, %dot_general3A_55, %reduce_sum3A_62 [1] : vector<1000x128xf32> to vector<1000xf32>
    %broadcast_in_dim3A_64 = vector.shape_cast %reduce_sum3A_63 : vector<1000xf32> to vector<1000x1xf32>
    %div3A_65 = arith.constant 1.280000e+02 : f32
    %div3A_66 = vector.broadcast %div3A_65 : f32 to vector<1000x1xf32>
    %div3A_67 = arith.divf %broadcast_in_dim3A_64, %div3A_66 : vector<1000x1xf32>
    %sub3A_68 = vector.broadcast %div3A_67 : vector<1000x1xf32> to vector<1000x128xf32>
    %sub3A_69 = arith.subf %dot_general3A_55, %sub3A_68 : vector<1000x128xf32>
    %mul3A_70 = arith.mulf %sub3A_69, %sub3A_69 : vector<1000x128xf32>
    %reduce_sum3A_71 = arith.constant dense<0.000000e+00> : vector<1000xf32>
    %reduce_sum3A_72 = vector.multi_reduction <add>, %mul3A_70, %reduce_sum3A_71 [1] : vector<1000x128xf32> to vector<1000xf32>
    %broadcast_in_dim3A_73 = vector.shape_cast %reduce_sum3A_72 : vector<1000xf32> to vector<1000x1xf32>
    %div3A_74 = arith.constant 1.280000e+02 : f32
    %div3A_75 = vector.broadcast %div3A_74 : f32 to vector<1000x1xf32>
    %div3A_76 = arith.divf %broadcast_in_dim3A_73, %div3A_75 : vector<1000x1xf32>
    %add3A_77 = arith.constant 9.99999974E-6 : f32
    %add3A_78 = vector.broadcast %add3A_77 : f32 to vector<1000x1xf32>
    %add3A_79 = arith.addf %div3A_76, %add3A_78 : vector<1000x1xf32>
    %rsqrt3A_80 = math.rsqrt %add3A_79 : vector<1000x1xf32>
    %mul3A_81 = vector.broadcast %rsqrt3A_80 : vector<1000x1xf32> to vector<1000x128xf32>
    %mul3A_82 = arith.mulf %sub3A_69, %mul3A_81 : vector<1000x128xf32>
    %mul3A_83 = vector.broadcast %get3A_58 : vector<1x128xf32> to vector<1000x128xf32>
    %mul3A_84 = arith.mulf %mul3A_82, %mul3A_83 : vector<1000x128xf32>
    %add3A_85 = vector.broadcast %get3A_61 : vector<1x128xf32> to vector<1000x128xf32>
    %add3A_86 = arith.addf %mul3A_84, %add3A_85 : vector<1000x128xf32>
    %get3A_87 = arith.constant 0 : index
    %get3A_88 = arith.constant 0 : index
    %get3A_89 = vector.load %arg3[%get3A_87, %get3A_88] : memref<1000x128xf32, #tpu.memory_space<vmem>>, vector<1000x128xf32>
    %add3A_90 = arith.addf %add3A_86, %get3A_89 : vector<1000x128xf32>
    %max3A_91 = arith.constant 0.000000e+00 : f32
    %max3A_92 = vector.broadcast %max3A_91 : f32 to vector<1000x128xf32>
    %max3A_93 = arith.maximumf %add3A_90, %max3A_92 : vector<1000x128xf32>
    %swap3A = arith.constant 0 : index
    %swap3A_94 = arith.constant 0 : index
    %swap3A_95 = vector.load %arg9[%swap3A, %swap3A_94] : memref<1000x128xf32, #tpu.memory_space<vmem>>, vector<1000x128xf32>
    tpu.vector_store %arg9[%swap3A, %swap3A_94], %max3A_93 {strides = array<i32>} : memref<1000x128xf32, #tpu.memory_space<vmem>>, vector<1000x128xf32>,
    return
  }
  func.func @transform_0(%arg0: i32) -> (i32, i32) {
    %c0_i32 = arith.constant 0 : i32
    %c0_i32_0 = arith.constant 0 : i32
    return %arg0, %c0_i32 : i32, i32
  }
  func.func @transform_1(%arg0: i32) -> (i32, i32, i32) {
    %c0_i32 = arith.constant 0 : i32
    %c0_i32_0 = arith.constant 0 : i32
    %c0_i32_1 = arith.constant 0 : i32
    return %c0_i32, %arg0, %c0_i32_0 : i32, i32, i32
  }
  func.func @transform_2(%arg0: i32) -> (i32, i32) {
    %c0_i32 = arith.constant 0 : i32
    %c0_i32_0 = arith.constant 0 : i32
    return %arg0, %c0_i32 : i32, i32
  }
  func.func @transform_3(%arg0: i32) -> (i32, i32) {
    %c0_i32 = arith.constant 0 : i32
    %c0_i32_0 = arith.constant 0 : i32
    %c0_i32_1 = arith.constant 0 : i32
    return %c0_i32, %c0_i32_0 : i32, i32
  }
  func.func @transform_4(%arg0: i32) -> (i32, i32) {
    %c0_i32 = arith.constant 0 : i32
    %c0_i32_0 = arith.constant 0 : i32
    %c0_i32_1 = arith.constant 0 : i32
    return %c0_i32, %c0_i32_0 : i32, i32
  }
  func.func @transform_5(%arg0: i32) -> (i32, i32) {
    %c0_i32 = arith.constant 0 : i32
    %c0_i32_0 = arith.constant 0 : i32
    %c0_i32_1 = arith.constant 0 : i32
    return %c0_i32, %c0_i32_0 : i32, i32
  }
  func.func @transform_6(%arg0: i32) -> (i32, i32) {
    %c0_i32 = arith.constant 0 : i32
    %c0_i32_0 = arith.constant 0 : i32
    %c0_i32_1 = arith.constant 0 : i32
    return %c0_i32, %c0_i32_0 : i32, i32
  }
  func.func @transform_7(%arg0: i32) -> (i32, i32) {
    %c0_i32 = arith.constant 0 : i32
    %c0_i32_0 = arith.constant 0 : i32
    %c0_i32_1 = arith.constant 0 : i32
    return %c0_i32, %c0_i32_0 : i32, i32
  }
  func.func @transform_8(%arg0: i32) -> (i32, i32) {
    %c0_i32 = arith.constant 0 : i32
    %c0_i32_0 = arith.constant 0 : i32
    return %arg0, %c0_i32 : i32, i32
  }
}

</mosaic_0001>

<sc_bundles>
// kernel: kernel.10.cloned.1.call-start
scs
__scs_entry_jumppad:
0x0: {  	(pc) =	sbr.rel $0x88, $3  }
0x1: {  	(tag) =	ssettag $0x0;
	lr =	simm.s32 $0x1  }
0x2: {  	[smem:$0x3F89] =	sst lr;
	_ =	strace $0xD0000000  }
0x3: {  	_ = 	snop  }
0x4: {  	_ = 	snop  }
0x5: {  	_ = 	snop  }
0x6: {  	_ = 	snop  }
0x7: {  	_ = 	snop  }
__scs_overlays_trampoline_lowered:
0x8: {  	[smem:$0x3F98] =	sst s0  }
0x9: {  	[smem:$0x3F99] =	sst s1  }
0xa: {  	[smem:$0x3F9A] =	sst s2  }
0xb: {  	[smem:$0x3F9B] =	sst s3  }
0xc: {  	[smem:$0x3F9C] =	sst s4  }
0xd: {  	[smem:$0x3F9D] =	sst s5  }
0xe: {  	[smem:$0x3F9E] =	sst s6  }
0xf: {  	[smem:$0x3F9F] =	sst s7  }
0x10: {  	[smem:$0x3FA0] =	sst s8  }
0x11: {  	[smem:$0x3FA1] =	sst s9;
	s0 =	simm.s32 @!p0 $0x0  }
0x12: {  	s1 =	sld [smem:$0x3F87];
	s0 =	simm.s32 @p0 $0x1  }
0x13: {  	[smem:$0x3FA2] =	sst s0;
	s0 =	simm.s32 @!p1 $0x0  }
0x14: {  	s2 =	sld [smem:$0x3F86];
	s0 =	simm.s32 @p1 $0x1  }
0x15: {  	[smem:$0x3FA3] =	sst s0;
	s0 =	simm.s32 @!p2 $0x0  }
0x16: {  	s3 =	sld [smem:$0x3FDB];
	s0 =	simm.s32 @p2 $0x1  }
0x17: {  	s4 =	simm.s32 $0x1BF5;
	[smem:$0x3FA5] =	sst s0  }
0x18: {  	s0 =	sld [smem:$0x3F88];
	_ =	swait.ge [sflag:s4], $0x0  }
0x19: {  	s7 =	sld [smem:$0x3F89]  }
0x1a: {  	s8 =	sadd.s32 $0xFFFFE003, lr  }
0x1b: {  	s9 =	sadd.s32 $0xFFFFFEF7, lr;
	s5 =	simm.s32 $0xFFFFFFFF;
	p2 =	slt.u32 s8, $0xFFFFF086  }
0x1c: {  	p1 =	slt.u32 s9, $0xF7A;
	s5 =	simm.s32 @!p2 $0x0  }
0x1d: {  	s5 =	simm.s32 @p1 $0x1;
	p0 =	seq.s32 s7, s2  }
0x1e: {  	s7 =	smul.u32 @!p0 $0xF7A, s2;
	p2 =	seq.s32 @!p0 s5, $0x0  }
0x1f: {  	s9 =	smul.u32 $0xF7A, s1;
	s8 =	simm.s32 @!p0 $0x1BF5;
	p2 =	por !p2, p0  }
0x20: {  	[sflag:s8] =	ssyncset.s32 @!p0 $0xFFFFF086;
	s6 =	sadd.s32 @!p0 s3, s7;
	s7 =	simm.s32 @!p0 $0x108  }
0x21: {  	s3 =	sadd.s32 s3, s9;
	s6 =	sadd.s32 @!p0 $0x88, s6;
	s7 =	simm.s32 @p2 $0x1082  }
0x22: {  	[simem:s7], [sflag:s8] =	dma.local @!p0 [hbm:s6], $0xF7A  }
0x23: {  	s9 =	sor.u32 $0xD0000000, s2;
	s6 =	simm.s32 $0x108;
	_ =	swait.ge @!p0 [sflag:s8], $0x0  }
0x24: {  	s3 =	sadd.s32 $0x88, s3;
	s6 =	simm.s32 @!p1 $0x1082;
	[sflag:s4] =	ssyncset.s32 $0xFFFFF086  }
0x25: {  	[simem:s6], [sflag:s4] =	dma.local [hbm:s3], $0xF7A  }
0x26: {  	[smem:$0x3F89] =	sst s1;
	(tag) =	ssettag s2;
	_ =	strace s9  }
0x27: {  	s1 =	sld [smem:$0x3F99]  }
0x28: {  	s2 =	sld [smem:$0x3F9A]  }
0x29: {  	s4 =	sld [smem:$0x3F9C]  }
0x2a: {  	p0 =	seq.s32 s5, $0x0;
	s5 =	sld [smem:$0x3F9D]  }
0x2b: {  	s6 =	sld [smem:$0x3F9E]  }
0x2c: {  	s7 =	sld [smem:$0x3F9F]  }
0x2d: {  	s3 =	simm.s32 $0x108;
	s8 =	sld [smem:$0x3FA0]  }
0x2e: {  	s3 =	simm.s32 @!p0 $0x1082;
	s9 =	sld [smem:$0x3FA1]  }
0x2f: {  	lr =	sadd.s32 s0, s3;
	s0 =	sld [smem:$0x3F98]  }
0x30: {  	s3 =	sld [smem:$0x3F9B]  }
0x31: {  	[smem:$0x3FA4] =	sst s10  }
0x32: {  	s10 =	sld [smem:$0x3FA2];
	_ =	sdelay $0x3  }
0x33: {  	p0 =	seq.s32 s10, $0x1;
	s10 =	sld [smem:$0x3FA4];
	_ =	sdelay $0x3  }
0x34: {  	[smem:$0x3FA4] =	sst s10  }
0x35: {  	s10 =	sld [smem:$0x3FA3];
	_ =	sdelay $0x3  }
0x36: {  	p1 =	seq.s32 s10, $0x1;
	s10 =	sld [smem:$0x3FA4];
	_ =	sdelay $0x3  }
0x37: {  	[smem:$0x3FA4] =	sst s10  }
0x38: {  	s10 =	sld [smem:$0x3FA5]  }
0x39: {  	_ = 	snop;
	(pc) =	sbr.ind lr, $3  }
0x3a: {  	_ = 	snop  }
0x3b: {  	_ = 	snop  }
0x3c: {  	p2 =	seq.s32 s10, $0x1;
	s10 =	sld [smem:$0x3FA4]  }
0x3d: {  	_ =	shalt  }
0x3e: {  	_ =	shalt  }
0x3f: {  	_ =	shalt  }
0x40: {  	_ =	shalt  }
0x41: {  	_ =	shalt  }
0x42: {  	_ =	shalt  }
0x43: {  	_ =	shalt  }
0x44: {  	_ =	shalt  }
0x45: {  	_ =	shalt  }
0x46: {  	_ =	shalt  }
0x47: {  	_ =	shalt  }
0x48: {  	_ =	shalt  }
0x49: {  	_ =	shalt  }
0x4a: {  	_ =	shalt  }
0x4b: {  	_ =	shalt  }
0x4c: {  	_ =	shalt  }
0x4d: {  	_ =	shalt  }
0x4e: {  	_ =	shalt  }
0x4f: {  	_ =	shalt  }
0x50: {  	_ =	shalt  }
0x51: {  	_ =	shalt  }
0x52: {  	_ =	shalt  }
0x53: {  	_ =	shalt  }
0x54: {  	_ =	shalt  }
0x55: {  	_ =	shalt  }
0x56: {  	_ =	shalt  }
0x57: {  	_ =	shalt  }
0x58: {  	_ =	shalt  }
0x59: {  	_ =	shalt  }
0x5a: {  	_ =	shalt  }
0x5b: {  	_ =	shalt  }
0x5c: {  	_ =	shalt  }
0x5d: {  	_ =	shalt  }
0x5e: {  	_ =	shalt  }
0x5f: {  	_ =	shalt  }
0x60: {  	_ =	shalt  }
0x61: {  	_ =	shalt  }
0x62: {  	_ =	shalt  }
0x63: {  	_ =	shalt  }
0x64: {  	_ =	shalt  }
0x65: {  	_ =	shalt  }
0x66: {  	_ =	shalt  }
0x67: {  	_ =	shalt  }
0x68: {  	_ =	shalt  }
0x69: {  	_ =	shalt  }
0x6a: {  	_ =	shalt  }
0x6b: {  	_ =	shalt  }
0x6c: {  	_ =	shalt  }
0x6d: {  	_ =	shalt  }
0x6e: {  	_ =	shalt  }
0x6f: {  	_ =	shalt  }
0x70: {  	_ =	shalt  }
0x71: {  	_ =	shalt  }
0x72: {  	_ =	shalt  }
0x73: {  	_ =	shalt  }
0x74: {  	_ =	shalt  }
0x75: {  	_ =	shalt  }
0x76: {  	_ =	shalt  }
0x77: {  	_ =	shalt  }
0x78: {  	_ =	shalt  }
0x79: {  	_ =	shalt  }
0x7a: {  	_ =	shalt  }
0x7b: {  	_ =	shalt  }
0x7c: {  	_ =	shalt  }
0x7d: {  	_ =	shalt  }
0x7e: {  	_ =	shalt  }
0x7f: {  	_ =	shalt  }
0x80: {  	_ =	shalt  }
0x81: {  	_ =	shalt  }
0x82: {  	_ =	shalt  }
0x83: {  	_ =	shalt  }
0x84: {  	_ =	shalt  }
0x85: {  	_ =	shalt  }
0x86: {  	_ =	shalt  }
0x87: {  	_ =	shalt  }
.Lfunc_end0:
.L_simem_size_0:
called_computation_lowered:
.L_overlay_start_0:
0x88: {  	s2 =	sld [smem:$0x3FD9]  }
0x89: {  	s3 =	sld [smem:$0x3FFE];
	_ =	sdelay $0x1  }
0x8a: {  	s1 =	srdreg.scid  }
0x8b: {  	s0 =	sand.u32 $0x1, s1  }
0x8c: {  	s17 =	sshll.u32 s0, $0xA;
	s2 =	sadd.s32 s3, s2  }
0x8d: {  	s2 =	sadd.s32 s2, s17  }
0x8e: {  	[smem:$0x3FB0] =	sst s2  }
0x8f: {  	_ = 	snop  }
0x90: {  	(tm) =	ssettm $0x1  }
0x91: {  	s18 =	sld [smem:$0x3FFB];
	_ =	sdelay $0x3  }
0x92: {  	_ =	strace s18  }
0x93: {  	s2 =	sld [smem:$0x3FFC];
	_ =	sdelay $0x3  }
0x94: {  	_ =	strace s2  }
0x95: {  	s2 =	sld [smem:$0x3FFD];
	_ =	sdelay $0x3  }
0x96: {  	_ =	strace s2  }
0x97: {  	_ =	strace $0x8FFFFFFF  }
0x98: {  	s19 =	sld [smem:$0x3FDB];
	_ =	sdelay $0x1  }
0x99: {  	s20 =	simm.s32 $_scs_section_size  }
0x9a: {  	s4 =	simm.s32 $_size__tile_overlayer_lowered;
	s5 =	simm.s32 $_tile_overlayer_lowered  }
0x9b: {  	s6 =	simm.s32 $0x1BFF;
	s21 =	sshll.u32 s5, $0x1;
	s3 =	sadd.s32 s20, s19  }
0x9c: {  	s22 =	simm.s32 $0x0;
	s4 =	sshll.u32 s4, $0x1;
	s5 =	sadd.s32 s21, s3  }
0x9d: {  	[timem:s22], [sflag:s6] =	dma.local [hbm:s5], s4  }
0x9e: {  	_ =	swait.ge [sflag:s6], s4  }
0x9f: {  	s4 =	ssub.s32 $0x0, s4;
	[sflag:s6] =	ssyncset.done $0x0  }
0xa0: {  	[sflag:s6] =	ssyncadd.s32 s4;
	_ =	sdelay $0x1  }
0xa1: {  	s23 =	simm.s32 $0x1B8B  }
0xa2: {  	_ =	swait.ge [sflag:s23], $0x1  }
0xa3: {  	[sflag:s23] =	ssyncset.done $0x0  }
0xa4: {  	[sflag:s23] =	ssyncadd.s32 $0xFFFFFFFF  }
0xa5: {  	s4 =	sld [smem:$0x0]  }
0xa6: {  	s5 =	sand.u32 $0xFFFFFFFE, s1  }
0xa7: {  	p0 =	sne.s32 s1, s5  }
0xa8: {  	s5 =	sshll.u32 @p0 s5, $0xE  }
0xa9: {  	s5 =	sadd.s32 @p0 $0x11B8D, s5;
	s6 =	sshll.u32 @p0 s4, $0x11  }
0xaa: {  	s5 =	sor.u32 @p0 s6, s5  }
0xab: {  	[sflag:s5] =	ssyncadd.remote.s32 @p0 $0x1;
	_ =	sdelay $0x1  }
0xac: {  	s5 =	simm.s32 @p0 $0x1B8D  }
0xad: {  	_ =	swait.eq @p0 [sflag:s5], $0x1  }
0xae: {  	[sflag:s5] =	ssyncadd.s32 @p0 $0xFFFFFFFF  }
0xaf: {  	s6 =	sshll.u32 @!p0 s1, $0xE  }
0xb0: {  	s6 =	sor.u32 @!p0 $0x4000, s6;
	s5 =	simm.s32 @!p0 $0x1B8D  }
0xb1: {  	s4 =	sshll.u32 @!p0 s4, $0x11;
	s6 =	sadd.s32 @!p0 $0x11B8D, s6;
	_ =	swait.eq @!p0 [sflag:s5], $0x1  }
0xb2: {  	s4 =	sor.u32 @!p0 s4, s6;
	[sflag:s5] =	ssyncadd.s32 @!p0 $0xFFFFFFFF  }
0xb3: {  	s25 =	simm.s32 $0x1B8E;
	s24 =	sld [smem:$0x3FFE];
	[sflag:s4] =	ssyncadd.remote.s32 @!p0 $0x1  }
0xb4: {  	s26 =	simm.s32 $execute0_lowered;
	[smem:$0x3FD2] =	sst s25  }
0xb5: {  	s5 =	sshll.u32 s26, $0x1;
	_ =	strace $0x80000049;
	[dreg:$0x1] =	wrdreg $0xFFFFFFFF  }
0xb6: {  	s28 =	simm.s32 $_size_execute0_lowered;
	s3 =	sadd.s32 s3, s5;
	[dreg:$0x0] =	wrdreg $0x0  }
0xb7: {  	s5 =	sshll.u32 s28, $0x1;
	[dreg:$0x2] =	wrdreg s3  }
0xb8: {  	[dreg:$0x3] =	wrdreg s5  }
0xb9: {  	[dreg:$0x4] =	wrdreg $0xC0  }
0xba: {  	_ =	task [dreg:s22], $0x5FFFF  }
0xbb: {  	[dreg:$0x1] =	wrdreg $0xFFFFFFFF  }
0xbc: {  	[dreg:$0x0] =	wrdreg $0x60  }
0xbd: {  	[dreg:$0x2] =	wrdreg s24  }
0xbe: {  	[dreg:$0x3] =	wrdreg $0x9  }
0xbf: {  	_ =	task.clear_ibuf [dreg:s22], $0x4FFFF;
	_ =	strace $0x90000049  }
0xc0: {  	s29 =	simm.s32 $0x9;
	_ =	strace $0x8000004B  }
0xc1: {  	_ =	swait.ge [sflag:s29], $0x1  }
0xc2: {  	[sflag:s29] =	ssyncadd.s32 $0xFFFFFFFF  }
0xc3: {  	_ =	strace $0x9000004B  }
0xc4: {  	_ =	sfence  }
0xc5: {  	s30 =	sld [smem:$0x0];
	_ =	sdelay $0x2  }
0xc6: {  	s31 =	sshll.u32 s1, $0xD;
	s1 =	sshrl.u32 s1, $0x2  }
0xc7: {  	s4 =	sand.u32 $0x4000, s31;
	s1 =	sadd.s32 s1, s30  }
0xc8: {  	s0 =	sor.u32 s4, s0;
	s1 =	sshll.u32 s1, $0x11  }
0xc9: {  	s0 =	sor.u32 s1, s0  }
0xca: {  	s0 =	sadd.s32 $0x8F2B, s0  }
0xcb: {  	[sflag:s0] =	ssyncadd.remote.s32 $0x1  }
0xcc: {  	_ =	sfence.sel $0xFFFF  }
0xcd: {  	[dreg:$0x0] =	wrdreg $0xFFFFFFFF;
	(pc) =	sbr.abs _section_cstart, $3  }
0xce: {  	[dreg:$0x1] =	wrdreg $0xFFFFFFFF  }
0xcf: {  	_ =	task.clear_ibuf [dreg:s22], $0x2FFFF;
	_ =	strace $0x9FFFFFFF  }
0xd0: {  	(tm) =	ssettm $0x7FFFFFFF  }
0xd1: {  	_ =	shalt  }
tec
execute0_lowered:
.L_overlay_start_1:
0x0: {  	(tag) =	ssettag $0x1  }
0x1: {  	s0 =	rddreg [dreg:$0x0];
	s2 =	simm.s32 $0x0  }
0x2: {  	s1 =	srdreg.scid;
	s10 =	stileid.u32;
	s16 =	simm.s32 $0x9  }
0x3: {  	s17 =	simm.s32 $0x4000;
	s18 =	simm.s32 $0x28;
	s19 =	simm.s32 $0x8000  }
0x4: {  	s20 =	simm.s32 $0xA800;
	s28 =	simm.s32 $0x5;
	s29 =	simm.s32 $0x7  }
0x5: {  	s30 =	simm.s32 $0x0;
	[smem:$0x7FF] =	sst s2;
	s1 =	sand.u32 $0x1, s1  }
0x6: {  	s4 =	sshll.u32 s10, $0x1;
	s3 =	sadd.s32 $0x6800, s0;
	s13 =	sadd.s32 $0x576C00, s0  }
0x7: {  	s25 =	smul.u32 $0x27100, s10;
	_ =	strace $0x8000004A;
	s5 =	sor.u32 s1, s4  }
0x8: {  	s4 =	sadd.s32 $0x4DA00, s0;
	s8 =	ssub.s32 $0x2, s1;
	s1 =	smul.u32 $0x13880, s1  }
0x9: {  	s6 =	sshll.u32 s5, $0xB;
	s7 =	smul.u32 $0x9C400, s5;
	s9 =	sshrl.u32 s8, $0x1  }
0xa: {  	s5 =	smul.u32 $0x13880, s5;
	s31 =	sadd.s32 s25, s13;
	s6 =	sadd.s32 s6, s0  }
0xb: {  	s0 =	sadd.s32 $0x7E7C00, s0;
	s9 =	ssub.s32 s8, s9;
	s14 =	sadd.s32 s1, s31  }
0xc: {  	s7 =	sshrl.u32 s7, $0x3;
	s21 =	sadd.s32 $0x556C00, s6;
	s6 =	sadd.s32 $0x566C00, s6  }
0xd: {  	s24 =	smax.u32 s9, $0x1;
	s10 =	sadd.s32 s13, s5;
	[dreg:$0x2] =	wrdreg s21  }
0xe: {  	s26 =	sadd.s32 $0x280, s5;
	s11 =	sadd.s32 s0, s5;
	[dreg:$0x3] =	wrdreg s6  }
0xf: {  	s7 =	sadd.s32 $0x13600, s7;
	[dreg:$0x6] =	wrdreg s24;
	s12 =	sadd.s32 s13, s26  }
0x10: {  	s24 =	simm.s32 $0xBC00;
	s21 =	simm.s32 $0x6;
	s22 =	sadd.s32 s13, s7  }
0x11: {  	s23 =	sadd.s32 s0, s7;
	s13 =	sadd.s32 s0, s26;
	s0 =	sadd.s32 s25, s0  }
0x12: {  	s25 =	simm.s32 $0x1;
	s26 =	simm.s32 $0x3;
	[dreg:$0x4] =	wrdreg s22  }
0x13: {  	[dreg:$0x5] =	wrdreg s23;
	s15 =	sadd.s32 s1, s0;
	s22 =	simm.s32 $0x9400  }
0x14: {  	s0 =	simm.s32 $0x2;
	s1 =	simm.s32 $0x4;
	s23 =	simm.s32 $0x8  }
.LBB2_1:
0x15: {  	s5 =	rddreg [dreg:$0x2]  }
0x16: {  	[tilespmem:s2], [sflag:$0x9] =	stream.linear.gather [hbm4b:s5+s2], $0x3E80, $0x38;
	[tilespmem:$0xD000] =	vst v63  }
0x17: {  	_ =	swait.ge [sflag:s16], $0x3E80  }
0x18: {  	[sflag:s16] =	ssyncset.done $0x0  }
0x19: {  	s6 =	rddreg [dreg:$0x3];
	[sflag:s16] =	ssyncadd.s32 $0xFFFFC180  }
0x1a: {  	[tilespmem:s17], [sflag:$0x9] =	stream.linear.gather [hbm4b:s6+s2], $0x3E80, $0x38;
	[tilespmem:$0xD000] =	vst v63  }
0x1b: {  	_ =	swait.ge [sflag:s16], $0x3E80  }
0x1c: {  	[sflag:s16] =	ssyncset.done $0x0  }
0x1d: {  	[sflag:s16] =	ssyncadd.s32 $0xFFFFC180  }
0x1e: {  	[tilespmem:s19], [sflag:$0x1] =	stream.indirect.gather [hbm4b:s3+s18], $0x80, s2, s18, $0xb8;
	[tilespmem:$0xD000] =	vst v63  }
0x1f: {  	_ = 	snop  }
0x20: {  	[tilespmem:s20], [sflag:$0x3] =	stream.indirect.gather [hbm4b:s4+s18], $0x80, s17, s18, $0xb8;
	[tilespmem:$0xD000] =	vst v63  }
0x21: {  	s7 =	simm.s32 $0x80  }
0x22: {  	[tilespmem:s22], [sflag:$0x2] =	stream.indirect.gather [hbm4b:s3+s18], $0x80, s7, s18, $0xb8;
	[tilespmem:$0xD000] =	vst v63  }
0x23: {  	s8 =	simm.s32 $0x4080  }
0x24: {  	[tilespmem:s24], [sflag:$0x4] =	stream.indirect.gather [hbm4b:s4+s18], $0x80, s8, s18, $0xb8;
	[tilespmem:$0xD000] =	vst v63  }
0x25: {  	_ =	swait.ge [sflag:s25], $0x1400  }
0x26: {  	[sflag:s25] =	ssyncset.done $0x0  }
0x27: {  	[sflag:s25] =	ssyncadd.s32 $0xFFFFEC00  }
0x28: {  	_ =	swait.ge [sflag:s26], $0x1400  }
0x29: {  	[sflag:s26] =	ssyncset.done $0x0  }
0x2a: {  	[sflag:s26] =	ssyncadd.s32 $0xFFFFEC00  }
0x2b: {  	[hbm4b:s10+s2] =	stream.linear.scatter [tilespmem:s19], [sflag:$0x5], $0x1400, $0x38;
	[tilespmem:$0xD000] =	vst v63  }
0x2c: {  	_ = 	snop  }
0x2d: {  	[hbm4b:s11+s2] =	stream.linear.scatter [tilespmem:s20], [sflag:$0x7], $0x1400, $0x38;
	[tilespmem:$0xD000] =	vst v63  }
0x2e: {  	_ =	swait.ge [sflag:s28], $0x1400  }
0x2f: {  	[sflag:s28] =	ssyncset.done $0x0  }
0x30: {  	[sflag:s28] =	ssyncadd.s32 $0xFFFFEC00  }
0x31: {  	_ =	swait.ge [sflag:s29], $0x1400  }
0x32: {  	[sflag:s29] =	ssyncset.done $0x0  }
0x33: {  	s9 =	simm.s32 $0x100;
	[sflag:s29] =	ssyncadd.s32 $0xFFFFEC00  }
0x34: {  	[tilespmem:s19], [sflag:$0x1] =	stream.indirect.gather [hbm4b:s3+s18], $0x80, s9, s18, $0xb8;
	[tilespmem:$0xD000] =	vst v63  }
0x35: {  	s6 =	simm.s32 $0x4100  }
0x36: {  	[tilespmem:s20], [sflag:$0x3] =	stream.indirect.gather [hbm4b:s4+s18], $0x80, s6, s18, $0xb8;
	[tilespmem:$0xD000] =	vst v63  }
0x37: {  	_ =	swait.ge [sflag:s0], $0x1400  }
0x38: {  	[sflag:s0] =	ssyncset.done $0x0  }
0x39: {  	[sflag:s0] =	ssyncadd.s32 $0xFFFFEC00  }
0x3a: {  	_ =	swait.ge [sflag:s1], $0x1400  }
0x3b: {  	[sflag:s1] =	ssyncset.done $0x0  }
0x3c: {  	[sflag:s1] =	ssyncadd.s32 $0xFFFFEC00  }
0x3d: {  	[hbm4b:s12+s2] =	stream.linear.scatter [tilespmem:s22], [sflag:$0x6], $0x1400, $0x38;
	[tilespmem:$0xD000] =	vst v63  }
0x3e: {  	_ = 	snop  }
0x3f: {  	[hbm4b:s13+s2] =	stream.linear.scatter [tilespmem:s24], [sflag:$0x8], $0x1400, $0x38;
	[tilespmem:$0xD000] =	vst v63  }
0x40: {  	_ =	swait.ge [sflag:s21], $0x1400  }
0x41: {  	[sflag:s21] =	ssyncset.done $0x0  }
0x42: {  	[sflag:s21] =	ssyncadd.s32 $0xFFFFEC00  }
0x43: {  	_ =	swait.ge [sflag:s23], $0x1400  }
0x44: {  	[sflag:s23] =	ssyncset.done $0x0  }
0x45: {  	s7 =	simm.s32 $0x180;
	[sflag:s23] =	ssyncadd.s32 $0xFFFFEC00  }
0x46: {  	[tilespmem:s22], [sflag:$0x2] =	stream.indirect.gather [hbm4b:s3+s18], $0x80, s7, s18, $0xb8;
	[tilespmem:$0xD000] =	vst v63  }
0x47: {  	s8 =	simm.s32 $0x4180  }
0x48: {  	[tilespmem:s24], [sflag:$0x4] =	stream.indirect.gather [hbm4b:s4+s18], $0x80, s8, s18, $0xb8;
	[tilespmem:$0xD000] =	vst v63  }
0x49: {  	_ =	swait.ge [sflag:s25], $0x1400  }
0x4a: {  	[sflag:s25] =	ssyncset.done $0x0  }
0x4b: {  	[sflag:s25] =	ssyncadd.s32 $0xFFFFEC00  }
0x4c: {  	_ =	swait.ge [sflag:s26], $0x1400  }
0x4d: {  	s5 =	sadd.s32 $0x0, s14;
	[sflag:s26] =	ssyncset.done $0x0  }
0x4e: {  	s6 =	sadd.s32 $0x500, s5;
	s7 =	sadd.s32 $0x0, s15;
	[sflag:s26] =	ssyncadd.s32 $0xFFFFEC00  }
0x4f: {  	[hbm4b:s6+s2] =	stream.linear.scatter [tilespmem:s19], [sflag:$0x5], $0x1400, $0x38;
	[tilespmem:$0xD000] =	vst v63  }
0x50: {  	s9 =	sadd.s32 $0x500, s7  }
0x51: {  	[hbm4b:s9+s2] =	stream.linear.scatter [tilespmem:s20], [sflag:$0x7], $0x1400, $0x38;
	[tilespmem:$0xD000] =	vst v63  }
0x52: {  	_ =	swait.ge [sflag:s28], $0x1400  }
0x53: {  	[sflag:s28] =	ssyncset.done $0x0  }
0x54: {  	[sflag:s28] =	ssyncadd.s32 $0xFFFFEC00  }
0x55: {  	_ =	swait.ge [sflag:s29], $0x1400  }
0x56: {  	[sflag:s29] =	ssyncset.done $0x0  }
0x57: {  	s8 =	simm.s32 $0x200;
	[sflag:s29] =	ssyncadd.s32 $0xFFFFEC00  }
0x58: {  	[tilespmem:s19], [sflag:$0x1] =	stream.indirect.gather [hbm4b:s3+s18], $0x80, s8, s18, $0xb8;
	[tilespmem:$0xD000] =	vst v63  }
0x59: {  	s9 =	simm.s32 $0x4200  }
0x5a: {  	[tilespmem:s20], [sflag:$0x3] =	stream.indirect.gather [hbm4b:s4+s18], $0x80, s9, s18, $0xb8;
	[tilespmem:$0xD000] =	vst v63  }
0x5b: {  	_ =	swait.ge [sflag:s0], $0x1400  }
0x5c: {  	[sflag:s0] =	ssyncset.done $0x0  }
0x5d: {  	[sflag:s0] =	ssyncadd.s32 $0xFFFFEC00  }
0x5e: {  	_ =	swait.ge [sflag:s1], $0x1400  }
0x5f: {  	[sflag:s1] =	ssyncset.done $0x0  }
0x60: {  	s31 =	simm.s32 $0x500;
	s5 =	sadd.s32 $0x780, s5;
	[sflag:s1] =	ssyncadd.s32 $0xFFFFEC00  }
0x61: {  	[hbm4b:s5+s2] =	stream.linear.scatter [tilespmem:s22], [sflag:$0x6], $0x1400, $0x38;
	[tilespmem:$0xD000] =	vst v63  }
0x62: {  	s7 =	sadd.s32 $0x780, s7;
	s6 =	simm.s32 $0x4280;
	s5 =	simm.s32 $0x280  }
.LBB2_2:
0x63: {  	[hbm4b:s7+s2] =	stream.linear.scatter [tilespmem:s24], [sflag:$0x8], $0x1400, $0x38;
	[tilespmem:$0xD000] =	vst v63  }
0x64: {  	s7 =	smov.u32 s31  }
0x65: {  	p0 =	sne.s32 s31, $0x12C00;
	s31 =	sadd.s32 $0x500, s31;
	_ =	swait.ge [sflag:s21], $0x1400  }
0x66: {  	[sflag:s21] =	ssyncset.done $0x0  }
0x67: {  	[sflag:s21] =	ssyncadd.s32 $0xFFFFEC00  }
0x68: {  	_ =	swait.ge [sflag:s23], $0x1400  }
0x69: {  	[sflag:s23] =	ssyncset.done $0x0  }
0x6a: {  	[sflag:s23] =	ssyncadd.s32 $0xFFFFEC00  }
0x6b: {  	[tilespmem:s22], [sflag:$0x2] =	stream.indirect.gather [hbm4b:s3+s18], $0x80, s5, s18, $0xb8;
	[tilespmem:$0xD000] =	vst v63  }
0x6c: {  	_ = 	snop  }
0x6d: {  	[tilespmem:s24], [sflag:$0x4] =	stream.indirect.gather [hbm4b:s4+s18], $0x80, s6, s18, $0xb8;
	[tilespmem:$0xD000] =	vst v63  }
0x6e: {  	_ =	swait.ge [sflag:s25], $0x1400  }
0x6f: {  	[sflag:s25] =	ssyncset.done $0x0  }
0x70: {  	[sflag:s25] =	ssyncadd.s32 $0xFFFFEC00  }
0x71: {  	_ =	swait.ge [sflag:s26], $0x1400  }
0x72: {  	s8 =	sadd.s32 s7, s14;
	[sflag:s26] =	ssyncset.done $0x0  }
0x73: {  	s7 =	sadd.s32 s7, s15;
	s9 =	sadd.s32 $0x500, s8;
	[sflag:s26] =	ssyncadd.s32 $0xFFFFEC00  }
0x74: {  	[hbm4b:s9+s2] =	stream.linear.scatter [tilespmem:s19], [sflag:$0x5], $0x1400, $0x38;
	[tilespmem:$0xD000] =	vst v63  }
0x75: {  	s9 =	sadd.s32 $0x500, s7  }
0x76: {  	[hbm4b:s9+s2] =	stream.linear.scatter [tilespmem:s20], [sflag:$0x7], $0x1400, $0x38;
	[tilespmem:$0xD000] =	vst v63  }
0x77: {  	_ =	swait.ge [sflag:s28], $0x1400  }
0x78: {  	[sflag:s28] =	ssyncset.done $0x0  }
0x79: {  	[sflag:s28] =	ssyncadd.s32 $0xFFFFEC00  }
0x7a: {  	_ =	swait.ge [sflag:s29], $0x1400  }
0x7b: {  	[sflag:s29] =	ssyncset.done $0x0  }
0x7c: {  	s9 =	sadd.s32 $0x80, s5;
	[sflag:s29] =	ssyncadd.s32 $0xFFFFEC00  }
0x7d: {  	[tilespmem:s19], [sflag:$0x1] =	stream.indirect.gather [hbm4b:s3+s18], $0x80, s9, s18, $0xb8;
	[tilespmem:$0xD000] =	vst v63  }
0x7e: {  	s9 =	sadd.s32 $0x80, s6  }
0x7f: {  	[tilespmem:s20], [sflag:$0x3] =	stream.indirect.gather [hbm4b:s4+s18], $0x80, s9, s18, $0xb8;
	[tilespmem:$0xD000] =	vst v63  }
0x80: {  	_ =	swait.ge [sflag:s0], $0x1400  }
0x81: {  	[sflag:s0] =	ssyncset.done $0x0  }
0x82: {  	[sflag:s0] =	ssyncadd.s32 $0xFFFFEC00  }
.Ltmp0:
0x83: {  	_ =	swait.ge [sflag:s1], $0x1400;
	(pc) =	sbr.rel @p0 .LBB2_2-.Ltmp0, $4  }
0x84: {  	[sflag:s1] =	ssyncset.done $0x0  }
0x85: {  	s8 =	sadd.s32 $0x780, s8;
	[sflag:s1] =	ssyncadd.s32 $0xFFFFEC00  }
0x86: {  	[hbm4b:s8+s2] =	stream.linear.scatter [tilespmem:s22], [sflag:$0x6], $0x1400, $0x38;
	[tilespmem:$0xD000] =	vst v63  }
0x87: {  	s7 =	sadd.s32 $0x780, s7;
	s5 =	sadd.s32 $0x100, s5;
	s6 =	sadd.s32 $0x100, s6  }
0x88: {  	[hbm4b:s7+s2] =	stream.linear.scatter [tilespmem:s24], [sflag:$0x8], $0x1400, $0x38;
	[tilespmem:$0xD000] =	vst v63  }
0x89: {  	_ =	swait.ge [sflag:s25], $0x1400  }
0x8a: {  	[sflag:s25] =	ssyncset.done $0x0  }
0x8b: {  	[sflag:s25] =	ssyncadd.s32 $0xFFFFEC00  }
0x8c: {  	_ =	swait.ge [sflag:s26], $0x1400  }
0x8d: {  	[sflag:s26] =	ssyncset.done $0x0  }
0x8e: {  	s5 =	rddreg [dreg:$0x4];
	[sflag:s26] =	ssyncadd.s32 $0xFFFFEC00  }
0x8f: {  	[hbm4b:s5+s2] =	stream.linear.scatter [tilespmem:s19], [sflag:$0x5], $0x1400, $0x38;
	[tilespmem:$0xD000] =	vst v63  }
0x90: {  	s9 =	rddreg [dreg:$0x5]  }
0x91: {  	[hbm4b:s9+s2] =	stream.linear.scatter [tilespmem:s20], [sflag:$0x7], $0x1400, $0x38;
	[tilespmem:$0xD000] =	vst v63  }
0x92: {  	_ =	swait.ge [sflag:s28], $0x1400  }
0x93: {  	[sflag:s28] =	ssyncset.done $0x0  }
0x94: {  	[sflag:s28] =	ssyncadd.s32 $0xFFFFEC00  }
0x95: {  	_ =	swait.ge [sflag:s29], $0x1400  }
0x96: {  	[sflag:s29] =	ssyncset.done $0x0  }
0x97: {  	[sflag:s29] =	ssyncadd.s32 $0xFFFFEC00  }
0x98: {  	_ =	swait.ge [sflag:s21], $0x1400  }
0x99: {  	[sflag:s21] =	ssyncset.done $0x0  }
0x9a: {  	[sflag:s21] =	ssyncadd.s32 $0xFFFFEC00  }
0x9b: {  	_ =	swait.ge [sflag:s23], $0x1400  }
0x9c: {  	s30 =	sadd.s32 $0x1, s30;
	s31 =	rddreg [dreg:$0x6]  }
0x9d: {  	p0 =	sne.s32 s30, s31  }
.Ltmp1:
0x9e: {  	_ = 	snop;
	(pc) =	sbr.rel @p0 .LBB2_1-.Ltmp1, $3  }
0x9f: {  	_ =	sdelay $0x1  }
0xa0: {  	[sflag:s23] =	ssyncset.done $0x0  }
0xa1: {  	[sflag:s23] =	ssyncadd.s32 $0xFFFFEC00  }
0xa2: {  	_ =	sfence.sel $0x180000  }
0xa3: {  	[bflag:$0x0] =	sbarrier.arrive $0xFFFF  }
0xa4: {  	_ =	strace $0x9000004A  }
0xa5: {  	s0 =	stileid.u32;
	[bflag:$0x2] =	sbarrier.arrive $0xFFFF  }
0xa6: {  	p0 =	sne.s32 s0, $0x0;
	s0 =	rddreg [dreg:$0x1]  }
0xa7: {  	s0 =	sadd.s32 @!p0 $0x100000, s0  }
0xa8: {  	[sflag:s0] =	ssyncadd.tile.s32 @!p0 $0x1;
	_ =	shalt  }
.Lfunc_end2:
_tile_overlayer_lowered:
.L_overlay_start_2:
0xa9: {  	(tag) =	ssettag $0x2  }
0xaa: {  	s0 =	rddreg [dreg:$0x0];
	s2 =	stileid.u32  }
0xab: {  	s1 =	rddreg [dreg:$0x1];
	p0 =	sne.s32 s2, $0x0  }
0xac: {  	s3 =	rddreg [dreg:$0x2];
	[bflag:$0x3] =	sbarrier.arrive $0xFFFF;
	s2 =	simm.s32 @!p0 $0x1C09  }
0xad: {  	[timem:s3], [sflag:s2] =	dma.local @!p0 [hbm:s0], s1  }
0xae: {  	s0 =	simm.s32 @!p0 $0x9  }
0xaf: {  	_ =	swait.ge @!p0 [sflag:s0], s1  }
0xb0: {  	s1 =	ssub.s32 @!p0 $0x0, s1;
	[sflag:s0] =	ssyncset.done @!p0 $0x0  }
0xb1: {  	[sflag:s0] =	ssyncadd.s32 @!p0 s1  }
0xb2: {  	[bflag:$0x3] =	sbarrier.arrive $0xFFFF  }
0xb3: {  	_ =	shalt  }

// kernel: kernel.13.cloned.1.call-start
scs
__scs_entry_jumppad:
0x0: {  	(pc) =	sbr.rel $0x88, $3  }
0x1: {  	(tag) =	ssettag $0x0;
	lr =	simm.s32 $0x1  }
0x2: {  	[smem:$0x3F89] =	sst lr;
	_ =	strace $0xD0000000  }
0x3: {  	_ = 	snop  }
0x4: {  	_ = 	snop  }
0x5: {  	_ = 	snop  }
0x6: {  	_ = 	snop  }
0x7: {  	_ = 	snop  }
__scs_overlays_trampoline_lowered:
0x8: {  	[smem:$0x3F98] =	sst s0  }
0x9: {  	[smem:$0x3F99] =	sst s1  }
0xa: {  	[smem:$0x3F9A] =	sst s2  }
0xb: {  	[smem:$0x3F9B] =	sst s3  }
0xc: {  	[smem:$0x3F9C] =	sst s4  }
0xd: {  	[smem:$0x3F9D] =	sst s5  }
0xe: {  	[smem:$0x3F9E] =	sst s6  }
0xf: {  	[smem:$0x3F9F] =	sst s7  }
0x10: {  	[smem:$0x3FA0] =	sst s8  }
0x11: {  	[smem:$0x3FA1] =	sst s9;
	s0 =	simm.s32 @!p0 $0x0  }
0x12: {  	s1 =	sld [smem:$0x3F87];
	s0 =	simm.s32 @p0 $0x1  }
0x13: {  	[smem:$0x3FA2] =	sst s0;
	s0 =	simm.s32 @!p1 $0x0  }
0x14: {  	s2 =	sld [smem:$0x3F86];
	s0 =	simm.s32 @p1 $0x1  }
0x15: {  	[smem:$0x3FA3] =	sst s0;
	s0 =	simm.s32 @!p2 $0x0  }
0x16: {  	s3 =	sld [smem:$0x3FDB];
	s0 =	simm.s32 @p2 $0x1  }
0x17: {  	s4 =	simm.s32 $0x1BF5;
	[smem:$0x3FA5] =	sst s0  }
0x18: {  	s0 =	sld [smem:$0x3F88];
	_ =	swait.ge [sflag:s4], $0x0  }
0x19: {  	s7 =	sld [smem:$0x3F89]  }
0x1a: {  	s8 =	sadd.s32 $0xFFFFE003, lr  }
0x1b: {  	s9 =	sadd.s32 $0xFFFFFEF7, lr;
	s5 =	simm.s32 $0xFFFFFFFF;
	p2 =	slt.u32 s8, $0xFFFFF086  }
0x1c: {  	p1 =	slt.u32 s9, $0xF7A;
	s5 =	simm.s32 @!p2 $0x0  }
0x1d: {  	s5 =	simm.s32 @p1 $0x1;
	p0 =	seq.s32 s7, s2  }
0x1e: {  	s7 =	smul.u32 @!p0 $0xF7A, s2;
	p2 =	seq.s32 @!p0 s5, $0x0  }
0x1f: {  	s9 =	smul.u32 $0xF7A, s1;
	s8 =	simm.s32 @!p0 $0x1BF5;
	p2 =	por !p2, p0  }
0x20: {  	[sflag:s8] =	ssyncset.s32 @!p0 $0xFFFFF086;
	s6 =	sadd.s32 @!p0 s3, s7;
	s7 =	simm.s32 @!p0 $0x108  }
0x21: {  	s3 =	sadd.s32 s3, s9;
	s6 =	sadd.s32 @!p0 $0x88, s6;
	s7 =	simm.s32 @p2 $0x1082  }
0x22: {  	[simem:s7], [sflag:s8] =	dma.local @!p0 [hbm:s6], $0xF7A  }
0x23: {  	s9 =	sor.u32 $0xD0000000, s2;
	s6 =	simm.s32 $0x108;
	_ =	swait.ge @!p0 [sflag:s8], $0x0  }
0x24: {  	s3 =	sadd.s32 $0x88, s3;
	s6 =	simm.s32 @!p1 $0x1082;
	[sflag:s4] =	ssyncset.s32 $0xFFFFF086  }
0x25: {  	[simem:s6], [sflag:s4] =	dma.local [hbm:s3], $0xF7A  }
0x26: {  	[smem:$0x3F89] =	sst s1;
	(tag) =	ssettag s2;
	_ =	strace s9  }
0x27: {  	s1 =	sld [smem:$0x3F99]  }
0x28: {  	s2 =	sld [smem:$0x3F9A]  }
0x29: {  	s4 =	sld [smem:$0x3F9C]  }
0x2a: {  	p0 =	seq.s32 s5, $0x0;
	s5 =	sld [smem:$0x3F9D]  }
0x2b: {  	s6 =	sld [smem:$0x3F9E]  }
0x2c: {  	s7 =	sld [smem:$0x3F9F]  }
0x2d: {  	s3 =	simm.s32 $0x108;
	s8 =	sld [smem:$0x3FA0]  }
0x2e: {  	s3 =	simm.s32 @!p0 $0x1082;
	s9 =	sld [smem:$0x3FA1]  }
0x2f: {  	lr =	sadd.s32 s0, s3;
	s0 =	sld [smem:$0x3F98]  }
0x30: {  	s3 =	sld [smem:$0x3F9B]  }
0x31: {  	[smem:$0x3FA4] =	sst s10  }
0x32: {  	s10 =	sld [smem:$0x3FA2];
	_ =	sdelay $0x3  }
0x33: {  	p0 =	seq.s32 s10, $0x1;
	s10 =	sld [smem:$0x3FA4];
	_ =	sdelay $0x3  }
0x34: {  	[smem:$0x3FA4] =	sst s10  }
0x35: {  	s10 =	sld [smem:$0x3FA3];
	_ =	sdelay $0x3  }
0x36: {  	p1 =	seq.s32 s10, $0x1;
	s10 =	sld [smem:$0x3FA4];
	_ =	sdelay $0x3  }
0x37: {  	[smem:$0x3FA4] =	sst s10  }
0x38: {  	s10 =	sld [smem:$0x3FA5]  }
0x39: {  	_ = 	snop;
	(pc) =	sbr.ind lr, $3  }
0x3a: {  	_ = 	snop  }
0x3b: {  	_ = 	snop  }
0x3c: {  	p2 =	seq.s32 s10, $0x1;
	s10 =	sld [smem:$0x3FA4]  }
0x3d: {  	_ =	shalt  }
0x3e: {  	_ =	shalt  }
0x3f: {  	_ =	shalt  }
0x40: {  	_ =	shalt  }
0x41: {  	_ =	shalt  }
0x42: {  	_ =	shalt  }
0x43: {  	_ =	shalt  }
0x44: {  	_ =	shalt  }
0x45: {  	_ =	shalt  }
0x46: {  	_ =	shalt  }
0x47: {  	_ =	shalt  }
0x48: {  	_ =	shalt  }
0x49: {  	_ =	shalt  }
0x4a: {  	_ =	shalt  }
0x4b: {  	_ =	shalt  }
0x4c: {  	_ =	shalt  }
0x4d: {  	_ =	shalt  }
0x4e: {  	_ =	shalt  }
0x4f: {  	_ =	shalt  }
0x50: {  	_ =	shalt  }
0x51: {  	_ =	shalt  }
0x52: {  	_ =	shalt  }
0x53: {  	_ =	shalt  }
0x54: {  	_ =	shalt  }
0x55: {  	_ =	shalt  }
0x56: {  	_ =	shalt  }
0x57: {  	_ =	shalt  }
0x58: {  	_ =	shalt  }
0x59: {  	_ =	shalt  }
0x5a: {  	_ =	shalt  }
0x5b: {  	_ =	shalt  }
0x5c: {  	_ =	shalt  }
0x5d: {  	_ =	shalt  }
0x5e: {  	_ =	shalt  }
0x5f: {  	_ =	shalt  }
0x60: {  	_ =	shalt  }
0x61: {  	_ =	shalt  }
0x62: {  	_ =	shalt  }
0x63: {  	_ =	shalt  }
0x64: {  	_ =	shalt  }
0x65: {  	_ =	shalt  }
0x66: {  	_ =	shalt  }
0x67: {  	_ =	shalt  }
0x68: {  	_ =	shalt  }
0x69: {  	_ =	shalt  }
0x6a: {  	_ =	shalt  }
0x6b: {  	_ =	shalt  }
0x6c: {  	_ =	shalt  }
0x6d: {  	_ =	shalt  }
0x6e: {  	_ =	shalt  }
0x6f: {  	_ =	shalt  }
0x70: {  	_ =	shalt  }
0x71: {  	_ =	shalt  }
0x72: {  	_ =	shalt  }
0x73: {  	_ =	shalt  }
0x74: {  	_ =	shalt  }
0x75: {  	_ =	shalt  }
0x76: {  	_ =	shalt  }
0x77: {  	_ =	shalt  }
0x78: {  	_ =	shalt  }
0x79: {  	_ =	shalt  }
0x7a: {  	_ =	shalt  }
0x7b: {  	_ =	shalt  }
0x7c: {  	_ =	shalt  }
0x7d: {  	_ =	shalt  }
0x7e: {  	_ =	shalt  }
0x7f: {  	_ =	shalt  }
0x80: {  	_ =	shalt  }
0x81: {  	_ =	shalt  }
0x82: {  	_ =	shalt  }
0x83: {  	_ =	shalt  }
0x84: {  	_ =	shalt  }
0x85: {  	_ =	shalt  }
0x86: {  	_ =	shalt  }
0x87: {  	_ =	shalt  }
.Lfunc_end0:
.L_simem_size_0:
called_computation.1_lowered:
.L_overlay_start_0:
0x88: {  	s2 =	sld [smem:$0x3FD9]  }
0x89: {  	s3 =	sld [smem:$0x3FFE];
	_ =	sdelay $0x1  }
0x8a: {  	s1 =	srdreg.scid  }
0x8b: {  	s0 =	sand.u32 $0x1, s1  }
0x8c: {  	s17 =	sshll.u32 s0, $0xA;
	s2 =	sadd.s32 s3, s2  }
0x8d: {  	s2 =	sadd.s32 s2, s17  }
0x8e: {  	[smem:$0x3FB0] =	sst s2  }
0x8f: {  	_ = 	snop  }
0x90: {  	(tm) =	ssettm $0x1  }
0x91: {  	s18 =	sld [smem:$0x3FFB];
	_ =	sdelay $0x3  }
0x92: {  	_ =	strace s18  }
0x93: {  	s2 =	sld [smem:$0x3FFC];
	_ =	sdelay $0x3  }
0x94: {  	_ =	strace s2  }
0x95: {  	s2 =	sld [smem:$0x3FFD];
	_ =	sdelay $0x3  }
0x96: {  	_ =	strace s2  }
0x97: {  	_ =	strace $0x8FFFFFFF  }
0x98: {  	s19 =	sld [smem:$0x3FDB];
	_ =	sdelay $0x1  }
0x99: {  	s20 =	simm.s32 $_scs_section_size  }
0x9a: {  	s4 =	simm.s32 $_size__tile_overlayer_lowered;
	s5 =	simm.s32 $_tile_overlayer_lowered  }
0x9b: {  	s6 =	simm.s32 $0x1BFF;
	s21 =	sshll.u32 s5, $0x1;
	s3 =	sadd.s32 s20, s19  }
0x9c: {  	s22 =	simm.s32 $0x0;
	s4 =	sshll.u32 s4, $0x1;
	s5 =	sadd.s32 s21, s3  }
0x9d: {  	[timem:s22], [sflag:s6] =	dma.local [hbm:s5], s4  }
0x9e: {  	_ =	swait.ge [sflag:s6], s4  }
0x9f: {  	s4 =	ssub.s32 $0x0, s4;
	[sflag:s6] =	ssyncset.done $0x0  }
0xa0: {  	[sflag:s6] =	ssyncadd.s32 s4;
	_ =	sdelay $0x1  }
0xa1: {  	s23 =	simm.s32 $0x1B8B  }
0xa2: {  	_ =	swait.ge [sflag:s23], $0x1  }
0xa3: {  	[sflag:s23] =	ssyncset.done $0x0  }
0xa4: {  	[sflag:s23] =	ssyncadd.s32 $0xFFFFFFFF  }
0xa5: {  	s4 =	sld [smem:$0x0]  }
0xa6: {  	s5 =	sand.u32 $0xFFFFFFFE, s1  }
0xa7: {  	p0 =	sne.s32 s1, s5  }
0xa8: {  	s5 =	sshll.u32 @p0 s5, $0xE  }
0xa9: {  	s5 =	sadd.s32 @p0 $0x11B8D, s5;
	s6 =	sshll.u32 @p0 s4, $0x11  }
0xaa: {  	s5 =	sor.u32 @p0 s6, s5  }
0xab: {  	[sflag:s5] =	ssyncadd.remote.s32 @p0 $0x1;
	_ =	sdelay $0x1  }
0xac: {  	s5 =	simm.s32 @p0 $0x1B8D  }
0xad: {  	_ =	swait.eq @p0 [sflag:s5], $0x1  }
0xae: {  	[sflag:s5] =	ssyncadd.s32 @p0 $0xFFFFFFFF  }
0xaf: {  	s6 =	sshll.u32 @!p0 s1, $0xE  }
0xb0: {  	s6 =	sor.u32 @!p0 $0x4000, s6;
	s5 =	simm.s32 @!p0 $0x1B8D  }
0xb1: {  	s4 =	sshll.u32 @!p0 s4, $0x11;
	s6 =	sadd.s32 @!p0 $0x11B8D, s6;
	_ =	swait.eq @!p0 [sflag:s5], $0x1  }
0xb2: {  	s4 =	sor.u32 @!p0 s4, s6;
	[sflag:s5] =	ssyncadd.s32 @!p0 $0xFFFFFFFF  }
0xb3: {  	s25 =	simm.s32 $0x1B8E;
	s24 =	sld [smem:$0x3FFE];
	[sflag:s4] =	ssyncadd.remote.s32 @!p0 $0x1  }
0xb4: {  	s26 =	simm.s32 $execute0_lowered;
	[smem:$0x3FD2] =	sst s25  }
0xb5: {  	s5 =	sshll.u32 s26, $0x1;
	_ =	strace $0x8000004F;
	[dreg:$0x1] =	wrdreg $0xFFFFFFFF  }
0xb6: {  	s28 =	simm.s32 $_size_execute0_lowered;
	s3 =	sadd.s32 s3, s5;
	[dreg:$0x0] =	wrdreg $0x0  }
0xb7: {  	s5 =	sshll.u32 s28, $0x1;
	[dreg:$0x2] =	wrdreg s3  }
0xb8: {  	[dreg:$0x3] =	wrdreg s5  }
0xb9: {  	[dreg:$0x4] =	wrdreg $0xC0  }
0xba: {  	_ =	task [dreg:s22], $0x5FFFF  }
0xbb: {  	[dreg:$0x1] =	wrdreg $0xFFFFFFFF  }
0xbc: {  	[dreg:$0x0] =	wrdreg $0x60  }
0xbd: {  	[dreg:$0x2] =	wrdreg s24  }
0xbe: {  	[dreg:$0x3] =	wrdreg $0x0  }
0xbf: {  	[dreg:$0x4] =	wrdreg $0x9  }
0xc0: {  	_ =	task.clear_ibuf [dreg:s22], $0x5FFFF;
	_ =	strace $0x9000004F  }
0xc1: {  	s29 =	simm.s32 $0x9;
	_ =	strace $0x80000051  }
0xc2: {  	_ =	swait.ge [sflag:s29], $0x1  }
0xc3: {  	[sflag:s29] =	ssyncadd.s32 $0xFFFFFFFF  }
0xc4: {  	_ =	strace $0x90000051  }
0xc5: {  	_ =	sfence  }
0xc6: {  	s30 =	sld [smem:$0x0];
	_ =	sdelay $0x2  }
0xc7: {  	s31 =	sshll.u32 s1, $0xD;
	s1 =	sshrl.u32 s1, $0x2  }
0xc8: {  	s4 =	sand.u32 $0x4000, s31;
	s1 =	sadd.s32 s1, s30  }
0xc9: {  	s0 =	sor.u32 s4, s0;
	s1 =	sshll.u32 s1, $0x11  }
0xca: {  	s0 =	sor.u32 s1, s0  }
0xcb: {  	s0 =	sadd.s32 $0x8F2B, s0  }
0xcc: {  	[sflag:s0] =	ssyncadd.remote.s32 $0x1  }
0xcd: {  	_ =	sfence.sel $0xFFFF  }
0xce: {  	[dreg:$0x0] =	wrdreg $0xFFFFFFFF;
	(pc) =	sbr.abs _section_cstart, $3  }
0xcf: {  	[dreg:$0x1] =	wrdreg $0xFFFFFFFF  }
0xd0: {  	_ =	task.clear_ibuf [dreg:s22], $0x2FFFF;
	_ =	strace $0x9FFFFFFF  }
0xd1: {  	(tm) =	ssettm $0x7FFFFFFF  }
tec
execute0_lowered:
.L_overlay_start_1:
0x0: {  	(tag) =	ssettag $0x1  }
0x1: {  	s4 =	rddreg [dreg:$0x0]  }
0x2: {  	s2 =	rddreg [dreg:$0x1]  }
0x3: {  	s0 =	rddreg [dreg:$0x2];
	s5 =	srdreg.scid  }
0x4: {  	s1 =	stileid.u32;
	s3 =	simm.s32 $0x0;
	s14 =	simm.s32 $0x17880  }
0x5: {  	s15 =	simm.s32 $0x5;
	s16 =	simm.s32 $0x13880;
	s17 =	simm.s32 $0x18C80  }
0x6: {  	s18 =	simm.s32 $0x1;
	s19 =	simm.s32 $0x28;
	s20 =	simm.s32 $0x3  }
0x7: {  	s21 =	simm.s32 $0x2;
	s22 =	simm.s32 $0x13900;
	s23 =	simm.s32 $0x4  }
0x8: {  	s24 =	simm.s32 $0x17680;
	s25 =	simm.s32 $0x0;
	s8 =	sand.u32 $0x1, s5  }
0x9: {  	s28 =	sshll.u32 s1, $0x1;
	[smem:$0x7FF] =	sst s3;
	s12 =	smul.u32 $0x5000, s1  }
0xa: {  	s10 =	sadd.s32 $0xC2E00, s4;
	s30 =	ssub.s32 $0x109, s1;
	s13 =	smul.u32 $0x27100, s1  }
0xb: {  	s5 =	sor.u32 s8, s28;
	_ =	strace $0x80000050;
	s7 =	smul.u32 $0x27100, s8  }
0xc: {  	s9 =	ssub.s32 $0x2, s8;
	s31 =	smul.u32 $0x13880, s8;
	s6 =	sshll.u32 s5, $0xB  }
0xd: {  	s29 =	sshrl.u32 s9, $0x1;
	s11 =	smul.u32 $0x13880, s5;
	s13 =	sadd.s32 s13, s10  }
0xe: {  	s12 =	sshrl.u32 s12, $0x2;
	s6 =	sadd.s32 s6, s4;
	s7 =	sadd.s32 s7, s4  }
0xf: {  	s9 =	ssub.s32 s9, s29;
	s4 =	sshrl.u32 s30, $0x4;
	s13 =	sadd.s32 s31, s13  }
0x10: {  	s5 =	sadd.s32 $0x556C00, s6;
	s6 =	sadd.s32 s10, s11;
	s7 =	sadd.s32 $0x333E00, s7  }
0x11: {  	s8 =	smax.u32 s9, $0x1;
	s11 =	sadd.s32 s12, s2;
	s12 =	sadd.s32 $0x780, s13  }
0x12: {  	v0 =	vimm.f32 $0.0e+00;
	s13 =	smul.u32 $0x280, s1;
	s9 =	sadd.s32 $0x280, s6;
	s10 =	sadd.s32 $0x500, s6  }
.LBB2_1:
0x13: {  	s26 =	sand.u32 $0x7E00, s3  }
0x14: {  	s28 =	sand.u32 $0x70, s3;
	s29 =	sshrl.u32 s26, $0x2  }
0x15: {  	s26 =	simm.s32 $0x40;
	s29 =	sor.u32 s28, s29;
	s28 =	simm.s32 $0x0  }
.LBB2_2:
0x16: {  	p0 =	sne.s32 s26, $0x4FC0  }
0x17: {  	[tilespmem:s29+$0x17880] =	vst v0;
	s28 =	sadd.s32 $0x10, s28;
	s29 =	smov.u32 s26;
	s26 =	sadd.s32 $0x40, s26  }
.Ltmp0:
0x18: {  	(pc) =	sbr.rel @p0 .LBB2_2-.Ltmp0, $4  }
0x19: {  	_ = 	snop  }
0x1a: {  	s29 =	sand.u32 $0x7E00, s29  }
0x1b: {  	s30 =	sand.u32 $0x70, s28;
	s29 =	sshrl.u32 s29, $0x2  }
0x1c: {  	s29 =	sor.u32 s30, s29  }
0x1d: {  	p0 =	sne.s32 s4, $0x1  }
.Ltmp1:
0x1e: {  	_ = 	snop;
	(pc) =	sbr.rel @!p0 .LBB2_5-.Ltmp1, $4  }
0x1f: {  	[tilespmem:s29+$0x17880] =	vst v0  }
0x20: {  	[spmem:s11] =	stream.linear.scatter [tilespmem:s14], [sflag:$0x5], $0x1400, $0x38;
	[tilespmem:$0x1A080] =	vst v63  }
0x21: {  	_ =	swait.ge [sflag:s15], $0x1400  }
0x22: {  	s26 =	sadd.s32 $0xFFFFFFFF, s4;
	s28 =	smov.u32 s11;
	[sflag:s15] =	ssyncset.done $0x0  }
.LBB2_4:
0x23: {  	p1 =	sne.s32 s26, $0x1;
	[sflag:s15] =	ssyncadd.s32 $0xFFFFEC00;
	s28 =	sadd.s32 $0x14000, s28  }
.Ltmp2:
0x24: {  	s26 =	sadd.s32 $0xFFFFFFFF, s26;
	(pc) =	sbr.rel @p1 .LBB2_4-.Ltmp2, $4  }
0x25: {  	_ = 	snop  }
0x26: {  	[spmem:s28] =	stream.linear.scatter [tilespmem:s14], [sflag:$0x5], $0x1400, $0x38;
	[tilespmem:$0x1A080] =	vst v63  }
0x27: {  	_ =	swait.ge [sflag:s15], $0x1400  }
0x28: {  	[sflag:s15] =	ssyncset.done $0x0  }
.LBB2_5:
0x29: {  	[sflag:s15] =	ssyncadd.s32 $0xFFFFEC00  }
0x2a: {  	s26 =	simm.s32 $0x0;
	[bflag:$0x0] =	sbarrier.arrive $0xFFFF  }
0x2b: {  	[tilespmem:s16], [sflag:$0x5] =	stream.linear.gather [hbm4b:s5+s26], $0x3E80, $0x38;
	[tilespmem:$0x1A080] =	vst v63  }
0x2c: {  	_ =	swait.ge [sflag:s15], $0x3E80  }
0x2d: {  	[sflag:s15] =	ssyncset.done $0x0  }
0x2e: {  	[sflag:s15] =	ssyncadd.s32 $0xFFFFC180  }
0x2f: {  	[tilespmem:s14], [sflag:$0x1] =	stream.linear.gather [hbm4b:s6+s26], $0x1400, $0x38;
	[tilespmem:$0x1A080] =	vst v63  }
0x30: {  	_ = 	snop  }
0x31: {  	[tilespmem:s17], [sflag:$0x2] =	stream.linear.gather [hbm4b:s9+s26], $0x1400, $0x38;
	[tilespmem:$0x1A080] =	vst v63  }
0x32: {  	_ =	swait.ge [sflag:s18], $0x1400  }
0x33: {  	[sflag:s18] =	ssyncset.done $0x0  }
0x34: {  	[sflag:s18] =	ssyncadd.s32 $0xFFFFEC00  }
0x35: {  	[spmem:s2] =	stream.indirect.scatter.add.f32 [tilespmem:s14], [sflag:$0x3], $0x80, s16, s19, $0xb8;
	[tilespmem:$0x1A080] =	vst v63  }
0x36: {  	_ =	swait.ge [sflag:s20], $0x1400  }
0x37: {  	[sflag:s20] =	ssyncset.done $0x0  }
0x38: {  	[sflag:s20] =	ssyncadd.s32 $0xFFFFEC00  }
0x39: {  	[tilespmem:s14], [sflag:$0x1] =	stream.linear.gather [hbm4b:s10+s26], $0x1400, $0x38;
	[tilespmem:$0x1A080] =	vst v63  }
0x3a: {  	_ =	swait.ge [sflag:s21], $0x1400  }
0x3b: {  	[sflag:s21] =	ssyncset.done $0x0  }
0x3c: {  	[sflag:s21] =	ssyncadd.s32 $0xFFFFEC00  }
0x3d: {  	[spmem:s2] =	stream.indirect.scatter.add.f32 [tilespmem:s17], [sflag:$0x4], $0x80, s22, s19, $0xb8;
	[tilespmem:$0x1A080] =	vst v63  }
0x3e: {  	_ =	swait.ge [sflag:s23], $0x1400  }
0x3f: {  	[sflag:s23] =	ssyncset.done $0x0  }
0x40: {  	[sflag:s23] =	ssyncadd.s32 $0xFFFFEC00  }
0x41: {  	[tilespmem:s17], [sflag:$0x2] =	stream.linear.gather [hbm4b:s12+s3], $0x1400, $0x38;
	[tilespmem:$0x1A080] =	vst v63  }
0x42: {  	_ =	swait.ge [sflag:s18], $0x1400  }
0x43: {  	[sflag:s18] =	ssyncset.done $0x0  }
0x44: {  	s30 =	simm.s32 $0x13980;
	[sflag:s18] =	ssyncadd.s32 $0xFFFFEC00  }
0x45: {  	[spmem:s2] =	stream.indirect.scatter.add.f32 [tilespmem:s14], [sflag:$0x3], $0x80, s30, s19, $0xb8;
	[tilespmem:$0x1A080] =	vst v63  }
0x46: {  	_ =	swait.ge [sflag:s20], $0x1400  }
0x47: {  	[sflag:s20] =	ssyncset.done $0x0  }
0x48: {  	s31 =	sadd.s32 $0x280, s12;
	[sflag:s20] =	ssyncadd.s32 $0xFFFFEC00  }
0x49: {  	[tilespmem:s14], [sflag:$0x1] =	stream.linear.gather [hbm4b:s31+s3], $0x1400, $0x38;
	[tilespmem:$0x1A080] =	vst v63  }
0x4a: {  	_ =	swait.ge [sflag:s21], $0x1400  }
0x4b: {  	s29 =	simm.s32 $0x13A00;
	[sflag:s21] =	ssyncset.done $0x0  }
0x4c: {  	s28 =	sadd.s32 $0x500, s12;
	s26 =	simm.s32 $0x400;
	[sflag:s21] =	ssyncadd.s32 $0xFFFFEC00  }
.LBB2_6:
0x4d: {  	[spmem:s2] =	stream.indirect.scatter.add.f32 [tilespmem:s17], [sflag:$0x4], $0x80, s29, s19, $0xb8;
	[tilespmem:$0x1A080] =	vst v63  }
0x4e: {  	s29 =	smov.u32 s26  }
0x4f: {  	p1 =	sne.s32 s26, $0xF000;
	s26 =	sadd.s32 $0x400, s26;
	_ =	swait.ge [sflag:s23], $0x1400  }
0x50: {  	[sflag:s23] =	ssyncset.done $0x0  }
0x51: {  	[sflag:s23] =	ssyncadd.s32 $0xFFFFEC00  }
0x52: {  	[tilespmem:s17], [sflag:$0x2] =	stream.linear.gather [hbm4b:s28+s3], $0x1400, $0x38;
	[tilespmem:$0x1A080] =	vst v63  }
0x53: {  	_ =	swait.ge [sflag:s18], $0x1400  }
0x54: {  	s29 =	sshra.s32 s29, $0x2;
	[sflag:s18] =	ssyncset.done $0x0  }
0x55: {  	s30 =	sadd.s32 $0x13980, s29;
	[sflag:s18] =	ssyncadd.s32 $0xFFFFEC00  }
0x56: {  	[spmem:s2] =	stream.indirect.scatter.add.f32 [tilespmem:s14], [sflag:$0x3], $0x80, s30, s19, $0xb8;
	[tilespmem:$0x1A080] =	vst v63  }
0x57: {  	_ =	swait.ge [sflag:s20], $0x1400  }
0x58: {  	[sflag:s20] =	ssyncset.done $0x0  }
.Ltmp3:
0x59: {  	s30 =	sadd.s32 $0x280, s28;
	[sflag:s20] =	ssyncadd.s32 $0xFFFFEC00;
	(pc) =	sbr.rel @p1 .LBB2_6-.Ltmp3, $4  }
0x5a: {  	[tilespmem:s14], [sflag:$0x1] =	stream.linear.gather [hbm4b:s30+s3], $0x1400, $0x38;
	[tilespmem:$0x1A080] =	vst v63  }
0x5b: {  	_ =	swait.ge [sflag:s21], $0x1400  }
0x5c: {  	[sflag:s21] =	ssyncset.done $0x0  }
0x5d: {  	s29 =	sadd.s32 $0x13A00, s29;
	s28 =	sadd.s32 $0x500, s28;
	[sflag:s21] =	ssyncadd.s32 $0xFFFFEC00  }
0x5e: {  	[spmem:s2] =	stream.indirect.scatter.add.f32 [tilespmem:s17], [sflag:$0x4], $0x80, s29, s19, $0xb8;
	[tilespmem:$0x1A080] =	vst v63  }
0x5f: {  	_ =	swait.ge [sflag:s18], $0x1400  }
0x60: {  	[sflag:s18] =	ssyncset.done $0x0  }
0x61: {  	[sflag:s18] =	ssyncadd.s32 $0xFFFFEC00  }
0x62: {  	[spmem:s2] =	stream.indirect.scatter.add.f32 [tilespmem:s14], [sflag:$0x3], $0x80, s24, s19, $0xb8;
	[tilespmem:$0x1A080] =	vst v63  }
0x63: {  	_ =	swait.ge [sflag:s20], $0x1400  }
0x64: {  	[sflag:s20] =	ssyncset.done $0x0  }
0x65: {  	[sflag:s20] =	ssyncadd.s32 $0xFFFFEC00  }
0x66: {  	_ =	swait.ge [sflag:s23], $0x1400  }
0x67: {  	[sflag:s23] =	ssyncset.done $0x0  }
0x68: {  	[sflag:s23] =	ssyncadd.s32 $0xFFFFEC00  }
0x69: {  	[bflag:$0x0] =	sbarrier.arrive $0xFFFF  }
0x6a: {  	[tilespmem:s14], [sflag:$0x5] =	stream.linear.gather [spmem:s11], $0x1400, $0x38;
	[tilespmem:$0x1A080] =	vst v63  }
0x6b: {  	_ =	swait.ge [sflag:s15], $0x1400  }
.Ltmp4:
0x6c: {  	[sflag:s15] =	ssyncset.done $0x0;
	(pc) =	sbr.rel @!p0 .LBB2_9-.Ltmp4, $4  }
0x6d: {  	s26 =	sadd.s32 s13, s7;
	[sflag:s15] =	ssyncadd.s32 $0xFFFFEC00  }
0x6e: {  	[hbm4b:s26+s3] =	stream.linear.scatter [tilespmem:s14], [sflag:$0x5], $0x1400, $0x38;
	[tilespmem:$0x1A080] =	vst v63  }
0x6f: {  	s28 =	smov.u32 s13;
	_ =	swait.ge [sflag:s15], $0x1400  }
0x70: {  	s29 =	smov.u32 s11;
	s26 =	sadd.s32 $0xFFFFFFFF, s4;
	[sflag:s15] =	ssyncset.done $0x0  }
.LBB2_8:
0x71: {  	[sflag:s15] =	ssyncadd.s32 $0xFFFFEC00;
	s28 =	sadd.s32 $0x2800, s28;
	s29 =	sadd.s32 $0x14000, s29  }
0x72: {  	[tilespmem:s14], [sflag:$0x5] =	stream.linear.gather [spmem:s29], $0x1400, $0x38;
	[tilespmem:$0x1A080] =	vst v63  }
0x73: {  	p0 =	sne.s32 s26, $0x1;
	s26 =	sadd.s32 $0xFFFFFFFF, s26;
	_ =	swait.ge [sflag:s15], $0x1400  }
.Ltmp5:
0x74: {  	[sflag:s15] =	ssyncset.done $0x0;
	(pc) =	sbr.rel @p0 .LBB2_8-.Ltmp5, $4  }
0x75: {  	s30 =	sadd.s32 s28, s7;
	[sflag:s15] =	ssyncadd.s32 $0xFFFFEC00  }
0x76: {  	[hbm4b:s30+s3] =	stream.linear.scatter [tilespmem:s14], [sflag:$0x5], $0x1400, $0x38;
	[tilespmem:$0x1A080] =	vst v63  }
0x77: {  	_ =	swait.ge [sflag:s15], $0x1400  }
0x78: {  	[sflag:s15] =	ssyncset.done $0x0  }
.LBB2_9:
0x79: {  	s25 =	sadd.s32 $0x1, s25  }
0x7a: {  	p0 =	sne.s32 s25, s8  }
.Ltmp6:
0x7b: {  	_ = 	snop;
	(pc) =	sbr.rel @p0 .LBB2_1-.Ltmp6, $2  }
0x7c: {  	_ =	sdelay $0x2  }
0x7d: {  	[sflag:s15] =	ssyncadd.s32 $0xFFFFEC00  }
0x7e: {  	_ =	sfence.sel $0x180000  }
0x7f: {  	[bflag:$0x0] =	sbarrier.arrive $0xFFFF  }
0x80: {  	p0 =	sne.s32 s1, $0x0;
	_ =	strace $0x90000050  }
0x81: {  	s0 =	sadd.s32 @!p0 $0x100000, s0;
	[bflag:$0x2] =	sbarrier.arrive $0xFFFF  }
0x82: {  	[sflag:s0] =	ssyncadd.tile.s32 @!p0 $0x1;
	_ =	shalt  }
.Lfunc_end2:
_tile_overlayer_lowered:
.L_overlay_start_2:
0x83: {  	(tag) =	ssettag $0x2  }
0x84: {  	s0 =	rddreg [dreg:$0x0];
	s2 =	stileid.u32  }
0x85: {  	s1 =	rddreg [dreg:$0x1];
	p0 =	sne.s32 s2, $0x0  }
0x86: {  	s3 =	rddreg [dreg:$0x2];
	[bflag:$0x3] =	sbarrier.arrive $0xFFFF;
	s2 =	simm.s32 @!p0 $0x1C05  }
0x87: {  	[timem:s3], [sflag:s2] =	dma.local @!p0 [hbm:s0], s1  }
0x88: {  	s0 =	simm.s32 @!p0 $0x5  }
0x89: {  	_ =	swait.ge @!p0 [sflag:s0], s1  }
0x8a: {  	s1 =	ssub.s32 @!p0 $0x0, s1;
	[sflag:s0] =	ssyncset.done @!p0 $0x0  }
0x8b: {  	[sflag:s0] =	ssyncadd.s32 @!p0 s1  }
0x8c: {  	[bflag:$0x3] =	sbarrier.arrive $0xFFFF  }
0x8d: {  	_ =	shalt  }

// kernel: kernel.16.cloned.1.call-start
scs
__scs_entry_jumppad:
0x0: {  	(pc) =	sbr.rel $0x88, $3  }
0x1: {  	(tag) =	ssettag $0x0;
	lr =	simm.s32 $0x1  }
0x2: {  	[smem:$0x3F89] =	sst lr;
	_ =	strace $0xD0000000  }
0x3: {  	_ = 	snop  }
0x4: {  	_ = 	snop  }
0x5: {  	_ = 	snop  }
0x6: {  	_ = 	snop  }
0x7: {  	_ = 	snop  }
__scs_overlays_trampoline_lowered:
0x8: {  	[smem:$0x3F98] =	sst s0  }
0x9: {  	[smem:$0x3F99] =	sst s1  }
0xa: {  	[smem:$0x3F9A] =	sst s2  }
0xb: {  	[smem:$0x3F9B] =	sst s3  }
0xc: {  	[smem:$0x3F9C] =	sst s4  }
0xd: {  	[smem:$0x3F9D] =	sst s5  }
0xe: {  	[smem:$0x3F9E] =	sst s6  }
0xf: {  	[smem:$0x3F9F] =	sst s7  }
0x10: {  	[smem:$0x3FA0] =	sst s8  }
0x11: {  	[smem:$0x3FA1] =	sst s9;
	s0 =	simm.s32 @!p0 $0x0  }
0x12: {  	s1 =	sld [smem:$0x3F87];
	s0 =	simm.s32 @p0 $0x1  }
0x13: {  	[smem:$0x3FA2] =	sst s0;
	s0 =	simm.s32 @!p1 $0x0  }
0x14: {  	s2 =	sld [smem:$0x3F86];
	s0 =	simm.s32 @p1 $0x1  }
0x15: {  	[smem:$0x3FA3] =	sst s0;
	s0 =	simm.s32 @!p2 $0x0  }
0x16: {  	s3 =	sld [smem:$0x3FDB];
	s0 =	simm.s32 @p2 $0x1  }
0x17: {  	s4 =	simm.s32 $0x1BF5;
	[smem:$0x3FA5] =	sst s0  }
0x18: {  	s0 =	sld [smem:$0x3F88];
	_ =	swait.ge [sflag:s4], $0x0  }
0x19: {  	s7 =	sld [smem:$0x3F89]  }
0x1a: {  	s8 =	sadd.s32 $0xFFFFE003, lr  }
0x1b: {  	s9 =	sadd.s32 $0xFFFFFEF7, lr;
	s5 =	simm.s32 $0xFFFFFFFF;
	p2 =	slt.u32 s8, $0xFFFFF086  }
0x1c: {  	p1 =	slt.u32 s9, $0xF7A;
	s5 =	simm.s32 @!p2 $0x0  }
0x1d: {  	s5 =	simm.s32 @p1 $0x1;
	p0 =	seq.s32 s7, s2  }
0x1e: {  	s7 =	smul.u32 @!p0 $0xF7A, s2;
	p2 =	seq.s32 @!p0 s5, $0x0  }
0x1f: {  	s9 =	smul.u32 $0xF7A, s1;
	s8 =	simm.s32 @!p0 $0x1BF5;
	p2 =	por !p2, p0  }
0x20: {  	[sflag:s8] =	ssyncset.s32 @!p0 $0xFFFFF086;
	s6 =	sadd.s32 @!p0 s3, s7;
	s7 =	simm.s32 @!p0 $0x108  }
0x21: {  	s3 =	sadd.s32 s3, s9;
	s6 =	sadd.s32 @!p0 $0x88, s6;
	s7 =	simm.s32 @p2 $0x1082  }
0x22: {  	[simem:s7], [sflag:s8] =	dma.local @!p0 [hbm:s6], $0xF7A  }
0x23: {  	s9 =	sor.u32 $0xD0000000, s2;
	s6 =	simm.s32 $0x108;
	_ =	swait.ge @!p0 [sflag:s8], $0x0  }
0x24: {  	s3 =	sadd.s32 $0x88, s3;
	s6 =	simm.s32 @!p1 $0x1082;
	[sflag:s4] =	ssyncset.s32 $0xFFFFF086  }
0x25: {  	[simem:s6], [sflag:s4] =	dma.local [hbm:s3], $0xF7A  }
0x26: {  	[smem:$0x3F89] =	sst s1;
	(tag) =	ssettag s2;
	_ =	strace s9  }
0x27: {  	s1 =	sld [smem:$0x3F99]  }
0x28: {  	s2 =	sld [smem:$0x3F9A]  }
0x29: {  	s4 =	sld [smem:$0x3F9C]  }
0x2a: {  	p0 =	seq.s32 s5, $0x0;
	s5 =	sld [smem:$0x3F9D]  }
0x2b: {  	s6 =	sld [smem:$0x3F9E]  }
0x2c: {  	s7 =	sld [smem:$0x3F9F]  }
0x2d: {  	s3 =	simm.s32 $0x108;
	s8 =	sld [smem:$0x3FA0]  }
0x2e: {  	s3 =	simm.s32 @!p0 $0x1082;
	s9 =	sld [smem:$0x3FA1]  }
0x2f: {  	lr =	sadd.s32 s0, s3;
	s0 =	sld [smem:$0x3F98]  }
0x30: {  	s3 =	sld [smem:$0x3F9B]  }
0x31: {  	[smem:$0x3FA4] =	sst s10  }
0x32: {  	s10 =	sld [smem:$0x3FA2];
	_ =	sdelay $0x3  }
0x33: {  	p0 =	seq.s32 s10, $0x1;
	s10 =	sld [smem:$0x3FA4];
	_ =	sdelay $0x3  }
0x34: {  	[smem:$0x3FA4] =	sst s10  }
0x35: {  	s10 =	sld [smem:$0x3FA3];
	_ =	sdelay $0x3  }
0x36: {  	p1 =	seq.s32 s10, $0x1;
	s10 =	sld [smem:$0x3FA4];
	_ =	sdelay $0x3  }
0x37: {  	[smem:$0x3FA4] =	sst s10  }
0x38: {  	s10 =	sld [smem:$0x3FA5]  }
0x39: {  	_ = 	snop;
	(pc) =	sbr.ind lr, $3  }
0x3a: {  	_ = 	snop  }
0x3b: {  	_ = 	snop  }
0x3c: {  	p2 =	seq.s32 s10, $0x1;
	s10 =	sld [smem:$0x3FA4]  }
0x3d: {  	_ =	shalt  }
0x3e: {  	_ =	shalt  }
0x3f: {  	_ =	shalt  }
0x40: {  	_ =	shalt  }
0x41: {  	_ =	shalt  }
0x42: {  	_ =	shalt  }
0x43: {  	_ =	shalt  }
0x44: {  	_ =	shalt  }
0x45: {  	_ =	shalt  }
0x46: {  	_ =	shalt  }
0x47: {  	_ =	shalt  }
0x48: {  	_ =	shalt  }
0x49: {  	_ =	shalt  }
0x4a: {  	_ =	shalt  }
0x4b: {  	_ =	shalt  }
0x4c: {  	_ =	shalt  }
0x4d: {  	_ =	shalt  }
0x4e: {  	_ =	shalt  }
0x4f: {  	_ =	shalt  }
0x50: {  	_ =	shalt  }
0x51: {  	_ =	shalt  }
0x52: {  	_ =	shalt  }
0x53: {  	_ =	shalt  }
0x54: {  	_ =	shalt  }
0x55: {  	_ =	shalt  }
0x56: {  	_ =	shalt  }
0x57: {  	_ =	shalt  }
0x58: {  	_ =	shalt  }
0x59: {  	_ =	shalt  }
0x5a: {  	_ =	shalt  }
0x5b: {  	_ =	shalt  }
0x5c: {  	_ =	shalt  }
0x5d: {  	_ =	shalt  }
0x5e: {  	_ =	shalt  }
0x5f: {  	_ =	shalt  }
0x60: {  	_ =	shalt  }
0x61: {  	_ =	shalt  }
0x62: {  	_ =	shalt  }
0x63: {  	_ =	shalt  }
0x64: {  	_ =	shalt  }
0x65: {  	_ =	shalt  }
0x66: {  	_ =	shalt  }
0x67: {  	_ =	shalt  }
0x68: {  	_ =	shalt  }
0x69: {  	_ =	shalt  }
0x6a: {  	_ =	shalt  }
0x6b: {  	_ =	shalt  }
0x6c: {  	_ =	shalt  }
0x6d: {  	_ =	shalt  }
0x6e: {  	_ =	shalt  }
0x6f: {  	_ =	shalt  }
0x70: {  	_ =	shalt  }
0x71: {  	_ =	shalt  }
0x72: {  	_ =	shalt  }
0x73: {  	_ =	shalt  }
0x74: {  	_ =	shalt  }
0x75: {  	_ =	shalt  }
0x76: {  	_ =	shalt  }
0x77: {  	_ =	shalt  }
0x78: {  	_ =	shalt  }
0x79: {  	_ =	shalt  }
0x7a: {  	_ =	shalt  }
0x7b: {  	_ =	shalt  }
0x7c: {  	_ =	shalt  }
0x7d: {  	_ =	shalt  }
0x7e: {  	_ =	shalt  }
0x7f: {  	_ =	shalt  }
0x80: {  	_ =	shalt  }
0x81: {  	_ =	shalt  }
0x82: {  	_ =	shalt  }
0x83: {  	_ =	shalt  }
0x84: {  	_ =	shalt  }
0x85: {  	_ =	shalt  }
0x86: {  	_ =	shalt  }
0x87: {  	_ =	shalt  }
.Lfunc_end0:
.L_simem_size_0:
called_computation.2_lowered:
.L_overlay_start_0:
0x88: {  	s2 =	sld [smem:$0x3FD9]  }
0x89: {  	s3 =	sld [smem:$0x3FFE];
	_ =	sdelay $0x1  }
0x8a: {  	s1 =	srdreg.scid  }
0x8b: {  	s0 =	sand.u32 $0x1, s1  }
0x8c: {  	s16 =	sshll.u32 s0, $0xA;
	s2 =	sadd.s32 s3, s2  }
0x8d: {  	s2 =	sadd.s32 s2, s16  }
0x8e: {  	[smem:$0x3FB0] =	sst s2  }
0x8f: {  	_ = 	snop  }
0x90: {  	(tm) =	ssettm $0x1  }
0x91: {  	s17 =	sld [smem:$0x3FFB];
	_ =	sdelay $0x3  }
0x92: {  	_ =	strace s17  }
0x93: {  	s2 =	sld [smem:$0x3FFC];
	_ =	sdelay $0x3  }
0x94: {  	_ =	strace s2  }
0x95: {  	s2 =	sld [smem:$0x3FFD];
	_ =	sdelay $0x3  }
0x96: {  	_ =	strace s2  }
0x97: {  	_ =	strace $0x8FFFFFFF  }
0x98: {  	s18 =	sld [smem:$0x3FDB];
	_ =	sdelay $0x1  }
0x99: {  	s19 =	simm.s32 $_scs_section_size  }
0x9a: {  	s4 =	simm.s32 $_size__tile_overlayer_lowered;
	s5 =	simm.s32 $_tile_overlayer_lowered  }
0x9b: {  	s22 =	simm.s32 $0x1BFF;
	s21 =	sshll.u32 s5, $0x1;
	s2 =	sadd.s32 s19, s18  }
0x9c: {  	s6 =	simm.s32 $0x0;
	s20 =	sshll.u32 s4, $0x1;
	s4 =	sadd.s32 s21, s2  }
0x9d: {  	[timem:s6], [sflag:s22] =	dma.local [hbm:s4], s20  }
0x9e: {  	_ =	swait.ge [sflag:s22], s20  }
0x9f: {  	s3 =	ssub.s32 $0x0, s20;
	[sflag:s22] =	ssyncset.done $0x0  }
0xa0: {  	[sflag:s22] =	ssyncadd.s32 s3;
	_ =	sdelay $0x1  }
0xa1: {  	s23 =	simm.s32 $0x1B8B  }
0xa2: {  	_ =	swait.ge [sflag:s23], $0x1  }
0xa3: {  	[sflag:s23] =	ssyncset.done $0x0  }
0xa4: {  	s25 =	simm.s32 $0x1B8E;
	s24 =	sld [smem:$0x3FFE];
	[sflag:s23] =	ssyncadd.s32 $0xFFFFFFFF  }
0xa5: {  	s26 =	simm.s32 $execute0_lowered;
	[smem:$0x3FD2] =	sst s25  }
0xa6: {  	s4 =	sshll.u32 s26, $0x1;
	_ =	strace $0x80000046;
	[dreg:$0x1] =	wrdreg $0xFFFFFFFF  }
0xa7: {  	s28 =	simm.s32 $_size_execute0_lowered;
	s2 =	sadd.s32 s2, s4;
	[dreg:$0x0] =	wrdreg $0x0  }
0xa8: {  	s4 =	sshll.u32 s28, $0x1;
	[dreg:$0x2] =	wrdreg s2  }
0xa9: {  	[dreg:$0x3] =	wrdreg s4  }
0xaa: {  	[dreg:$0x4] =	wrdreg $0xC0  }
0xab: {  	_ =	task [dreg:s6], $0x5FFFF  }
0xac: {  	[dreg:$0x1] =	wrdreg $0xFFFFFFFF  }
0xad: {  	[dreg:$0x0] =	wrdreg $0x60  }
0xae: {  	[dreg:$0x2] =	wrdreg s24  }
0xaf: {  	[dreg:$0x3] =	wrdreg $0xA  }
0xb0: {  	_ =	task.clear_ibuf [dreg:s6], $0x4FFFF;
	_ =	strace $0x90000046  }
0xb1: {  	s29 =	simm.s32 $0xA;
	_ =	strace $0x80000048  }
0xb2: {  	_ =	swait.ge [sflag:s29], $0x1  }
0xb3: {  	[sflag:s29] =	ssyncadd.s32 $0xFFFFFFFF  }
0xb4: {  	_ =	strace $0x90000048  }
0xb5: {  	_ =	sfence  }
0xb6: {  	s30 =	sld [smem:$0x0];
	_ =	sdelay $0x2  }
0xb7: {  	s31 =	sshll.u32 s1, $0xD;
	s1 =	sshrl.u32 s1, $0x2  }
0xb8: {  	s3 =	sand.u32 $0x4000, s31;
	s1 =	sadd.s32 s1, s30  }
0xb9: {  	s0 =	sor.u32 s3, s0;
	s1 =	sshll.u32 s1, $0x11  }
0xba: {  	s0 =	sor.u32 s1, s0  }
0xbb: {  	s0 =	sadd.s32 $0x8F2B, s0  }
0xbc: {  	[sflag:s0] =	ssyncadd.remote.s32 $0x1  }
0xbd: {  	_ =	sfence.sel $0xFFFF  }
0xbe: {  	[dreg:$0x0] =	wrdreg $0xFFFFFFFF;
	(pc) =	sbr.abs _section_cstart, $3  }
0xbf: {  	[dreg:$0x1] =	wrdreg $0xFFFFFFFF  }
0xc0: {  	_ =	task.clear_ibuf [dreg:s6], $0x2FFFF;
	_ =	strace $0x9FFFFFFF  }
0xc1: {  	(tm) =	ssettm $0x7FFFFFFF  }
tec
execute0_lowered:
.L_overlay_start_1:
0x0: {  	(tag) =	ssettag $0x1  }
0x1: {  	s0 =	rddreg [dreg:$0x0];
	s2 =	simm.s32 $0x0  }
0x2: {  	s1 =	srdreg.scid;
	s10 =	stileid.u32;
	s16 =	simm.s32 $0x9  }
0x3: {  	s17 =	simm.s32 $0x4000;
	s18 =	simm.s32 $0x28;
	s19 =	simm.s32 $0x8000  }
0x4: {  	s20 =	simm.s32 $0xA800;
	s28 =	simm.s32 $0x5;
	s29 =	simm.s32 $0x7  }
0x5: {  	s30 =	simm.s32 $0x0;
	[smem:$0x7FF] =	sst s2;
	s1 =	sand.u32 $0x1, s1  }
0x6: {  	s4 =	sshll.u32 s10, $0x1;
	s3 =	sadd.s32 $0x6800, s0;
	s13 =	sadd.s32 $0x74C00, s0  }
0x7: {  	s25 =	smul.u32 $0x27100, s10;
	_ =	strace $0x80000047;
	s5 =	sor.u32 s1, s4  }
0x8: {  	s4 =	sadd.s32 $0x4DA00, s0;
	s8 =	ssub.s32 $0x2, s1;
	s1 =	smul.u32 $0x13880, s1  }
0x9: {  	s6 =	sshll.u32 s5, $0xB;
	s7 =	smul.u32 $0x9C400, s5;
	s9 =	sshrl.u32 s8, $0x1  }
0xa: {  	s5 =	smul.u32 $0x13880, s5;
	s31 =	sadd.s32 s25, s13;
	s6 =	sadd.s32 s6, s0  }
0xb: {  	s0 =	sadd.s32 $0x2E5C00, s0;
	s9 =	ssub.s32 s8, s9;
	s14 =	sadd.s32 s1, s31  }
0xc: {  	s7 =	sshrl.u32 s7, $0x3;
	s21 =	sadd.s32 $0x2DA00, s6;
	s6 =	sadd.s32 $0x3DA00, s6  }
0xd: {  	s24 =	smax.u32 s9, $0x1;
	s10 =	sadd.s32 s13, s5;
	[dreg:$0x2] =	wrdreg s21  }
0xe: {  	s26 =	sadd.s32 $0x280, s5;
	s11 =	sadd.s32 s0, s5;
	[dreg:$0x3] =	wrdreg s6  }
0xf: {  	s7 =	sadd.s32 $0x13600, s7;
	[dreg:$0x6] =	wrdreg s24;
	s12 =	sadd.s32 s13, s26  }
0x10: {  	s24 =	simm.s32 $0xBC00;
	s21 =	simm.s32 $0x6;
	s22 =	sadd.s32 s13, s7  }
0x11: {  	s23 =	sadd.s32 s0, s7;
	s13 =	sadd.s32 s0, s26;
	s0 =	sadd.s32 s25, s0  }
0x12: {  	s25 =	simm.s32 $0x1;
	s26 =	simm.s32 $0x3;
	[dreg:$0x4] =	wrdreg s22  }
0x13: {  	[dreg:$0x5] =	wrdreg s23;
	s15 =	sadd.s32 s1, s0;
	s22 =	simm.s32 $0x9400  }
0x14: {  	s0 =	simm.s32 $0x2;
	s1 =	simm.s32 $0x4;
	s23 =	simm.s32 $0x8  }
.LBB2_1:
0x15: {  	s5 =	rddreg [dreg:$0x2]  }
0x16: {  	[tilespmem:s2], [sflag:$0x9] =	stream.linear.gather [hbm4b:s5+s2], $0x3E80, $0x38;
	[tilespmem:$0xD000] =	vst v63  }
0x17: {  	_ =	swait.ge [sflag:s16], $0x3E80  }
0x18: {  	[sflag:s16] =	ssyncset.done $0x0  }
0x19: {  	s6 =	rddreg [dreg:$0x3];
	[sflag:s16] =	ssyncadd.s32 $0xFFFFC180  }
0x1a: {  	[tilespmem:s17], [sflag:$0x9] =	stream.linear.gather [hbm4b:s6+s2], $0x3E80, $0x38;
	[tilespmem:$0xD000] =	vst v63  }
0x1b: {  	_ =	swait.ge [sflag:s16], $0x3E80  }
0x1c: {  	[sflag:s16] =	ssyncset.done $0x0  }
0x1d: {  	[sflag:s16] =	ssyncadd.s32 $0xFFFFC180  }
0x1e: {  	[tilespmem:s19], [sflag:$0x1] =	stream.indirect.gather [hbm4b:s3+s18], $0x80, s2, s18, $0xb8;
	[tilespmem:$0xD000] =	vst v63  }
0x1f: {  	_ = 	snop  }
0x20: {  	[tilespmem:s20], [sflag:$0x3] =	stream.indirect.gather [hbm4b:s4+s18], $0x80, s17, s18, $0xb8;
	[tilespmem:$0xD000] =	vst v63  }
0x21: {  	s7 =	simm.s32 $0x80  }
0x22: {  	[tilespmem:s22], [sflag:$0x2] =	stream.indirect.gather [hbm4b:s3+s18], $0x80, s7, s18, $0xb8;
	[tilespmem:$0xD000] =	vst v63  }
0x23: {  	s8 =	simm.s32 $0x4080  }
0x24: {  	[tilespmem:s24], [sflag:$0x4] =	stream.indirect.gather [hbm4b:s4+s18], $0x80, s8, s18, $0xb8;
	[tilespmem:$0xD000] =	vst v63  }
0x25: {  	_ =	swait.ge [sflag:s25], $0x1400  }
0x26: {  	[sflag:s25] =	ssyncset.done $0x0  }
0x27: {  	[sflag:s25] =	ssyncadd.s32 $0xFFFFEC00  }
0x28: {  	_ =	swait.ge [sflag:s26], $0x1400  }
0x29: {  	[sflag:s26] =	ssyncset.done $0x0  }
0x2a: {  	[sflag:s26] =	ssyncadd.s32 $0xFFFFEC00  }
0x2b: {  	[hbm4b:s10+s2] =	stream.linear.scatter [tilespmem:s19], [sflag:$0x5], $0x1400, $0x38;
	[tilespmem:$0xD000] =	vst v63  }
0x2c: {  	_ = 	snop  }
0x2d: {  	[hbm4b:s11+s2] =	stream.linear.scatter [tilespmem:s20], [sflag:$0x7], $0x1400, $0x38;
	[tilespmem:$0xD000] =	vst v63  }
0x2e: {  	_ =	swait.ge [sflag:s28], $0x1400  }
0x2f: {  	[sflag:s28] =	ssyncset.done $0x0  }
0x30: {  	[sflag:s28] =	ssyncadd.s32 $0xFFFFEC00  }
0x31: {  	_ =	swait.ge [sflag:s29], $0x1400  }
0x32: {  	[sflag:s29] =	ssyncset.done $0x0  }
0x33: {  	s9 =	simm.s32 $0x100;
	[sflag:s29] =	ssyncadd.s32 $0xFFFFEC00  }
0x34: {  	[tilespmem:s19], [sflag:$0x1] =	stream.indirect.gather [hbm4b:s3+s18], $0x80, s9, s18, $0xb8;
	[tilespmem:$0xD000] =	vst v63  }
0x35: {  	s6 =	simm.s32 $0x4100  }
0x36: {  	[tilespmem:s20], [sflag:$0x3] =	stream.indirect.gather [hbm4b:s4+s18], $0x80, s6, s18, $0xb8;
	[tilespmem:$0xD000] =	vst v63  }
0x37: {  	_ =	swait.ge [sflag:s0], $0x1400  }
0x38: {  	[sflag:s0] =	ssyncset.done $0x0  }
0x39: {  	[sflag:s0] =	ssyncadd.s32 $0xFFFFEC00  }
0x3a: {  	_ =	swait.ge [sflag:s1], $0x1400  }
0x3b: {  	[sflag:s1] =	ssyncset.done $0x0  }
0x3c: {  	[sflag:s1] =	ssyncadd.s32 $0xFFFFEC00  }
0x3d: {  	[hbm4b:s12+s2] =	stream.linear.scatter [tilespmem:s22], [sflag:$0x6], $0x1400, $0x38;
	[tilespmem:$0xD000] =	vst v63  }
0x3e: {  	_ = 	snop  }
0x3f: {  	[hbm4b:s13+s2] =	stream.linear.scatter [tilespmem:s24], [sflag:$0x8], $0x1400, $0x38;
	[tilespmem:$0xD000] =	vst v63  }
0x40: {  	_ =	swait.ge [sflag:s21], $0x1400  }
0x41: {  	[sflag:s21] =	ssyncset.done $0x0  }
0x42: {  	[sflag:s21] =	ssyncadd.s32 $0xFFFFEC00  }
0x43: {  	_ =	swait.ge [sflag:s23], $0x1400  }
0x44: {  	[sflag:s23] =	ssyncset.done $0x0  }
0x45: {  	s7 =	simm.s32 $0x180;
	[sflag:s23] =	ssyncadd.s32 $0xFFFFEC00  }
0x46: {  	[tilespmem:s22], [sflag:$0x2] =	stream.indirect.gather [hbm4b:s3+s18], $0x80, s7, s18, $0xb8;
	[tilespmem:$0xD000] =	vst v63  }
0x47: {  	s8 =	simm.s32 $0x4180  }
0x48: {  	[tilespmem:s24], [sflag:$0x4] =	stream.indirect.gather [hbm4b:s4+s18], $0x80, s8, s18, $0xb8;
	[tilespmem:$0xD000] =	vst v63  }
0x49: {  	_ =	swait.ge [sflag:s25], $0x1400  }
0x4a: {  	[sflag:s25] =	ssyncset.done $0x0  }
0x4b: {  	[sflag:s25] =	ssyncadd.s32 $0xFFFFEC00  }
0x4c: {  	_ =	swait.ge [sflag:s26], $0x1400  }
0x4d: {  	s5 =	sadd.s32 $0x0, s14;
	[sflag:s26] =	ssyncset.done $0x0  }
0x4e: {  	s6 =	sadd.s32 $0x500, s5;
	s7 =	sadd.s32 $0x0, s15;
	[sflag:s26] =	ssyncadd.s32 $0xFFFFEC00  }
0x4f: {  	[hbm4b:s6+s2] =	stream.linear.scatter [tilespmem:s19], [sflag:$0x5], $0x1400, $0x38;
	[tilespmem:$0xD000] =	vst v63  }
0x50: {  	s9 =	sadd.s32 $0x500, s7  }
0x51: {  	[hbm4b:s9+s2] =	stream.linear.scatter [tilespmem:s20], [sflag:$0x7], $0x1400, $0x38;
	[tilespmem:$0xD000] =	vst v63  }
0x52: {  	_ =	swait.ge [sflag:s28], $0x1400  }
0x53: {  	[sflag:s28] =	ssyncset.done $0x0  }
0x54: {  	[sflag:s28] =	ssyncadd.s32 $0xFFFFEC00  }
0x55: {  	_ =	swait.ge [sflag:s29], $0x1400  }
0x56: {  	[sflag:s29] =	ssyncset.done $0x0  }
0x57: {  	s8 =	simm.s32 $0x200;
	[sflag:s29] =	ssyncadd.s32 $0xFFFFEC00  }
0x58: {  	[tilespmem:s19], [sflag:$0x1] =	stream.indirect.gather [hbm4b:s3+s18], $0x80, s8, s18, $0xb8;
	[tilespmem:$0xD000] =	vst v63  }
0x59: {  	s9 =	simm.s32 $0x4200  }
0x5a: {  	[tilespmem:s20], [sflag:$0x3] =	stream.indirect.gather [hbm4b:s4+s18], $0x80, s9, s18, $0xb8;
	[tilespmem:$0xD000] =	vst v63  }
0x5b: {  	_ =	swait.ge [sflag:s0], $0x1400  }
0x5c: {  	[sflag:s0] =	ssyncset.done $0x0  }
0x5d: {  	[sflag:s0] =	ssyncadd.s32 $0xFFFFEC00  }
0x5e: {  	_ =	swait.ge [sflag:s1], $0x1400  }
0x5f: {  	[sflag:s1] =	ssyncset.done $0x0  }
0x60: {  	s31 =	simm.s32 $0x500;
	s5 =	sadd.s32 $0x780, s5;
	[sflag:s1] =	ssyncadd.s32 $0xFFFFEC00  }
0x61: {  	[hbm4b:s5+s2] =	stream.linear.scatter [tilespmem:s22], [sflag:$0x6], $0x1400, $0x38;
	[tilespmem:$0xD000] =	vst v63  }
0x62: {  	s7 =	sadd.s32 $0x780, s7;
	s6 =	simm.s32 $0x4280;
	s5 =	simm.s32 $0x280  }
.LBB2_2:
0x63: {  	[hbm4b:s7+s2] =	stream.linear.scatter [tilespmem:s24], [sflag:$0x8], $0x1400, $0x38;
	[tilespmem:$0xD000] =	vst v63  }
0x64: {  	s7 =	smov.u32 s31  }
0x65: {  	p0 =	sne.s32 s31, $0x12C00;
	s31 =	sadd.s32 $0x500, s31;
	_ =	swait.ge [sflag:s21], $0x1400  }
0x66: {  	[sflag:s21] =	ssyncset.done $0x0  }
0x67: {  	[sflag:s21] =	ssyncadd.s32 $0xFFFFEC00  }
0x68: {  	_ =	swait.ge [sflag:s23], $0x1400  }
0x69: {  	[sflag:s23] =	ssyncset.done $0x0  }
0x6a: {  	[sflag:s23] =	ssyncadd.s32 $0xFFFFEC00  }
0x6b: {  	[tilespmem:s22], [sflag:$0x2] =	stream.indirect.gather [hbm4b:s3+s18], $0x80, s5, s18, $0xb8;
	[tilespmem:$0xD000] =	vst v63  }
0x6c: {  	_ = 	snop  }
0x6d: {  	[tilespmem:s24], [sflag:$0x4] =	stream.indirect.gather [hbm4b:s4+s18], $0x80, s6, s18, $0xb8;
	[tilespmem:$0xD000] =	vst v63  }
0x6e: {  	_ =	swait.ge [sflag:s25], $0x1400  }
0x6f: {  	[sflag:s25] =	ssyncset.done $0x0  }
0x70: {  	[sflag:s25] =	ssyncadd.s32 $0xFFFFEC00  }
0x71: {  	_ =	swait.ge [sflag:s26], $0x1400  }
0x72: {  	s8 =	sadd.s32 s7, s14;
	[sflag:s26] =	ssyncset.done $0x0  }
0x73: {  	s7 =	sadd.s32 s7, s15;
	s9 =	sadd.s32 $0x500, s8;
	[sflag:s26] =	ssyncadd.s32 $0xFFFFEC00  }
0x74: {  	[hbm4b:s9+s2] =	stream.linear.scatter [tilespmem:s19], [sflag:$0x5], $0x1400, $0x38;
	[tilespmem:$0xD000] =	vst v63  }
0x75: {  	s9 =	sadd.s32 $0x500, s7  }
0x76: {  	[hbm4b:s9+s2] =	stream.linear.scatter [tilespmem:s20], [sflag:$0x7], $0x1400, $0x38;
	[tilespmem:$0xD000] =	vst v63  }
0x77: {  	_ =	swait.ge [sflag:s28], $0x1400  }
0x78: {  	[sflag:s28] =	ssyncset.done $0x0  }
0x79: {  	[sflag:s28] =	ssyncadd.s32 $0xFFFFEC00  }
0x7a: {  	_ =	swait.ge [sflag:s29], $0x1400  }
0x7b: {  	[sflag:s29] =	ssyncset.done $0x0  }
0x7c: {  	s9 =	sadd.s32 $0x80, s5;
	[sflag:s29] =	ssyncadd.s32 $0xFFFFEC00  }
0x7d: {  	[tilespmem:s19], [sflag:$0x1] =	stream.indirect.gather [hbm4b:s3+s18], $0x80, s9, s18, $0xb8;
	[tilespmem:$0xD000] =	vst v63  }
0x7e: {  	s9 =	sadd.s32 $0x80, s6  }
0x7f: {  	[tilespmem:s20], [sflag:$0x3] =	stream.indirect.gather [hbm4b:s4+s18], $0x80, s9, s18, $0xb8;
	[tilespmem:$0xD000] =	vst v63  }
0x80: {  	_ =	swait.ge [sflag:s0], $0x1400  }
0x81: {  	[sflag:s0] =	ssyncset.done $0x0  }
0x82: {  	[sflag:s0] =	ssyncadd.s32 $0xFFFFEC00  }
.Ltmp0:
0x83: {  	_ =	swait.ge [sflag:s1], $0x1400;
	(pc) =	sbr.rel @p0 .LBB2_2-.Ltmp0, $4  }
0x84: {  	[sflag:s1] =	ssyncset.done $0x0  }
0x85: {  	s8 =	sadd.s32 $0x780, s8;
	[sflag:s1] =	ssyncadd.s32 $0xFFFFEC00  }
0x86: {  	[hbm4b:s8+s2] =	stream.linear.scatter [tilespmem:s22], [sflag:$0x6], $0x1400, $0x38;
	[tilespmem:$0xD000] =	vst v63  }
0x87: {  	s7 =	sadd.s32 $0x780, s7;
	s5 =	sadd.s32 $0x100, s5;
	s6 =	sadd.s32 $0x100, s6  }
0x88: {  	[hbm4b:s7+s2] =	stream.linear.scatter [tilespmem:s24], [sflag:$0x8], $0x1400, $0x38;
	[tilespmem:$0xD000] =	vst v63  }
0x89: {  	_ =	swait.ge [sflag:s25], $0x1400  }
0x8a: {  	[sflag:s25] =	ssyncset.done $0x0  }
0x8b: {  	[sflag:s25] =	ssyncadd.s32 $0xFFFFEC00  }
0x8c: {  	_ =	swait.ge [sflag:s26], $0x1400  }
0x8d: {  	[sflag:s26] =	ssyncset.done $0x0  }
0x8e: {  	s5 =	rddreg [dreg:$0x4];
	[sflag:s26] =	ssyncadd.s32 $0xFFFFEC00  }
0x8f: {  	[hbm4b:s5+s2] =	stream.linear.scatter [tilespmem:s19], [sflag:$0x5], $0x1400, $0x38;
	[tilespmem:$0xD000] =	vst v63  }
0x90: {  	s9 =	rddreg [dreg:$0x5]  }
0x91: {  	[hbm4b:s9+s2] =	stream.linear.scatter [tilespmem:s20], [sflag:$0x7], $0x1400, $0x38;
	[tilespmem:$0xD000] =	vst v63  }
0x92: {  	_ =	swait.ge [sflag:s28], $0x1400  }
0x93: {  	[sflag:s28] =	ssyncset.done $0x0  }
0x94: {  	[sflag:s28] =	ssyncadd.s32 $0xFFFFEC00  }
0x95: {  	_ =	swait.ge [sflag:s29], $0x1400  }
0x96: {  	[sflag:s29] =	ssyncset.done $0x0  }
0x97: {  	[sflag:s29] =	ssyncadd.s32 $0xFFFFEC00  }
0x98: {  	_ =	swait.ge [sflag:s21], $0x1400  }
0x99: {  	[sflag:s21] =	ssyncset.done $0x0  }
0x9a: {  	[sflag:s21] =	ssyncadd.s32 $0xFFFFEC00  }
0x9b: {  	_ =	swait.ge [sflag:s23], $0x1400  }
0x9c: {  	s30 =	sadd.s32 $0x1, s30;
	s31 =	rddreg [dreg:$0x6]  }
0x9d: {  	p0 =	sne.s32 s30, s31  }
.Ltmp1:
0x9e: {  	_ = 	snop;
	(pc) =	sbr.rel @p0 .LBB2_1-.Ltmp1, $3  }
0x9f: {  	_ =	sdelay $0x1  }
0xa0: {  	[sflag:s23] =	ssyncset.done $0x0  }
0xa1: {  	[sflag:s23] =	ssyncadd.s32 $0xFFFFEC00  }
0xa2: {  	_ =	sfence.sel $0x180000  }
0xa3: {  	[bflag:$0x0] =	sbarrier.arrive $0xFFFF  }
0xa4: {  	_ =	strace $0x90000047  }
0xa5: {  	s0 =	stileid.u32;
	[bflag:$0x2] =	sbarrier.arrive $0xFFFF  }
0xa6: {  	p0 =	sne.s32 s0, $0x0;
	s0 =	rddreg [dreg:$0x1]  }
0xa7: {  	s0 =	sadd.s32 @!p0 $0x100000, s0  }
0xa8: {  	[sflag:s0] =	ssyncadd.tile.s32 @!p0 $0x1;
	_ =	shalt  }
.Lfunc_end2:
_tile_overlayer_lowered:
.L_overlay_start_2:
0xa9: {  	(tag) =	ssettag $0x2  }
0xaa: {  	s0 =	rddreg [dreg:$0x0];
	s2 =	stileid.u32  }
0xab: {  	s1 =	rddreg [dreg:$0x1];
	p0 =	sne.s32 s2, $0x0  }
0xac: {  	s3 =	rddreg [dreg:$0x2];
	[bflag:$0x3] =	sbarrier.arrive $0xFFFF;
	s2 =	simm.s32 @!p0 $0x1C09  }
0xad: {  	[timem:s3], [sflag:s2] =	dma.local @!p0 [hbm:s0], s1  }
0xae: {  	s0 =	simm.s32 @!p0 $0x9  }
0xaf: {  	_ =	swait.ge @!p0 [sflag:s0], s1  }
0xb0: {  	s1 =	ssub.s32 @!p0 $0x0, s1;
	[sflag:s0] =	ssyncset.done @!p0 $0x0  }
0xb1: {  	[sflag:s0] =	ssyncadd.s32 @!p0 s1  }
0xb2: {  	[bflag:$0x3] =	sbarrier.arrive $0xFFFF  }
0xb3: {  	_ =	shalt  }

// kernel: kernel.19.cloned.1.call-start
scs
__scs_entry_jumppad:
0x0: {  	(pc) =	sbr.rel $0x88, $3  }
0x1: {  	(tag) =	ssettag $0x0;
	lr =	simm.s32 $0x1  }
0x2: {  	[smem:$0x3F89] =	sst lr;
	_ =	strace $0xD0000000  }
0x3: {  	_ = 	snop  }
0x4: {  	_ = 	snop  }
0x5: {  	_ = 	snop  }
0x6: {  	_ = 	snop  }
0x7: {  	_ = 	snop  }
__scs_overlays_trampoline_lowered:
0x8: {  	[smem:$0x3F98] =	sst s0  }
0x9: {  	[smem:$0x3F99] =	sst s1  }
0xa: {  	[smem:$0x3F9A] =	sst s2  }
0xb: {  	[smem:$0x3F9B] =	sst s3  }
0xc: {  	[smem:$0x3F9C] =	sst s4  }
0xd: {  	[smem:$0x3F9D] =	sst s5  }
0xe: {  	[smem:$0x3F9E] =	sst s6  }
0xf: {  	[smem:$0x3F9F] =	sst s7  }
0x10: {  	[smem:$0x3FA0] =	sst s8  }
0x11: {  	[smem:$0x3FA1] =	sst s9;
	s0 =	simm.s32 @!p0 $0x0  }
0x12: {  	s1 =	sld [smem:$0x3F87];
	s0 =	simm.s32 @p0 $0x1  }
0x13: {  	[smem:$0x3FA2] =	sst s0;
	s0 =	simm.s32 @!p1 $0x0  }
0x14: {  	s2 =	sld [smem:$0x3F86];
	s0 =	simm.s32 @p1 $0x1  }
0x15: {  	[smem:$0x3FA3] =	sst s0;
	s0 =	simm.s32 @!p2 $0x0  }
0x16: {  	s3 =	sld [smem:$0x3FDB];
	s0 =	simm.s32 @p2 $0x1  }
0x17: {  	s4 =	simm.s32 $0x1BF5;
	[smem:$0x3FA5] =	sst s0  }
0x18: {  	s0 =	sld [smem:$0x3F88];
	_ =	swait.ge [sflag:s4], $0x0  }
0x19: {  	s7 =	sld [smem:$0x3F89]  }
0x1a: {  	s8 =	sadd.s32 $0xFFFFE003, lr  }
0x1b: {  	s9 =	sadd.s32 $0xFFFFFEF7, lr;
	s5 =	simm.s32 $0xFFFFFFFF;
	p2 =	slt.u32 s8, $0xFFFFF086  }
0x1c: {  	p1 =	slt.u32 s9, $0xF7A;
	s5 =	simm.s32 @!p2 $0x0  }
0x1d: {  	s5 =	simm.s32 @p1 $0x1;
	p0 =	seq.s32 s7, s2  }
0x1e: {  	s7 =	smul.u32 @!p0 $0xF7A, s2;
	p2 =	seq.s32 @!p0 s5, $0x0  }
0x1f: {  	s9 =	smul.u32 $0xF7A, s1;
	s8 =	simm.s32 @!p0 $0x1BF5;
	p2 =	por !p2, p0  }
0x20: {  	[sflag:s8] =	ssyncset.s32 @!p0 $0xFFFFF086;
	s6 =	sadd.s32 @!p0 s3, s7;
	s7 =	simm.s32 @!p0 $0x108  }
0x21: {  	s3 =	sadd.s32 s3, s9;
	s6 =	sadd.s32 @!p0 $0x88, s6;
	s7 =	simm.s32 @p2 $0x1082  }
0x22: {  	[simem:s7], [sflag:s8] =	dma.local @!p0 [hbm:s6], $0xF7A  }
0x23: {  	s9 =	sor.u32 $0xD0000000, s2;
	s6 =	simm.s32 $0x108;
	_ =	swait.ge @!p0 [sflag:s8], $0x0  }
0x24: {  	s3 =	sadd.s32 $0x88, s3;
	s6 =	simm.s32 @!p1 $0x1082;
	[sflag:s4] =	ssyncset.s32 $0xFFFFF086  }
0x25: {  	[simem:s6], [sflag:s4] =	dma.local [hbm:s3], $0xF7A  }
0x26: {  	[smem:$0x3F89] =	sst s1;
	(tag) =	ssettag s2;
	_ =	strace s9  }
0x27: {  	s1 =	sld [smem:$0x3F99]  }
0x28: {  	s2 =	sld [smem:$0x3F9A]  }
0x29: {  	s4 =	sld [smem:$0x3F9C]  }
0x2a: {  	p0 =	seq.s32 s5, $0x0;
	s5 =	sld [smem:$0x3F9D]  }
0x2b: {  	s6 =	sld [smem:$0x3F9E]  }
0x2c: {  	s7 =	sld [smem:$0x3F9F]  }
0x2d: {  	s3 =	simm.s32 $0x108;
	s8 =	sld [smem:$0x3FA0]  }
0x2e: {  	s3 =	simm.s32 @!p0 $0x1082;
	s9 =	sld [smem:$0x3FA1]  }
0x2f: {  	lr =	sadd.s32 s0, s3;
	s0 =	sld [smem:$0x3F98]  }
0x30: {  	s3 =	sld [smem:$0x3F9B]  }
0x31: {  	[smem:$0x3FA4] =	sst s10  }
0x32: {  	s10 =	sld [smem:$0x3FA2];
	_ =	sdelay $0x3  }
0x33: {  	p0 =	seq.s32 s10, $0x1;
	s10 =	sld [smem:$0x3FA4];
	_ =	sdelay $0x3  }
0x34: {  	[smem:$0x3FA4] =	sst s10  }
0x35: {  	s10 =	sld [smem:$0x3FA3];
	_ =	sdelay $0x3  }
0x36: {  	p1 =	seq.s32 s10, $0x1;
	s10 =	sld [smem:$0x3FA4];
	_ =	sdelay $0x3  }
0x37: {  	[smem:$0x3FA4] =	sst s10  }
0x38: {  	s10 =	sld [smem:$0x3FA5]  }
0x39: {  	_ = 	snop;
	(pc) =	sbr.ind lr, $3  }
0x3a: {  	_ = 	snop  }
0x3b: {  	_ = 	snop  }
0x3c: {  	p2 =	seq.s32 s10, $0x1;
	s10 =	sld [smem:$0x3FA4]  }
0x3d: {  	_ =	shalt  }
0x3e: {  	_ =	shalt  }
0x3f: {  	_ =	shalt  }
0x40: {  	_ =	shalt  }
0x41: {  	_ =	shalt  }
0x42: {  	_ =	shalt  }
0x43: {  	_ =	shalt  }
0x44: {  	_ =	shalt  }
0x45: {  	_ =	shalt  }
0x46: {  	_ =	shalt  }
0x47: {  	_ =	shalt  }
0x48: {  	_ =	shalt  }
0x49: {  	_ =	shalt  }
0x4a: {  	_ =	shalt  }
0x4b: {  	_ =	shalt  }
0x4c: {  	_ =	shalt  }
0x4d: {  	_ =	shalt  }
0x4e: {  	_ =	shalt  }
0x4f: {  	_ =	shalt  }
0x50: {  	_ =	shalt  }
0x51: {  	_ =	shalt  }
0x52: {  	_ =	shalt  }
0x53: {  	_ =	shalt  }
0x54: {  	_ =	shalt  }
0x55: {  	_ =	shalt  }
0x56: {  	_ =	shalt  }
0x57: {  	_ =	shalt  }
0x58: {  	_ =	shalt  }
0x59: {  	_ =	shalt  }
0x5a: {  	_ =	shalt  }
0x5b: {  	_ =	shalt  }
0x5c: {  	_ =	shalt  }
0x5d: {  	_ =	shalt  }
0x5e: {  	_ =	shalt  }
0x5f: {  	_ =	shalt  }
0x60: {  	_ =	shalt  }
0x61: {  	_ =	shalt  }
0x62: {  	_ =	shalt  }
0x63: {  	_ =	shalt  }
0x64: {  	_ =	shalt  }
0x65: {  	_ =	shalt  }
0x66: {  	_ =	shalt  }
0x67: {  	_ =	shalt  }
0x68: {  	_ =	shalt  }
0x69: {  	_ =	shalt  }
0x6a: {  	_ =	shalt  }
0x6b: {  	_ =	shalt  }
0x6c: {  	_ =	shalt  }
0x6d: {  	_ =	shalt  }
0x6e: {  	_ =	shalt  }
0x6f: {  	_ =	shalt  }
0x70: {  	_ =	shalt  }
0x71: {  	_ =	shalt  }
0x72: {  	_ =	shalt  }
0x73: {  	_ =	shalt  }
0x74: {  	_ =	shalt  }
0x75: {  	_ =	shalt  }
0x76: {  	_ =	shalt  }
0x77: {  	_ =	shalt  }
0x78: {  	_ =	shalt  }
0x79: {  	_ =	shalt  }
0x7a: {  	_ =	shalt  }
0x7b: {  	_ =	shalt  }
0x7c: {  	_ =	shalt  }
0x7d: {  	_ =	shalt  }
0x7e: {  	_ =	shalt  }
0x7f: {  	_ =	shalt  }
0x80: {  	_ =	shalt  }
0x81: {  	_ =	shalt  }
0x82: {  	_ =	shalt  }
0x83: {  	_ =	shalt  }
0x84: {  	_ =	shalt  }
0x85: {  	_ =	shalt  }
0x86: {  	_ =	shalt  }
0x87: {  	_ =	shalt  }
.Lfunc_end0:
.L_simem_size_0:
called_computation.3_lowered:
.L_overlay_start_0:
0x88: {  	s2 =	sld [smem:$0x3FD9]  }
0x89: {  	s3 =	sld [smem:$0x3FFE];
	_ =	sdelay $0x1  }
0x8a: {  	s1 =	srdreg.scid  }
0x8b: {  	s0 =	sand.u32 $0x1, s1  }
0x8c: {  	s17 =	sshll.u32 s0, $0xA;
	s2 =	sadd.s32 s3, s2  }
0x8d: {  	s2 =	sadd.s32 s2, s17  }
0x8e: {  	[smem:$0x3FB0] =	sst s2  }
0x8f: {  	_ = 	snop  }
0x90: {  	(tm) =	ssettm $0x1  }
0x91: {  	s18 =	sld [smem:$0x3FFB];
	_ =	sdelay $0x3  }
0x92: {  	_ =	strace s18  }
0x93: {  	s2 =	sld [smem:$0x3FFC];
	_ =	sdelay $0x3  }
0x94: {  	_ =	strace s2  }
0x95: {  	s2 =	sld [smem:$0x3FFD];
	_ =	sdelay $0x3  }
0x96: {  	_ =	strace s2  }
0x97: {  	_ =	strace $0x8FFFFFFF  }
0x98: {  	s19 =	sld [smem:$0x3FDB];
	_ =	sdelay $0x1  }
0x99: {  	s20 =	simm.s32 $_scs_section_size  }
0x9a: {  	s4 =	simm.s32 $_size__tile_overlayer_lowered;
	s5 =	simm.s32 $_tile_overlayer_lowered  }
0x9b: {  	s6 =	simm.s32 $0x1BFF;
	s21 =	sshll.u32 s5, $0x1;
	s3 =	sadd.s32 s20, s19  }
0x9c: {  	s22 =	simm.s32 $0x0;
	s4 =	sshll.u32 s4, $0x1;
	s5 =	sadd.s32 s21, s3  }
0x9d: {  	[timem:s22], [sflag:s6] =	dma.local [hbm:s5], s4  }
0x9e: {  	_ =	swait.ge [sflag:s6], s4  }
0x9f: {  	s4 =	ssub.s32 $0x0, s4;
	[sflag:s6] =	ssyncset.done $0x0  }
0xa0: {  	[sflag:s6] =	ssyncadd.s32 s4;
	_ =	sdelay $0x1  }
0xa1: {  	s23 =	simm.s32 $0x1B8B  }
0xa2: {  	_ =	swait.ge [sflag:s23], $0x1  }
0xa3: {  	[sflag:s23] =	ssyncset.done $0x0  }
0xa4: {  	[sflag:s23] =	ssyncadd.s32 $0xFFFFFFFF  }
0xa5: {  	s4 =	sld [smem:$0x0]  }
0xa6: {  	s5 =	sand.u32 $0xFFFFFFFE, s1  }
0xa7: {  	p0 =	sne.s32 s1, s5  }
0xa8: {  	s5 =	sshll.u32 @p0 s5, $0xE  }
0xa9: {  	s5 =	sadd.s32 @p0 $0x11B8D, s5;
	s6 =	sshll.u32 @p0 s4, $0x11  }
0xaa: {  	s5 =	sor.u32 @p0 s6, s5  }
0xab: {  	[sflag:s5] =	ssyncadd.remote.s32 @p0 $0x1;
	_ =	sdelay $0x1  }
0xac: {  	s5 =	simm.s32 @p0 $0x1B8D  }
0xad: {  	_ =	swait.eq @p0 [sflag:s5], $0x1  }
0xae: {  	[sflag:s5] =	ssyncadd.s32 @p0 $0xFFFFFFFF  }
0xaf: {  	s6 =	sshll.u32 @!p0 s1, $0xE  }
0xb0: {  	s6 =	sor.u32 @!p0 $0x4000, s6;
	s5 =	simm.s32 @!p0 $0x1B8D  }
0xb1: {  	s4 =	sshll.u32 @!p0 s4, $0x11;
	s6 =	sadd.s32 @!p0 $0x11B8D, s6;
	_ =	swait.eq @!p0 [sflag:s5], $0x1  }
0xb2: {  	s4 =	sor.u32 @!p0 s4, s6;
	[sflag:s5] =	ssyncadd.s32 @!p0 $0xFFFFFFFF  }
0xb3: {  	s25 =	simm.s32 $0x1B8E;
	s24 =	sld [smem:$0x3FFE];
	[sflag:s4] =	ssyncadd.remote.s32 @!p0 $0x1  }
0xb4: {  	s26 =	simm.s32 $execute0_lowered;
	[smem:$0x3FD2] =	sst s25  }
0xb5: {  	s5 =	sshll.u32 s26, $0x1;
	_ =	strace $0x8000004C;
	[dreg:$0x1] =	wrdreg $0xFFFFFFFF  }
0xb6: {  	s28 =	simm.s32 $_size_execute0_lowered;
	s3 =	sadd.s32 s3, s5;
	[dreg:$0x0] =	wrdreg $0x0  }
0xb7: {  	s5 =	sshll.u32 s28, $0x1;
	[dreg:$0x2] =	wrdreg s3  }
0xb8: {  	[dreg:$0x3] =	wrdreg s5  }
0xb9: {  	[dreg:$0x4] =	wrdreg $0xC0  }
0xba: {  	_ =	task [dreg:s22], $0x5FFFF  }
0xbb: {  	[dreg:$0x1] =	wrdreg $0xFFFFFFFF  }
0xbc: {  	[dreg:$0x0] =	wrdreg $0x60  }
0xbd: {  	[dreg:$0x2] =	wrdreg s24  }
0xbe: {  	[dreg:$0x3] =	wrdreg $0x0  }
0xbf: {  	[dreg:$0x4] =	wrdreg $0xA  }
0xc0: {  	_ =	task.clear_ibuf [dreg:s22], $0x5FFFF;
	_ =	strace $0x9000004C  }
0xc1: {  	s29 =	simm.s32 $0xA;
	_ =	strace $0x8000004E  }
0xc2: {  	_ =	swait.ge [sflag:s29], $0x1  }
0xc3: {  	[sflag:s29] =	ssyncadd.s32 $0xFFFFFFFF  }
0xc4: {  	_ =	strace $0x9000004E  }
0xc5: {  	_ =	sfence  }
0xc6: {  	s30 =	sld [smem:$0x0];
	_ =	sdelay $0x2  }
0xc7: {  	s31 =	sshll.u32 s1, $0xD;
	s1 =	sshrl.u32 s1, $0x2  }
0xc8: {  	s4 =	sand.u32 $0x4000, s31;
	s1 =	sadd.s32 s1, s30  }
0xc9: {  	s0 =	sor.u32 s4, s0;
	s1 =	sshll.u32 s1, $0x11  }
0xca: {  	s0 =	sor.u32 s1, s0  }
0xcb: {  	s0 =	sadd.s32 $0x8F2B, s0  }
0xcc: {  	[sflag:s0] =	ssyncadd.remote.s32 $0x1  }
0xcd: {  	_ =	sfence.sel $0xFFFF  }
0xce: {  	[dreg:$0x0] =	wrdreg $0xFFFFFFFF;
	(pc) =	sbr.abs _section_cstart, $3  }
0xcf: {  	[dreg:$0x1] =	wrdreg $0xFFFFFFFF  }
0xd0: {  	_ =	task.clear_ibuf [dreg:s22], $0x2FFFF;
	_ =	strace $0x9FFFFFFF  }
0xd1: {  	(tm) =	ssettm $0x7FFFFFFF  }
tec
execute0_lowered:
.L_overlay_start_1:
0x0: {  	(tag) =	ssettag $0x1  }
0x1: {  	s4 =	rddreg [dreg:$0x0]  }
0x2: {  	s2 =	rddreg [dreg:$0x1]  }
0x3: {  	s0 =	rddreg [dreg:$0x2];
	s5 =	srdreg.scid  }
0x4: {  	s1 =	stileid.u32;
	s3 =	simm.s32 $0x0;
	s14 =	simm.s32 $0x17880  }
0x5: {  	s15 =	simm.s32 $0x5;
	s16 =	simm.s32 $0x13880;
	s17 =	simm.s32 $0x18C80  }
0x6: {  	s18 =	simm.s32 $0x1;
	s19 =	simm.s32 $0x28;
	s20 =	simm.s32 $0x3  }
0x7: {  	s21 =	simm.s32 $0x2;
	s22 =	simm.s32 $0x13900;
	s23 =	simm.s32 $0x4  }
0x8: {  	s24 =	simm.s32 $0x17680;
	s25 =	simm.s32 $0x0;
	s8 =	sand.u32 $0x1, s5  }
0x9: {  	s28 =	sshll.u32 s1, $0x1;
	[smem:$0x7FF] =	sst s3;
	s12 =	smul.u32 $0x5000, s1  }
0xa: {  	s10 =	sadd.s32 $0xA58C00, s4;
	s30 =	ssub.s32 $0x109, s1;
	s13 =	smul.u32 $0x27100, s1  }
0xb: {  	s5 =	sor.u32 s8, s28;
	_ =	strace $0x8000004D;
	s7 =	smul.u32 $0x27100, s8  }
0xc: {  	s9 =	ssub.s32 $0x2, s8;
	s31 =	smul.u32 $0x13880, s8;
	s6 =	sshll.u32 s5, $0xB  }
0xd: {  	s29 =	sshrl.u32 s9, $0x1;
	s11 =	smul.u32 $0x13880, s5;
	s13 =	sadd.s32 s13, s10  }
0xe: {  	s12 =	sshrl.u32 s12, $0x2;
	s6 =	sadd.s32 s6, s4;
	s7 =	sadd.s32 s7, s4  }
0xf: {  	s9 =	ssub.s32 s9, s29;
	s4 =	sshrl.u32 s30, $0x4;
	s13 =	sadd.s32 s31, s13  }
0x10: {  	s5 =	sadd.s32 $0x2DA00, s6;
	s6 =	sadd.s32 s10, s11;
	s7 =	sadd.s32 $0x74C00, s7  }
0x11: {  	s8 =	smax.u32 s9, $0x1;
	s11 =	sadd.s32 s12, s2;
	s12 =	sadd.s32 $0x780, s13  }
0x12: {  	v0 =	vimm.f32 $0.0e+00;
	s13 =	smul.u32 $0x280, s1;
	s9 =	sadd.s32 $0x280, s6;
	s10 =	sadd.s32 $0x500, s6  }
.LBB2_1:
0x13: {  	s26 =	sand.u32 $0x7E00, s3  }
0x14: {  	s28 =	sand.u32 $0x70, s3;
	s29 =	sshrl.u32 s26, $0x2  }
0x15: {  	s26 =	simm.s32 $0x40;
	s29 =	sor.u32 s28, s29;
	s28 =	simm.s32 $0x0  }
.LBB2_2:
0x16: {  	p0 =	sne.s32 s26, $0x4FC0  }
0x17: {  	[tilespmem:s29+$0x17880] =	vst v0;
	s28 =	sadd.s32 $0x10, s28;
	s29 =	smov.u32 s26;
	s26 =	sadd.s32 $0x40, s26  }
.Ltmp0:
0x18: {  	(pc) =	sbr.rel @p0 .LBB2_2-.Ltmp0, $4  }
0x19: {  	_ = 	snop  }
0x1a: {  	s29 =	sand.u32 $0x7E00, s29  }
0x1b: {  	s30 =	sand.u32 $0x70, s28;
	s29 =	sshrl.u32 s29, $0x2  }
0x1c: {  	s29 =	sor.u32 s30, s29  }
0x1d: {  	p0 =	sne.s32 s4, $0x1  }
.Ltmp1:
0x1e: {  	_ = 	snop;
	(pc) =	sbr.rel @!p0 .LBB2_5-.Ltmp1, $4  }
0x1f: {  	[tilespmem:s29+$0x17880] =	vst v0  }
0x20: {  	[spmem:s11] =	stream.linear.scatter [tilespmem:s14], [sflag:$0x5], $0x1400, $0x38;
	[tilespmem:$0x1A080] =	vst v63  }
0x21: {  	_ =	swait.ge [sflag:s15], $0x1400  }
0x22: {  	s26 =	sadd.s32 $0xFFFFFFFF, s4;
	s28 =	smov.u32 s11;
	[sflag:s15] =	ssyncset.done $0x0  }
.LBB2_4:
0x23: {  	p1 =	sne.s32 s26, $0x1;
	[sflag:s15] =	ssyncadd.s32 $0xFFFFEC00;
	s28 =	sadd.s32 $0x14000, s28  }
.Ltmp2:
0x24: {  	s26 =	sadd.s32 $0xFFFFFFFF, s26;
	(pc) =	sbr.rel @p1 .LBB2_4-.Ltmp2, $4  }
0x25: {  	_ = 	snop  }
0x26: {  	[spmem:s28] =	stream.linear.scatter [tilespmem:s14], [sflag:$0x5], $0x1400, $0x38;
	[tilespmem:$0x1A080] =	vst v63  }
0x27: {  	_ =	swait.ge [sflag:s15], $0x1400  }
0x28: {  	[sflag:s15] =	ssyncset.done $0x0  }
.LBB2_5:
0x29: {  	[sflag:s15] =	ssyncadd.s32 $0xFFFFEC00  }
0x2a: {  	s26 =	simm.s32 $0x0;
	[bflag:$0x0] =	sbarrier.arrive $0xFFFF  }
0x2b: {  	[tilespmem:s16], [sflag:$0x5] =	stream.linear.gather [hbm4b:s5+s26], $0x3E80, $0x38;
	[tilespmem:$0x1A080] =	vst v63  }
0x2c: {  	_ =	swait.ge [sflag:s15], $0x3E80  }
0x2d: {  	[sflag:s15] =	ssyncset.done $0x0  }
0x2e: {  	[sflag:s15] =	ssyncadd.s32 $0xFFFFC180  }
0x2f: {  	[tilespmem:s14], [sflag:$0x1] =	stream.linear.gather [hbm4b:s6+s26], $0x1400, $0x38;
	[tilespmem:$0x1A080] =	vst v63  }
0x30: {  	_ = 	snop  }
0x31: {  	[tilespmem:s17], [sflag:$0x2] =	stream.linear.gather [hbm4b:s9+s26], $0x1400, $0x38;
	[tilespmem:$0x1A080] =	vst v63  }
0x32: {  	_ =	swait.ge [sflag:s18], $0x1400  }
0x33: {  	[sflag:s18] =	ssyncset.done $0x0  }
0x34: {  	[sflag:s18] =	ssyncadd.s32 $0xFFFFEC00  }
0x35: {  	[spmem:s2] =	stream.indirect.scatter.add.f32 [tilespmem:s14], [sflag:$0x3], $0x80, s16, s19, $0xb8;
	[tilespmem:$0x1A080] =	vst v63  }
0x36: {  	_ =	swait.ge [sflag:s20], $0x1400  }
0x37: {  	[sflag:s20] =	ssyncset.done $0x0  }
0x38: {  	[sflag:s20] =	ssyncadd.s32 $0xFFFFEC00  }
0x39: {  	[tilespmem:s14], [sflag:$0x1] =	stream.linear.gather [hbm4b:s10+s26], $0x1400, $0x38;
	[tilespmem:$0x1A080] =	vst v63  }
0x3a: {  	_ =	swait.ge [sflag:s21], $0x1400  }
0x3b: {  	[sflag:s21] =	ssyncset.done $0x0  }
0x3c: {  	[sflag:s21] =	ssyncadd.s32 $0xFFFFEC00  }
0x3d: {  	[spmem:s2] =	stream.indirect.scatter.add.f32 [tilespmem:s17], [sflag:$0x4], $0x80, s22, s19, $0xb8;
	[tilespmem:$0x1A080] =	vst v63  }
0x3e: {  	_ =	swait.ge [sflag:s23], $0x1400  }
0x3f: {  	[sflag:s23] =	ssyncset.done $0x0  }
0x40: {  	[sflag:s23] =	ssyncadd.s32 $0xFFFFEC00  }
0x41: {  	[tilespmem:s17], [sflag:$0x2] =	stream.linear.gather [hbm4b:s12+s3], $0x1400, $0x38;
	[tilespmem:$0x1A080] =	vst v63  }
0x42: {  	_ =	swait.ge [sflag:s18], $0x1400  }
0x43: {  	[sflag:s18] =	ssyncset.done $0x0  }
0x44: {  	s30 =	simm.s32 $0x13980;
	[sflag:s18] =	ssyncadd.s32 $0xFFFFEC00  }
0x45: {  	[spmem:s2] =	stream.indirect.scatter.add.f32 [tilespmem:s14], [sflag:$0x3], $0x80, s30, s19, $0xb8;
	[tilespmem:$0x1A080] =	vst v63  }
0x46: {  	_ =	swait.ge [sflag:s20], $0x1400  }
0x47: {  	[sflag:s20] =	ssyncset.done $0x0  }
0x48: {  	s31 =	sadd.s32 $0x280, s12;
	[sflag:s20] =	ssyncadd.s32 $0xFFFFEC00  }
0x49: {  	[tilespmem:s14], [sflag:$0x1] =	stream.linear.gather [hbm4b:s31+s3], $0x1400, $0x38;
	[tilespmem:$0x1A080] =	vst v63  }
0x4a: {  	_ =	swait.ge [sflag:s21], $0x1400  }
0x4b: {  	s29 =	simm.s32 $0x13A00;
	[sflag:s21] =	ssyncset.done $0x0  }
0x4c: {  	s28 =	sadd.s32 $0x500, s12;
	s26 =	simm.s32 $0x400;
	[sflag:s21] =	ssyncadd.s32 $0xFFFFEC00  }
.LBB2_6:
0x4d: {  	[spmem:s2] =	stream.indirect.scatter.add.f32 [tilespmem:s17], [sflag:$0x4], $0x80, s29, s19, $0xb8;
	[tilespmem:$0x1A080] =	vst v63  }
0x4e: {  	s29 =	smov.u32 s26  }
0x4f: {  	p1 =	sne.s32 s26, $0xF000;
	s26 =	sadd.s32 $0x400, s26;
	_ =	swait.ge [sflag:s23], $0x1400  }
0x50: {  	[sflag:s23] =	ssyncset.done $0x0  }
0x51: {  	[sflag:s23] =	ssyncadd.s32 $0xFFFFEC00  }
0x52: {  	[tilespmem:s17], [sflag:$0x2] =	stream.linear.gather [hbm4b:s28+s3], $0x1400, $0x38;
	[tilespmem:$0x1A080] =	vst v63  }
0x53: {  	_ =	swait.ge [sflag:s18], $0x1400  }
0x54: {  	s29 =	sshra.s32 s29, $0x2;
	[sflag:s18] =	ssyncset.done $0x0  }
0x55: {  	s30 =	sadd.s32 $0x13980, s29;
	[sflag:s18] =	ssyncadd.s32 $0xFFFFEC00  }
0x56: {  	[spmem:s2] =	stream.indirect.scatter.add.f32 [tilespmem:s14], [sflag:$0x3], $0x80, s30, s19, $0xb8;
	[tilespmem:$0x1A080] =	vst v63  }
0x57: {  	_ =	swait.ge [sflag:s20], $0x1400  }
0x58: {  	[sflag:s20] =	ssyncset.done $0x0  }
.Ltmp3:
0x59: {  	s30 =	sadd.s32 $0x280, s28;
	[sflag:s20] =	ssyncadd.s32 $0xFFFFEC00;
	(pc) =	sbr.rel @p1 .LBB2_6-.Ltmp3, $4  }
0x5a: {  	[tilespmem:s14], [sflag:$0x1] =	stream.linear.gather [hbm4b:s30+s3], $0x1400, $0x38;
	[tilespmem:$0x1A080] =	vst v63  }
0x5b: {  	_ =	swait.ge [sflag:s21], $0x1400  }
0x5c: {  	[sflag:s21] =	ssyncset.done $0x0  }
0x5d: {  	s29 =	sadd.s32 $0x13A00, s29;
	s28 =	sadd.s32 $0x500, s28;
	[sflag:s21] =	ssyncadd.s32 $0xFFFFEC00  }
0x5e: {  	[spmem:s2] =	stream.indirect.scatter.add.f32 [tilespmem:s17], [sflag:$0x4], $0x80, s29, s19, $0xb8;
	[tilespmem:$0x1A080] =	vst v63  }
0x5f: {  	_ =	swait.ge [sflag:s18], $0x1400  }
0x60: {  	[sflag:s18] =	ssyncset.done $0x0  }
0x61: {  	[sflag:s18] =	ssyncadd.s32 $0xFFFFEC00  }
0x62: {  	[spmem:s2] =	stream.indirect.scatter.add.f32 [tilespmem:s14], [sflag:$0x3], $0x80, s24, s19, $0xb8;
	[tilespmem:$0x1A080] =	vst v63  }
0x63: {  	_ =	swait.ge [sflag:s20], $0x1400  }
0x64: {  	[sflag:s20] =	ssyncset.done $0x0  }
0x65: {  	[sflag:s20] =	ssyncadd.s32 $0xFFFFEC00  }
0x66: {  	_ =	swait.ge [sflag:s23], $0x1400  }
0x67: {  	[sflag:s23] =	ssyncset.done $0x0  }
0x68: {  	[sflag:s23] =	ssyncadd.s32 $0xFFFFEC00  }
0x69: {  	[bflag:$0x0] =	sbarrier.arrive $0xFFFF  }
0x6a: {  	[tilespmem:s14], [sflag:$0x5] =	stream.linear.gather [spmem:s11], $0x1400, $0x38;
	[tilespmem:$0x1A080] =	vst v63  }
0x6b: {  	_ =	swait.ge [sflag:s15], $0x1400  }
.Ltmp4:
0x6c: {  	[sflag:s15] =	ssyncset.done $0x0;
	(pc) =	sbr.rel @!p0 .LBB2_9-.Ltmp4, $4  }
0x6d: {  	s26 =	sadd.s32 s13, s7;
	[sflag:s15] =	ssyncadd.s32 $0xFFFFEC00  }
0x6e: {  	[hbm4b:s26+s3] =	stream.linear.scatter [tilespmem:s14], [sflag:$0x5], $0x1400, $0x38;
	[tilespmem:$0x1A080] =	vst v63  }
0x6f: {  	s28 =	smov.u32 s13;
	_ =	swait.ge [sflag:s15], $0x1400  }
0x70: {  	s29 =	smov.u32 s11;
	s26 =	sadd.s32 $0xFFFFFFFF, s4;
	[sflag:s15] =	ssyncset.done $0x0  }
.LBB2_8:
0x71: {  	[sflag:s15] =	ssyncadd.s32 $0xFFFFEC00;
	s28 =	sadd.s32 $0x2800, s28;
	s29 =	sadd.s32 $0x14000, s29  }
0x72: {  	[tilespmem:s14], [sflag:$0x5] =	stream.linear.gather [spmem:s29], $0x1400, $0x38;
	[tilespmem:$0x1A080] =	vst v63  }
0x73: {  	p0 =	sne.s32 s26, $0x1;
	s26 =	sadd.s32 $0xFFFFFFFF, s26;
	_ =	swait.ge [sflag:s15], $0x1400  }
.Ltmp5:
0x74: {  	[sflag:s15] =	ssyncset.done $0x0;
	(pc) =	sbr.rel @p0 .LBB2_8-.Ltmp5, $4  }
0x75: {  	s30 =	sadd.s32 s28, s7;
	[sflag:s15] =	ssyncadd.s32 $0xFFFFEC00  }
0x76: {  	[hbm4b:s30+s3] =	stream.linear.scatter [tilespmem:s14], [sflag:$0x5], $0x1400, $0x38;
	[tilespmem:$0x1A080] =	vst v63  }
0x77: {  	_ =	swait.ge [sflag:s15], $0x1400  }
0x78: {  	[sflag:s15] =	ssyncset.done $0x0  }
.LBB2_9:
0x79: {  	s25 =	sadd.s32 $0x1, s25  }
0x7a: {  	p0 =	sne.s32 s25, s8  }
.Ltmp6:
0x7b: {  	_ = 	snop;
	(pc) =	sbr.rel @p0 .LBB2_1-.Ltmp6, $2  }
0x7c: {  	_ =	sdelay $0x2  }
0x7d: {  	[sflag:s15] =	ssyncadd.s32 $0xFFFFEC00  }
0x7e: {  	_ =	sfence.sel $0x180000  }
0x7f: {  	[bflag:$0x0] =	sbarrier.arrive $0xFFFF  }
0x80: {  	p0 =	sne.s32 s1, $0x0;
	_ =	strace $0x9000004D  }
0x81: {  	s0 =	sadd.s32 @!p0 $0x100000, s0;
	[bflag:$0x2] =	sbarrier.arrive $0xFFFF  }
0x82: {  	[sflag:s0] =	ssyncadd.tile.s32 @!p0 $0x1;
	_ =	shalt  }
.Lfunc_end2:
_tile_overlayer_lowered:
.L_overlay_start_2:
0x83: {  	(tag) =	ssettag $0x2  }
0x84: {  	s0 =	rddreg [dreg:$0x0];
	s2 =	stileid.u32  }
0x85: {  	s1 =	rddreg [dreg:$0x1];
	p0 =	sne.s32 s2, $0x0  }
0x86: {  	s3 =	rddreg [dreg:$0x2];
	[bflag:$0x3] =	sbarrier.arrive $0xFFFF;
	s2 =	simm.s32 @!p0 $0x1C05  }
0x87: {  	[timem:s3], [sflag:s2] =	dma.local @!p0 [hbm:s0], s1  }
0x88: {  	s0 =	simm.s32 @!p0 $0x5  }
0x89: {  	_ =	swait.ge @!p0 [sflag:s0], s1  }
0x8a: {  	s1 =	ssub.s32 @!p0 $0x0, s1;
	[sflag:s0] =	ssyncset.done @!p0 $0x0  }
0x8b: {  	[sflag:s0] =	ssyncadd.s32 @!p0 s1  }
0x8c: {  	[bflag:$0x3] =	sbarrier.arrive $0xFFFF  }
0x8d: {  	_ =	shalt  }

</sc_bundles>
